<compile_context>
chip_gen: v7x
topology: tpu7x:2x2x1
jax: 0.10.2.dev20260603
libtpu: 0.0.44.dev20260713+nightly
codegen_flags: <defaults>
</compile_context>

<pallas_src>
import functools

import jax
import jax.numpy as jnp
import numpy as np
from jax.experimental import pallas as pl
from jax.experimental.pallas import tpu as pltpu
from jax.experimental.pallas import tpu_sc as plsc

N = 10000
D = 128
E = 320000

NC = 2
NS = 16
NW = NC * NS
L = 16

CHUNK = 128
NBUF = 2
OFF = NBUF // 2
NSTAGE = 2
NCHT = NSTAGE * NBUF * NW * -(-E // (CHUNK * NSTAGE * NBUF * NW))
CPT = NCHT // NW
SCH = CPT // NSTAGE
EPAD = NCHT * CHUNK
NPAD = -(-N // (NS * 128)) * (NS * 128)
NPT = NPAD // NS
DEG_G = 8

_k = np.arange(EPAD - E, dtype=np.int32)
_PAD_EDGES = np.stack([_k % N, N + _k % (NPAD - N)]).astype(np.int32)

_mesh = functools.partial(
    plsc.VectorSubcoreMesh,
    core_axis_name="c",
    subcore_axis_name="s",
    num_cores=NC,
    num_subcores=NS,
)


def _deg_body(eic, deg_out, cidx_all, onesbuf, zbuf, sh_deg, sem):
    cid = jax.lax.axis_index("c")
    sid = jax.lax.axis_index("s")
    wid = sid * NC + cid

    @pl.loop(0, CHUNK // L)
    def _(i):
        onesbuf[pl.ds(i * L, L)] = jnp.ones((L,), jnp.float32)

    @pl.loop(0, NPT // L)
    def _(i):
        zbuf[pl.ds(i * L, L)] = jnp.zeros((L,), jnp.float32)

    pltpu.sync_copy(zbuf, sh_deg.at[pl.ds(sid * NPT, NPT)])
    plsc.subcore_barrier()

    for h in range(NSTAGE):
        pltpu.sync_copy(eic.at[1, pl.ds(wid * CPT + h * SCH, SCH)], cidx_all)

        @pl.loop(0, SCH, step=DEG_G)
        def _(g):
            for k in range(DEG_G):
                pltpu.async_copy(onesbuf, sh_deg.at[cidx_all.at[g + k]], sem, add=True)
            for k in range(DEG_G):
                pltpu.make_async_copy(onesbuf, sh_deg.at[cidx_all.at[g + k]], sem).wait()

    plsc.subcore_barrier()
    pltpu.sync_copy(
        sh_deg.at[pl.ds(sid * NPT, NPT)], deg_out.at[cid, pl.ds(sid * NPT, NPT)]
    )


def _deg_partials(eic):
    return pl.kernel(
        _deg_body,
        out_type=jax.ShapeDtypeStruct((NC, NPAD), jnp.float32),
        mesh=_mesh(),
        scratch_types=[
            pltpu.VMEM((SCH, CHUNK), jnp.int32),
            pltpu.VMEM((CHUNK,), jnp.float32),
            pltpu.VMEM((NPT,), jnp.float32),
            pltpu.VMEM_SHARED((NPAD,), jnp.float32),
            pltpu.SemaphoreType.DMA,
        ],
    )(eic)


def _scale_body(dp_ref, emb_ref, dis_ref, tmp_ref):
    deg = dp_ref[0] + dp_ref[1]
    dis = jnp.where(deg > 0.0, jax.lax.rsqrt(deg), 0.0)
    dis_ref[...] = dis
    tmp_ref[...] = dis[:N] * emb_ref[...]


def _scale(deg_partials, emb):
    return pl.pallas_call(
        _scale_body,
        out_shape=[
            jax.ShapeDtypeStruct((NPAD, 1), jnp.float32),
            jax.ShapeDtypeStruct((N, D), jnp.float32),
        ],
    )(deg_partials.reshape(NC, NPAD, 1), emb)


def _prop_body(tmp, eic, acc_out, ridx_st, cidx_st, rbufs, gsems, ssems, sh_acc):
    cid = jax.lax.axis_index("c")
    sid = jax.lax.axis_index("s")
    wid = sid * NC + cid

    @pl.loop(0, CHUNK)
    def _(r):
        for c in range(D // L):
            rbufs[0][r, pl.ds(c * L, L)] = jnp.zeros((L,), jnp.float32)

    for k in range(NPT // CHUNK):
        pltpu.sync_copy(rbufs[0], sh_acc.at[pl.ds(sid * NPT + k * CHUNK, CHUNK)])
    plsc.subcore_barrier()

    def gather(i, b):
        pltpu.async_copy(tmp.at[ridx_st.at[i]], rbufs[b], gsems[b])

    def gather_wait(i, b):
        pltpu.make_async_copy(tmp.at[ridx_st.at[i]], rbufs[b], gsems[b]).wait()

    def scatter(i, b):
        pltpu.async_copy(rbufs[b], sh_acc.at[cidx_st.at[i]], ssems[b], add=True)

    def scatter_wait(i, b):
        pltpu.make_async_copy(rbufs[b], sh_acc.at[cidx_st.at[i]], ssems[b]).wait()

    for h in range(NSTAGE):
        off = wid * CPT + h * SCH
        pltpu.sync_copy(eic.at[0, pl.ds(off, SCH)], ridx_st)
        pltpu.sync_copy(eic.at[1, pl.ds(off, SCH)], cidx_st)

        for b in range(OFF):
            gather(b, b)

        @pl.loop(0, SCH, step=NBUF)
        def _(g):
            for b in range(NBUF):
                i = g + b
                b2 = (b + OFF) % NBUF

                @pl.when(i >= OFF)
                def _():
                    scatter_wait(i - OFF, b2)

                @pl.when(i + OFF < SCH)
                def _():
                    gather(i + OFF, b2)

                gather_wait(i, b)
                scatter(i, b)

        for j in range(SCH - OFF, SCH):
            scatter_wait(j, j % NBUF)

    plsc.subcore_barrier()
    for k in range(NPT // CHUNK):
        r0 = sid * NPT + k * CHUNK
        pltpu.sync_copy(sh_acc.at[pl.ds(r0, CHUNK)], acc_out.at[cid, pl.ds(r0, CHUNK)])


def _propagate(tmp, eic):
    return pl.kernel(
        _prop_body,
        out_type=jax.ShapeDtypeStruct((NC, NPAD, D), jnp.float32),
        mesh=_mesh(),
        scratch_types=[
            pltpu.VMEM((SCH, CHUNK), jnp.int32),
            pltpu.VMEM((SCH, CHUNK), jnp.int32),
            [pltpu.VMEM((CHUNK, D), jnp.float32) for _ in range(NBUF)],
            [pltpu.SemaphoreType.DMA for _ in range(NBUF)],
            [pltpu.SemaphoreType.DMA for _ in range(NBUF)],
            pltpu.VMEM_SHARED((NPAD, D), jnp.float32),
        ],
    )(tmp, eic)


def _combine_body(ap_ref, dis_ref, out_ref):
    s = ap_ref[0, :N, :] + ap_ref[1, :N, :]
    out_ref[...] = dis_ref[:N] * s


def _combine(acc_partials, dis):
    return pl.pallas_call(
        _combine_body,
        out_shape=jax.ShapeDtypeStruct((N, D), jnp.float32),
    )(acc_partials, dis)


@jax.jit
def kernel(emb, edge_index):
    ei = edge_index.astype(jnp.int32)
    eic = jnp.concatenate([ei, jnp.asarray(_PAD_EDGES)], axis=1)
    eic = eic.reshape(2, NCHT, CHUNK)
    dp = _deg_partials(eic)
    dis, tmp = _scale(dp, emb)
    acc = _propagate(tmp, eic)
    return _combine(acc, dis)

# --- scband reference (transcript-rebuilt; emitter-appended) ---
"""Pipeline reference for scband-light-gcn-33732673143829 (READ-ONLY COPY).

The authoritative reference and input builder live on the scoring server;
editing this copy changes nothing except your own understanding.
"""

import jax, jax.numpy as jnp
import numpy as np

NUM_NODES = 10000
EMBED_DIM = 128
NUM_EDGES = 320000


def setup_inputs(seed: int = 0) -> dict:
    key = jax.random.key(seed)
    k1, k2 = jax.random.split(key)
    edge_index = jax.random.randint(k1, (2, NUM_EDGES), 0, NUM_NODES, dtype=jnp.int64)
    # learned embedding table (nn.Embedding weight)
    emb = jax.random.normal(k2, (NUM_NODES, EMBED_DIM), dtype=jnp.float32)
    return {"emb": emb, "edge_index": edge_index}


def reference(emb, edge_index):
    # LightGCN forward: x = embedding.weight; return LGConv()(x, edge_index)
    # LGConv: gcn_norm with add_self_loops=False, then propagate (sum aggregation)
    row = edge_index[0]  # source
    col = edge_index[1]  # target
    num_nodes = emb.shape[0]
    edge_weight = jnp.ones((edge_index.shape[1],), dtype=emb.dtype)
    # degree computed on target index (gcn_norm, flow source_to_target)
    deg = jax.ops.segment_sum(edge_weight, col, num_segments=num_nodes)
    deg_inv_sqrt = jnp.where(deg > 0, deg ** -0.5, 0.0)
    norm = deg_inv_sqrt[row] * deg_inv_sqrt[col]
    # message: x_j * norm, aggregate (sum) at target nodes
    msgs = emb[row] * norm[:, None]
    out = jax.ops.segment_sum(msgs, col, num_segments=num_nodes)
    return out

if __name__ == "__main__":
    import jax
    _d = setup_inputs()
    print(jax.jit(kernel)(*tuple(_d.values())))

</pallas_src>

<mosaic_0001>
#map = affine_map<(d0, d1) -> (0, 0)>
#map1 = affine_map<(d0, d1) -> (0, 0, 0)>
module attributes {stable_mosaic.version = 14 : i64} {
  func.func @_prop_body(%arg0: i32, %arg1: i32, %arg2: memref<10000x128xf32, #tpu.memory_space<hbm>>, %arg3: memref<2x2560x128xi32, #tpu.memory_space<hbm>>, %arg4: memref<2x10240x128xf32, #tpu.memory_space<hbm>>, %arg5: memref<40x128xi32, #tpu.memory_space<vmem>>, %arg6: memref<40x128xi32, #tpu.memory_space<vmem>>, %arg7: memref<128x128xf32, #tpu.memory_space<vmem>>, %arg8: memref<128x128xf32, #tpu.memory_space<vmem>>, %arg9: memref<!tpu.dma_semaphore, #tpu.memory_space<semaphore_mem>>, %arg10: memref<!tpu.dma_semaphore, #tpu.memory_space<semaphore_mem>>, %arg11: memref<!tpu.dma_semaphore, #tpu.memory_space<semaphore_mem>>, %arg12: memref<!tpu.dma_semaphore, #tpu.memory_space<semaphore_mem>>, %arg13: memref<10240x128xf32, #tpu.memory_space<vmem_shared>>) attributes {dimension_semantics = [#tpu.dimension_semantics<core_parallel>, #tpu.dimension_semantics<subcore_parallel>], iteration_bounds = array<i64: 2, 16>, scalar_prefetch = 0 : i64, scratch_operands = 9 : i64, tpu.core_type = #tpu.core_type<sc_vector_subcore>, window_params = [{transform_indices = #map}, {transform_indices = #map1}, {transform_indices = #map1}]} {
    %mul3A = arith.constant 2 : i32
    %mul3A_0 = arith.muli %arg1, %mul3A : i32
    %add3A = arith.addi %mul3A_0, %arg0 : i32
    %scan3A = arith.constant 0 : i32
    %scan3A_1 = arith.constant 128 : i32
    %scan3A_2 = arith.addi %scan3A, %scan3A_1 : i32
    %scan3A_3 = arith.constant 1 : i32
    scf.for %scan3A_93 = %scan3A to %scan3A_2 step %scan3A_3  : i32 {
      %mul3A_94 = arith.constant 1 : i32
      %mul3A_95 = arith.muli %scan3A_93, %mul3A_94 : i32
      %add3A_96 = arith.constant 0 : i32
      %add3A_97 = arith.addi %add3A_96, %mul3A_95 : i32
      %broadcast_in_dim3A = arith.constant 0.000000e+00 : f32
      %broadcast_in_dim3A_98 = vector.broadcast %broadcast_in_dim3A : f32 to vector<16xf32>
      %swap3A = arith.index_cast %add3A_97 : i32 to index
      %swap3A_99 = arith.constant 0 : index
      %swap3A_100 = tpu.vector_load %arg7[%swap3A, %swap3A_99] {strides = array<i32>} : memref<128x128xf32, #tpu.memory_space<vmem>>, vector<1x16xf32>,
      %swap3A_101 = vector.shape_cast %swap3A_100 : vector<1x16xf32> to vector<16xf32>
      %swap3A_102 = vector.shape_cast %broadcast_in_dim3A_98 : vector<16xf32> to vector<1x16xf32>
      tpu.vector_store %arg7[%swap3A, %swap3A_99], %swap3A_102 {strides = array<i32>} : memref<128x128xf32, #tpu.memory_space<vmem>>, vector<1x16xf32>,
      %broadcast_in_dim3A_103 = arith.constant 0.000000e+00 : f32
      %broadcast_in_dim3A_104 = vector.broadcast %broadcast_in_dim3A_103 : f32 to vector<16xf32>
      %swap3A_105 = arith.index_cast %add3A_97 : i32 to index
      %swap3A_106 = arith.constant 16 : index
      %swap3A_107 = tpu.vector_load %arg7[%swap3A_105, %swap3A_106] {strides = array<i32>} : memref<128x128xf32, #tpu.memory_space<vmem>>, vector<1x16xf32>,
      %swap3A_108 = vector.shape_cast %swap3A_107 : vector<1x16xf32> to vector<16xf32>
      %swap3A_109 = vector.shape_cast %broadcast_in_dim3A_104 : vector<16xf32> to vector<1x16xf32>
      tpu.vector_store %arg7[%swap3A_105, %swap3A_106], %swap3A_109 {strides = array<i32>} : memref<128x128xf32, #tpu.memory_space<vmem>>, vector<1x16xf32>,
      %broadcast_in_dim3A_110 = arith.constant 0.000000e+00 : f32
      %broadcast_in_dim3A_111 = vector.broadcast %broadcast_in_dim3A_110 : f32 to vector<16xf32>
      %swap3A_112 = arith.index_cast %add3A_97 : i32 to index
      %swap3A_113 = arith.constant 32 : index
      %swap3A_114 = tpu.vector_load %arg7[%swap3A_112, %swap3A_113] {strides = array<i32>} : memref<128x128xf32, #tpu.memory_space<vmem>>, vector<1x16xf32>,
      %swap3A_115 = vector.shape_cast %swap3A_114 : vector<1x16xf32> to vector<16xf32>
      %swap3A_116 = vector.shape_cast %broadcast_in_dim3A_111 : vector<16xf32> to vector<1x16xf32>
      tpu.vector_store %arg7[%swap3A_112, %swap3A_113], %swap3A_116 {strides = array<i32>} : memref<128x128xf32, #tpu.memory_space<vmem>>, vector<1x16xf32>,
      %broadcast_in_dim3A_117 = arith.constant 0.000000e+00 : f32
      %broadcast_in_dim3A_118 = vector.broadcast %broadcast_in_dim3A_117 : f32 to vector<16xf32>
      %swap3A_119 = arith.index_cast %add3A_97 : i32 to index
      %swap3A_120 = arith.constant 48 : index
      %swap3A_121 = tpu.vector_load %arg7[%swap3A_119, %swap3A_120] {strides = array<i32>} : memref<128x128xf32, #tpu.memory_space<vmem>>, vector<1x16xf32>,
      %swap3A_122 = vector.shape_cast %swap3A_121 : vector<1x16xf32> to vector<16xf32>
      %swap3A_123 = vector.shape_cast %broadcast_in_dim3A_118 : vector<16xf32> to vector<1x16xf32>
      tpu.vector_store %arg7[%swap3A_119, %swap3A_120], %swap3A_123 {strides = array<i32>} : memref<128x128xf32, #tpu.memory_space<vmem>>, vector<1x16xf32>,
      %broadcast_in_dim3A_124 = arith.constant 0.000000e+00 : f32
      %broadcast_in_dim3A_125 = vector.broadcast %broadcast_in_dim3A_124 : f32 to vector<16xf32>
      %swap3A_126 = arith.index_cast %add3A_97 : i32 to index
      %swap3A_127 = arith.constant 64 : index
      %swap3A_128 = tpu.vector_load %arg7[%swap3A_126, %swap3A_127] {strides = array<i32>} : memref<128x128xf32, #tpu.memory_space<vmem>>, vector<1x16xf32>,
      %swap3A_129 = vector.shape_cast %swap3A_128 : vector<1x16xf32> to vector<16xf32>
      %swap3A_130 = vector.shape_cast %broadcast_in_dim3A_125 : vector<16xf32> to vector<1x16xf32>
      tpu.vector_store %arg7[%swap3A_126, %swap3A_127], %swap3A_130 {strides = array<i32>} : memref<128x128xf32, #tpu.memory_space<vmem>>, vector<1x16xf32>,
      %broadcast_in_dim3A_131 = arith.constant 0.000000e+00 : f32
      %broadcast_in_dim3A_132 = vector.broadcast %broadcast_in_dim3A_131 : f32 to vector<16xf32>
      %swap3A_133 = arith.index_cast %add3A_97 : i32 to index
      %swap3A_134 = arith.constant 80 : index
      %swap3A_135 = tpu.vector_load %arg7[%swap3A_133, %swap3A_134] {strides = array<i32>} : memref<128x128xf32, #tpu.memory_space<vmem>>, vector<1x16xf32>,
      %swap3A_136 = vector.shape_cast %swap3A_135 : vector<1x16xf32> to vector<16xf32>
      %swap3A_137 = vector.shape_cast %broadcast_in_dim3A_132 : vector<16xf32> to vector<1x16xf32>
      tpu.vector_store %arg7[%swap3A_133, %swap3A_134], %swap3A_137 {strides = array<i32>} : memref<128x128xf32, #tpu.memory_space<vmem>>, vector<1x16xf32>,
      %broadcast_in_dim3A_138 = arith.constant 0.000000e+00 : f32
      %broadcast_in_dim3A_139 = vector.broadcast %broadcast_in_dim3A_138 : f32 to vector<16xf32>
      %swap3A_140 = arith.index_cast %add3A_97 : i32 to index
      %swap3A_141 = arith.constant 96 : index
      %swap3A_142 = tpu.vector_load %arg7[%swap3A_140, %swap3A_141] {strides = array<i32>} : memref<128x128xf32, #tpu.memory_space<vmem>>, vector<1x16xf32>,
      %swap3A_143 = vector.shape_cast %swap3A_142 : vector<1x16xf32> to vector<16xf32>
      %swap3A_144 = vector.shape_cast %broadcast_in_dim3A_139 : vector<16xf32> to vector<1x16xf32>
      tpu.vector_store %arg7[%swap3A_140, %swap3A_141], %swap3A_144 {strides = array<i32>} : memref<128x128xf32, #tpu.memory_space<vmem>>, vector<1x16xf32>,
      %broadcast_in_dim3A_145 = arith.constant 0.000000e+00 : f32
      %broadcast_in_dim3A_146 = vector.broadcast %broadcast_in_dim3A_145 : f32 to vector<16xf32>
      %swap3A_147 = arith.index_cast %add3A_97 : i32 to index
      %swap3A_148 = arith.constant 112 : index
      %swap3A_149 = tpu.vector_load %arg7[%swap3A_147, %swap3A_148] {strides = array<i32>} : memref<128x128xf32, #tpu.memory_space<vmem>>, vector<1x16xf32>,
      %swap3A_150 = vector.shape_cast %swap3A_149 : vector<1x16xf32> to vector<16xf32>
      %swap3A_151 = vector.shape_cast %broadcast_in_dim3A_146 : vector<16xf32> to vector<1x16xf32>
      tpu.vector_store %arg7[%swap3A_147, %swap3A_148], %swap3A_151 {strides = array<i32>} : memref<128x128xf32, #tpu.memory_space<vmem>>, vector<1x16xf32>,
    }
    %scan3A_4 = arith.constant 128 : i32
    %mul3A_5 = arith.constant 640 : i32
    %mul3A_6 = arith.muli %arg1, %mul3A_5 : i32
    %add3A_7 = arith.constant 0 : i32
    %add3A_8 = arith.addi %mul3A_6, %add3A_7 : i32
    "tpu.region"() ({
      %run_scoped3A_93 = tpu.sem_alloc : memref<!tpu.dma_semaphore, #tpu.memory_space<semaphore_mem>>
      %dma_start3A_94 = arith.constant 0 : i32
      %dma_start3A_95 = tpu.memref_slice %arg13[%add3A_8, %dma_start3A_94] : memref<10240x128xf32, #tpu.memory_space<vmem_shared>> -> memref<128x128xf32, #tpu.memory_space<vmem_shared>>
      %dma_start3A_96 = arith.constant 0 : i32
      %dma_start3A_97 = tpu.memref_slice %arg13[%add3A_8, %dma_start3A_96] : memref<10240x128xf32, #tpu.memory_space<vmem_shared>> -> memref<128x128xf32, #tpu.memory_space<vmem_shared>>
      tpu.enqueue_dma source(%arg7 : memref<128x128xf32, #tpu.memory_space<vmem>>) target(%dma_start3A_97 : memref<128x128xf32, #tpu.memory_space<vmem_shared>>) target_semaphore(%run_scoped3A_93 : memref<!tpu.dma_semaphore, #tpu.memory_space<semaphore_mem>>)
      %dma_wait3A_98 = arith.constant 0 : i32
      %dma_wait3A_99 = tpu.memref_slice %arg13[%add3A_8, %dma_wait3A_98] : memref<10240x128xf32, #tpu.memory_space<vmem_shared>> -> memref<128x128xf32, #tpu.memory_space<vmem_shared>>
      %dma_wait3A_100 = arith.constant 0 : i32
      %dma_wait3A_101 = tpu.memref_slice %arg13[%add3A_8, %dma_wait3A_100] : memref<10240x128xf32, #tpu.memory_space<vmem_shared>> -> memref<128x128xf32, #tpu.memory_space<vmem_shared>>
      tpu.wait_dma2 semaphore(%run_scoped3A_93 : memref<!tpu.dma_semaphore, #tpu.memory_space<semaphore_mem>>) src(%arg7 : memref<128x128xf32, #tpu.memory_space<vmem>>) dst(%dma_wait3A_101 : memref<128x128xf32, #tpu.memory_space<vmem_shared>>)
      tpu.yield
    }) : () -> ()
    %mul3A_9 = arith.constant 640 : i32
    %mul3A_10 = arith.muli %arg1, %mul3A_9 : i32
    %add3A_11 = arith.constant 128 : i32
    %add3A_12 = arith.addi %mul3A_10, %add3A_11 : i32
    "tpu.region"() ({
      %run_scoped3A_93 = tpu.sem_alloc : memref<!tpu.dma_semaphore, #tpu.memory_space<semaphore_mem>>
      %dma_start3A_94 = arith.constant 0 : i32
      %dma_start3A_95 = tpu.memref_slice %arg13[%add3A_12, %dma_start3A_94] : memref<10240x128xf32, #tpu.memory_space<vmem_shared>> -> memref<128x128xf32, #tpu.memory_space<vmem_shared>>
      %dma_start3A_96 = arith.constant 0 : i32
      %dma_start3A_97 = tpu.memref_slice %arg13[%add3A_12, %dma_start3A_96] : memref<10240x128xf32, #tpu.memory_space<vmem_shared>> -> memref<128x128xf32, #tpu.memory_space<vmem_shared>>
      tpu.enqueue_dma source(%arg7 : memref<128x128xf32, #tpu.memory_space<vmem>>) target(%dma_start3A_97 : memref<128x128xf32, #tpu.memory_space<vmem_shared>>) target_semaphore(%run_scoped3A_93 : memref<!tpu.dma_semaphore, #tpu.memory_space<semaphore_mem>>)
      %dma_wait3A_98 = arith.constant 0 : i32
      %dma_wait3A_99 = tpu.memref_slice %arg13[%add3A_12, %dma_wait3A_98] : memref<10240x128xf32, #tpu.memory_space<vmem_shared>> -> memref<128x128xf32, #tpu.memory_space<vmem_shared>>
      %dma_wait3A_100 = arith.constant 0 : i32
      %dma_wait3A_101 = tpu.memref_slice %arg13[%add3A_12, %dma_wait3A_100] : memref<10240x128xf32, #tpu.memory_space<vmem_shared>> -> memref<128x128xf32, #tpu.memory_space<vmem_shared>>
      tpu.wait_dma2 semaphore(%run_scoped3A_93 : memref<!tpu.dma_semaphore, #tpu.memory_space<semaphore_mem>>) src(%arg7 : memref<128x128xf32, #tpu.memory_space<vmem>>) dst(%dma_wait3A_101 : memref<128x128xf32, #tpu.memory_space<vmem_shared>>)
      tpu.yield
    }) : () -> ()
    %mul3A_13 = arith.constant 640 : i32
    %mul3A_14 = arith.muli %arg1, %mul3A_13 : i32
    %add3A_15 = arith.constant 256 : i32
    %add3A_16 = arith.addi %mul3A_14, %add3A_15 : i32
    "tpu.region"() ({
      %run_scoped3A_93 = tpu.sem_alloc : memref<!tpu.dma_semaphore, #tpu.memory_space<semaphore_mem>>
      %dma_start3A_94 = arith.constant 0 : i32
      %dma_start3A_95 = tpu.memref_slice %arg13[%add3A_16, %dma_start3A_94] : memref<10240x128xf32, #tpu.memory_space<vmem_shared>> -> memref<128x128xf32, #tpu.memory_space<vmem_shared>>
      %dma_start3A_96 = arith.constant 0 : i32
      %dma_start3A_97 = tpu.memref_slice %arg13[%add3A_16, %dma_start3A_96] : memref<10240x128xf32, #tpu.memory_space<vmem_shared>> -> memref<128x128xf32, #tpu.memory_space<vmem_shared>>
      tpu.enqueue_dma source(%arg7 : memref<128x128xf32, #tpu.memory_space<vmem>>) target(%dma_start3A_97 : memref<128x128xf32, #tpu.memory_space<vmem_shared>>) target_semaphore(%run_scoped3A_93 : memref<!tpu.dma_semaphore, #tpu.memory_space<semaphore_mem>>)
      %dma_wait3A_98 = arith.constant 0 : i32
      %dma_wait3A_99 = tpu.memref_slice %arg13[%add3A_16, %dma_wait3A_98] : memref<10240x128xf32, #tpu.memory_space<vmem_shared>> -> memref<128x128xf32, #tpu.memory_space<vmem_shared>>
      %dma_wait3A_100 = arith.constant 0 : i32
      %dma_wait3A_101 = tpu.memref_slice %arg13[%add3A_16, %dma_wait3A_100] : memref<10240x128xf32, #tpu.memory_space<vmem_shared>> -> memref<128x128xf32, #tpu.memory_space<vmem_shared>>
      tpu.wait_dma2 semaphore(%run_scoped3A_93 : memref<!tpu.dma_semaphore, #tpu.memory_space<semaphore_mem>>) src(%arg7 : memref<128x128xf32, #tpu.memory_space<vmem>>) dst(%dma_wait3A_101 : memref<128x128xf32, #tpu.memory_space<vmem_shared>>)
      tpu.yield
    }) : () -> ()
    %mul3A_17 = arith.constant 640 : i32
    %mul3A_18 = arith.muli %arg1, %mul3A_17 : i32
    %add3A_19 = arith.constant 384 : i32
    %add3A_20 = arith.addi %mul3A_18, %add3A_19 : i32
    "tpu.region"() ({
      %run_scoped3A_93 = tpu.sem_alloc : memref<!tpu.dma_semaphore, #tpu.memory_space<semaphore_mem>>
      %dma_start3A_94 = arith.constant 0 : i32
      %dma_start3A_95 = tpu.memref_slice %arg13[%add3A_20, %dma_start3A_94] : memref<10240x128xf32, #tpu.memory_space<vmem_shared>> -> memref<128x128xf32, #tpu.memory_space<vmem_shared>>
      %dma_start3A_96 = arith.constant 0 : i32
      %dma_start3A_97 = tpu.memref_slice %arg13[%add3A_20, %dma_start3A_96] : memref<10240x128xf32, #tpu.memory_space<vmem_shared>> -> memref<128x128xf32, #tpu.memory_space<vmem_shared>>
      tpu.enqueue_dma source(%arg7 : memref<128x128xf32, #tpu.memory_space<vmem>>) target(%dma_start3A_97 : memref<128x128xf32, #tpu.memory_space<vmem_shared>>) target_semaphore(%run_scoped3A_93 : memref<!tpu.dma_semaphore, #tpu.memory_space<semaphore_mem>>)
      %dma_wait3A_98 = arith.constant 0 : i32
      %dma_wait3A_99 = tpu.memref_slice %arg13[%add3A_20, %dma_wait3A_98] : memref<10240x128xf32, #tpu.memory_space<vmem_shared>> -> memref<128x128xf32, #tpu.memory_space<vmem_shared>>
      %dma_wait3A_100 = arith.constant 0 : i32
      %dma_wait3A_101 = tpu.memref_slice %arg13[%add3A_20, %dma_wait3A_100] : memref<10240x128xf32, #tpu.memory_space<vmem_shared>> -> memref<128x128xf32, #tpu.memory_space<vmem_shared>>
      tpu.wait_dma2 semaphore(%run_scoped3A_93 : memref<!tpu.dma_semaphore, #tpu.memory_space<semaphore_mem>>) src(%arg7 : memref<128x128xf32, #tpu.memory_space<vmem>>) dst(%dma_wait3A_101 : memref<128x128xf32, #tpu.memory_space<vmem_shared>>)
      tpu.yield
    }) : () -> ()
    %mul3A_21 = arith.constant 640 : i32
    %mul3A_22 = arith.muli %arg1, %mul3A_21 : i32
    %add3A_23 = arith.constant 512 : i32
    %add3A_24 = arith.addi %mul3A_22, %add3A_23 : i32
    "tpu.region"() ({
      %run_scoped3A_93 = tpu.sem_alloc : memref<!tpu.dma_semaphore, #tpu.memory_space<semaphore_mem>>
      %dma_start3A_94 = arith.constant 0 : i32
      %dma_start3A_95 = tpu.memref_slice %arg13[%add3A_24, %dma_start3A_94] : memref<10240x128xf32, #tpu.memory_space<vmem_shared>> -> memref<128x128xf32, #tpu.memory_space<vmem_shared>>
      %dma_start3A_96 = arith.constant 0 : i32
      %dma_start3A_97 = tpu.memref_slice %arg13[%add3A_24, %dma_start3A_96] : memref<10240x128xf32, #tpu.memory_space<vmem_shared>> -> memref<128x128xf32, #tpu.memory_space<vmem_shared>>
      tpu.enqueue_dma source(%arg7 : memref<128x128xf32, #tpu.memory_space<vmem>>) target(%dma_start3A_97 : memref<128x128xf32, #tpu.memory_space<vmem_shared>>) target_semaphore(%run_scoped3A_93 : memref<!tpu.dma_semaphore, #tpu.memory_space<semaphore_mem>>)
      %dma_wait3A_98 = arith.constant 0 : i32
      %dma_wait3A_99 = tpu.memref_slice %arg13[%add3A_24, %dma_wait3A_98] : memref<10240x128xf32, #tpu.memory_space<vmem_shared>> -> memref<128x128xf32, #tpu.memory_space<vmem_shared>>
      %dma_wait3A_100 = arith.constant 0 : i32
      %dma_wait3A_101 = tpu.memref_slice %arg13[%add3A_24, %dma_wait3A_100] : memref<10240x128xf32, #tpu.memory_space<vmem_shared>> -> memref<128x128xf32, #tpu.memory_space<vmem_shared>>
      tpu.wait_dma2 semaphore(%run_scoped3A_93 : memref<!tpu.dma_semaphore, #tpu.memory_space<semaphore_mem>>) src(%arg7 : memref<128x128xf32, #tpu.memory_space<vmem>>) dst(%dma_wait3A_101 : memref<128x128xf32, #tpu.memory_space<vmem_shared>>)
      tpu.yield
    }) : () -> ()
    %barrier3A = arith.constant 0 : index
    tpu.barrier barrier_id(%barrier3A)
    %mul3A_25 = arith.constant 80 : i32
    %mul3A_26 = arith.muli %add3A, %mul3A_25 : i32
    %add3A_27 = arith.constant 0 : i32
    %add3A_28 = arith.addi %mul3A_26, %add3A_27 : i32
    %run_scoped3A = arith.constant 0 : i32
    "tpu.region"() ({
      %run_scoped3A_93 = tpu.sem_alloc : memref<!tpu.dma_semaphore, #tpu.memory_space<semaphore_mem>>
      %dma_start3A_94 = arith.constant 0 : i32
      %dma_start3A_95 = tpu.memref_slice %arg3[%run_scoped3A, %add3A_28, %dma_start3A_94] : memref<2x2560x128xi32, #tpu.memory_space<hbm>> -> memref<1x40x128xi32, #tpu.memory_space<hbm>>
      %dma_start3A_96 = tpu.memref_squeeze %dma_start3A_95 : memref<1x40x128xi32, #tpu.memory_space<hbm>> -> memref<40x128xi32, #tpu.memory_space<hbm>>
      %dma_start3A_97 = arith.constant 0 : i32
      %dma_start3A_98 = tpu.memref_slice %arg3[%run_scoped3A, %add3A_28, %dma_start3A_97] : memref<2x2560x128xi32, #tpu.memory_space<hbm>> -> memref<1x40x128xi32, #tpu.memory_space<hbm>>
      %dma_start3A_99 = tpu.memref_squeeze %dma_start3A_98 : memref<1x40x128xi32, #tpu.memory_space<hbm>> -> memref<40x128xi32, #tpu.memory_space<hbm>>
      tpu.enqueue_dma source(%dma_start3A_99 : memref<40x128xi32, #tpu.memory_space<hbm>>) target(%arg5 : memref<40x128xi32, #tpu.memory_space<vmem>>) target_semaphore(%run_scoped3A_93 : memref<!tpu.dma_semaphore, #tpu.memory_space<semaphore_mem>>)
      %dma_wait3A_100 = arith.constant 0 : i32
      %dma_wait3A_101 = tpu.memref_slice %arg3[%run_scoped3A, %add3A_28, %dma_wait3A_100] : memref<2x2560x128xi32, #tpu.memory_space<hbm>> -> memref<1x40x128xi32, #tpu.memory_space<hbm>>
      %dma_wait3A_102 = tpu.memref_squeeze %dma_wait3A_101 : memref<1x40x128xi32, #tpu.memory_space<hbm>> -> memref<40x128xi32, #tpu.memory_space<hbm>>
      %dma_wait3A_103 = arith.constant 0 : i32
      %dma_wait3A_104 = tpu.memref_slice %arg3[%run_scoped3A, %add3A_28, %dma_wait3A_103] : memref<2x2560x128xi32, #tpu.memory_space<hbm>> -> memref<1x40x128xi32, #tpu.memory_space<hbm>>
      %dma_wait3A_105 = tpu.memref_squeeze %dma_wait3A_104 : memref<1x40x128xi32, #tpu.memory_space<hbm>> -> memref<40x128xi32, #tpu.memory_space<hbm>>
      tpu.wait_dma2 semaphore(%run_scoped3A_93 : memref<!tpu.dma_semaphore, #tpu.memory_space<semaphore_mem>>) src(%dma_wait3A_105 : memref<40x128xi32, #tpu.memory_space<hbm>>) dst(%arg5 : memref<40x128xi32, #tpu.memory_space<vmem>>)
      tpu.yield
    }) : () -> ()
    %run_scoped3A_29 = arith.constant 1 : i32
    "tpu.region"() ({
      %run_scoped3A_93 = tpu.sem_alloc : memref<!tpu.dma_semaphore, #tpu.memory_space<semaphore_mem>>
      %dma_start3A_94 = arith.constant 0 : i32
      %dma_start3A_95 = tpu.memref_slice %arg3[%run_scoped3A_29, %add3A_28, %dma_start3A_94] : memref<2x2560x128xi32, #tpu.memory_space<hbm>> -> memref<1x40x128xi32, #tpu.memory_space<hbm>>
      %dma_start3A_96 = tpu.memref_squeeze %dma_start3A_95 : memref<1x40x128xi32, #tpu.memory_space<hbm>> -> memref<40x128xi32, #tpu.memory_space<hbm>>
      %dma_start3A_97 = arith.constant 0 : i32
      %dma_start3A_98 = tpu.memref_slice %arg3[%run_scoped3A_29, %add3A_28, %dma_start3A_97] : memref<2x2560x128xi32, #tpu.memory_space<hbm>> -> memref<1x40x128xi32, #tpu.memory_space<hbm>>
      %dma_start3A_99 = tpu.memref_squeeze %dma_start3A_98 : memref<1x40x128xi32, #tpu.memory_space<hbm>> -> memref<40x128xi32, #tpu.memory_space<hbm>>
      tpu.enqueue_dma source(%dma_start3A_99 : memref<40x128xi32, #tpu.memory_space<hbm>>) target(%arg6 : memref<40x128xi32, #tpu.memory_space<vmem>>) target_semaphore(%run_scoped3A_93 : memref<!tpu.dma_semaphore, #tpu.memory_space<semaphore_mem>>)
      %dma_wait3A_100 = arith.constant 0 : i32
      %dma_wait3A_101 = tpu.memref_slice %arg3[%run_scoped3A_29, %add3A_28, %dma_wait3A_100] : memref<2x2560x128xi32, #tpu.memory_space<hbm>> -> memref<1x40x128xi32, #tpu.memory_space<hbm>>
      %dma_wait3A_102 = tpu.memref_squeeze %dma_wait3A_101 : memref<1x40x128xi32, #tpu.memory_space<hbm>> -> memref<40x128xi32, #tpu.memory_space<hbm>>
      %dma_wait3A_103 = arith.constant 0 : i32
      %dma_wait3A_104 = tpu.memref_slice %arg3[%run_scoped3A_29, %add3A_28, %dma_wait3A_103] : memref<2x2560x128xi32, #tpu.memory_space<hbm>> -> memref<1x40x128xi32, #tpu.memory_space<hbm>>
      %dma_wait3A_105 = tpu.memref_squeeze %dma_wait3A_104 : memref<1x40x128xi32, #tpu.memory_space<hbm>> -> memref<40x128xi32, #tpu.memory_space<hbm>>
      tpu.wait_dma2 semaphore(%run_scoped3A_93 : memref<!tpu.dma_semaphore, #tpu.memory_space<semaphore_mem>>) src(%dma_wait3A_105 : memref<40x128xi32, #tpu.memory_space<hbm>>) dst(%arg6 : memref<40x128xi32, #tpu.memory_space<vmem>>)
      tpu.yield
    }) : () -> ()
    %dma_start3A = arith.constant 0 : i32
    %dma_start3A_30 = arith.constant 0 : i32
    %dma_start3A_31 = tpu.memref_slice %arg5[%dma_start3A, %dma_start3A_30] : memref<40x128xi32, #tpu.memory_space<vmem>> -> memref<1x128xi32, #tpu.memory_space<vmem>>
    %dma_start3A_32 = tpu.memref_squeeze %dma_start3A_31 : memref<1x128xi32, #tpu.memory_space<vmem>> -> memref<128xi32, #tpu.memory_space<vmem>>
    %dma_start3A_33 = arith.constant 0 : i32
    %dma_start3A_34 = arith.constant 0 : i32
    %dma_start3A_35 = tpu.memref_slice %arg2[%dma_start3A_33, %dma_start3A_34] : memref<10000x128xf32, #tpu.memory_space<hbm>> -> memref<10000x128xf32, #tpu.memory_space<hbm>>
    tpu.enqueue_indirect_dma source(%dma_start3A_35 : memref<10000x128xf32, #tpu.memory_space<hbm>>) target(%arg7 : memref<128x128xf32, #tpu.memory_space<vmem>>) offsets(%dma_start3A_32 : memref<128xi32, #tpu.memory_space<vmem>>) semaphore(%arg9 : memref<!tpu.dma_semaphore, #tpu.memory_space<semaphore_mem>>)
    %scan3A_36 = arith.constant 0 : i32
    %scan3A_37 = arith.constant 20 : i32
    %scan3A_38 = arith.addi %scan3A_36, %scan3A_37 : i32
    %scan3A_39 = arith.constant 1 : i32
    scf.for %scan3A_93 = %scan3A_36 to %scan3A_38 step %scan3A_39  : i32 {
      %mul3A_94 = arith.constant 2 : i32
      %mul3A_95 = arith.muli %scan3A_93, %mul3A_94 : i32
      %add3A_96 = arith.constant 0 : i32
      %add3A_97 = arith.addi %add3A_96, %mul3A_95 : i32
      %add3A_98 = arith.constant 0 : i32
      %add3A_99 = arith.addi %add3A_97, %add3A_98 : i32
      %ge3A = arith.constant 1 : i32
      %ge3A_100 = arith.cmpi sge, %add3A_99, %ge3A : i32
      %convert_element_type3A = arith.extui %ge3A_100 : i1 to i32
      %cond3A = arith.constant 0 : i32
      %cond3A_101 = arith.cmpi ne, %convert_element_type3A, %cond3A : i32
      scf.if %cond3A_101 {
        %sub3A = arith.constant 1 : i32
        %sub3A_146 = arith.subi %add3A_99, %sub3A : i32
        %dma_wait3A_147 = arith.constant 0 : i32
        %dma_wait3A_148 = tpu.memref_slice %arg6[%sub3A_146, %dma_wait3A_147] : memref<40x128xi32, #tpu.memory_space<vmem>> -> memref<1x128xi32, #tpu.memory_space<vmem>>
        %dma_wait3A_149 = tpu.memref_squeeze %dma_wait3A_148 : memref<1x128xi32, #tpu.memory_space<vmem>> -> memref<128xi32, #tpu.memory_space<vmem>>
        %dma_wait3A_150 = arith.constant 0 : i32
        %dma_wait3A_151 = arith.constant 0 : i32
        %dma_wait3A_152 = tpu.memref_slice %arg13[%dma_wait3A_150, %dma_wait3A_151] : memref<10240x128xf32, #tpu.memory_space<vmem_shared>> -> memref<10240x128xf32, #tpu.memory_space<vmem_shared>>
        tpu.wait_indirect_dma semaphore(%arg12 : memref<!tpu.dma_semaphore, #tpu.memory_space<semaphore_mem>>) src(%arg8 : memref<128x128xf32, #tpu.memory_space<vmem>>) dst(%dma_wait3A_152 : memref<10240x128xf32, #tpu.memory_space<vmem_shared>>)
      } else {
      }
      %add3A_102 = arith.constant 1 : i32
      %add3A_103 = arith.addi %add3A_99, %add3A_102 : i32
      %lt3A = arith.constant 40 : i32
      %lt3A_104 = arith.cmpi slt, %add3A_103, %lt3A : i32
      %convert_element_type3A_105 = arith.extui %lt3A_104 : i1 to i32
      %cond3A_106 = arith.constant 0 : i32
      %cond3A_107 = arith.cmpi ne, %convert_element_type3A_105, %cond3A_106 : i32
      scf.if %cond3A_107 {
        %add3A_146 = arith.constant 1 : i32
        %add3A_147 = arith.addi %add3A_99, %add3A_146 : i32
        %dma_start3A_148 = arith.constant 0 : i32
        %dma_start3A_149 = tpu.memref_slice %arg5[%add3A_147, %dma_start3A_148] : memref<40x128xi32, #tpu.memory_space<vmem>> -> memref<1x128xi32, #tpu.memory_space<vmem>>
        %dma_start3A_150 = tpu.memref_squeeze %dma_start3A_149 : memref<1x128xi32, #tpu.memory_space<vmem>> -> memref<128xi32, #tpu.memory_space<vmem>>
        %dma_start3A_151 = arith.constant 0 : i32
        %dma_start3A_152 = arith.constant 0 : i32
        %dma_start3A_153 = tpu.memref_slice %arg2[%dma_start3A_151, %dma_start3A_152] : memref<10000x128xf32, #tpu.memory_space<hbm>> -> memref<10000x128xf32, #tpu.memory_space<hbm>>
        tpu.enqueue_indirect_dma source(%dma_start3A_153 : memref<10000x128xf32, #tpu.memory_space<hbm>>) target(%arg8 : memref<128x128xf32, #tpu.memory_space<vmem>>) offsets(%dma_start3A_150 : memref<128xi32, #tpu.memory_space<vmem>>) semaphore(%arg10 : memref<!tpu.dma_semaphore, #tpu.memory_space<semaphore_mem>>)
      } else {
      }
      %dma_wait3A_108 = arith.constant 0 : i32
      %dma_wait3A_109 = tpu.memref_slice %arg5[%add3A_99, %dma_wait3A_108] : memref<40x128xi32, #tpu.memory_space<vmem>> -> memref<1x128xi32, #tpu.memory_space<vmem>>
      %dma_wait3A_110 = tpu.memref_squeeze %dma_wait3A_109 : memref<1x128xi32, #tpu.memory_space<vmem>> -> memref<128xi32, #tpu.memory_space<vmem>>
      %dma_wait3A_111 = arith.constant 0 : i32
      %dma_wait3A_112 = arith.constant 0 : i32
      %dma_wait3A_113 = tpu.memref_slice %arg2[%dma_wait3A_111, %dma_wait3A_112] : memref<10000x128xf32, #tpu.memory_space<hbm>> -> memref<10000x128xf32, #tpu.memory_space<hbm>>
      tpu.wait_indirect_dma semaphore(%arg9 : memref<!tpu.dma_semaphore, #tpu.memory_space<semaphore_mem>>) src(%dma_wait3A_113 : memref<10000x128xf32, #tpu.memory_space<hbm>>) dst(%arg7 : memref<128x128xf32, #tpu.memory_space<vmem>>)
      %dma_start3A_114 = arith.constant 0 : i32
      %dma_start3A_115 = tpu.memref_slice %arg6[%add3A_99, %dma_start3A_114] : memref<40x128xi32, #tpu.memory_space<vmem>> -> memref<1x128xi32, #tpu.memory_space<vmem>>
      %dma_start3A_116 = tpu.memref_squeeze %dma_start3A_115 : memref<1x128xi32, #tpu.memory_space<vmem>> -> memref<128xi32, #tpu.memory_space<vmem>>
      %dma_start3A_117 = arith.constant 0 : i32
      %dma_start3A_118 = arith.constant 0 : i32
      %dma_start3A_119 = tpu.memref_slice %arg13[%dma_start3A_117, %dma_start3A_118] : memref<10240x128xf32, #tpu.memory_space<vmem_shared>> -> memref<10240x128xf32, #tpu.memory_space<vmem_shared>>
      tpu.enqueue_indirect_dma source(%arg7 : memref<128x128xf32, #tpu.memory_space<vmem>>) target(%dma_start3A_119 : memref<10240x128xf32, #tpu.memory_space<vmem_shared>>) offsets(%dma_start3A_116 : memref<128xi32, #tpu.memory_space<vmem>>) semaphore(%arg11 : memref<!tpu.dma_semaphore, #tpu.memory_space<semaphore_mem>>) {add = true}
      %add3A_120 = arith.constant 1 : i32
      %add3A_121 = arith.addi %add3A_97, %add3A_120 : i32
      %ge3A_122 = arith.constant 1 : i32
      %ge3A_123 = arith.cmpi sge, %add3A_121, %ge3A_122 : i32
      %convert_element_type3A_124 = arith.extui %ge3A_123 : i1 to i32
      %cond3A_125 = arith.constant 0 : i32
      %cond3A_126 = arith.cmpi ne, %convert_element_type3A_124, %cond3A_125 : i32
      scf.if %cond3A_126 {
        %sub3A = arith.constant 1 : i32
        %sub3A_146 = arith.subi %add3A_121, %sub3A : i32
        %dma_wait3A_147 = arith.constant 0 : i32
        %dma_wait3A_148 = tpu.memref_slice %arg6[%sub3A_146, %dma_wait3A_147] : memref<40x128xi32, #tpu.memory_space<vmem>> -> memref<1x128xi32, #tpu.memory_space<vmem>>
        %dma_wait3A_149 = tpu.memref_squeeze %dma_wait3A_148 : memref<1x128xi32, #tpu.memory_space<vmem>> -> memref<128xi32, #tpu.memory_space<vmem>>
        %dma_wait3A_150 = arith.constant 0 : i32
        %dma_wait3A_151 = arith.constant 0 : i32
        %dma_wait3A_152 = tpu.memref_slice %arg13[%dma_wait3A_150, %dma_wait3A_151] : memref<10240x128xf32, #tpu.memory_space<vmem_shared>> -> memref<10240x128xf32, #tpu.memory_space<vmem_shared>>
        tpu.wait_indirect_dma semaphore(%arg11 : memref<!tpu.dma_semaphore, #tpu.memory_space<semaphore_mem>>) src(%arg7 : memref<128x128xf32, #tpu.memory_space<vmem>>) dst(%dma_wait3A_152 : memref<10240x128xf32, #tpu.memory_space<vmem_shared>>)
      } else {
      }
      %add3A_127 = arith.constant 1 : i32
      %add3A_128 = arith.addi %add3A_121, %add3A_127 : i32
      %lt3A_129 = arith.constant 40 : i32
      %lt3A_130 = arith.cmpi slt, %add3A_128, %lt3A_129 : i32
      %convert_element_type3A_131 = arith.extui %lt3A_130 : i1 to i32
      %cond3A_132 = arith.constant 0 : i32
      %cond3A_133 = arith.cmpi ne, %convert_element_type3A_131, %cond3A_132 : i32
      scf.if %cond3A_133 {
        %add3A_146 = arith.constant 1 : i32
        %add3A_147 = arith.addi %add3A_121, %add3A_146 : i32
        %dma_start3A_148 = arith.constant 0 : i32
        %dma_start3A_149 = tpu.memref_slice %arg5[%add3A_147, %dma_start3A_148] : memref<40x128xi32, #tpu.memory_space<vmem>> -> memref<1x128xi32, #tpu.memory_space<vmem>>
        %dma_start3A_150 = tpu.memref_squeeze %dma_start3A_149 : memref<1x128xi32, #tpu.memory_space<vmem>> -> memref<128xi32, #tpu.memory_space<vmem>>
        %dma_start3A_151 = arith.constant 0 : i32
        %dma_start3A_152 = arith.constant 0 : i32
        %dma_start3A_153 = tpu.memref_slice %arg2[%dma_start3A_151, %dma_start3A_152] : memref<10000x128xf32, #tpu.memory_space<hbm>> -> memref<10000x128xf32, #tpu.memory_space<hbm>>
        tpu.enqueue_indirect_dma source(%dma_start3A_153 : memref<10000x128xf32, #tpu.memory_space<hbm>>) target(%arg7 : memref<128x128xf32, #tpu.memory_space<vmem>>) offsets(%dma_start3A_150 : memref<128xi32, #tpu.memory_space<vmem>>) semaphore(%arg9 : memref<!tpu.dma_semaphore, #tpu.memory_space<semaphore_mem>>)
      } else {
      }
      %dma_wait3A_134 = arith.constant 0 : i32
      %dma_wait3A_135 = tpu.memref_slice %arg5[%add3A_121, %dma_wait3A_134] : memref<40x128xi32, #tpu.memory_space<vmem>> -> memref<1x128xi32, #tpu.memory_space<vmem>>
      %dma_wait3A_136 = tpu.memref_squeeze %dma_wait3A_135 : memref<1x128xi32, #tpu.memory_space<vmem>> -> memref<128xi32, #tpu.memory_space<vmem>>
      %dma_wait3A_137 = arith.constant 0 : i32
      %dma_wait3A_138 = arith.constant 0 : i32
      %dma_wait3A_139 = tpu.memref_slice %arg2[%dma_wait3A_137, %dma_wait3A_138] : memref<10000x128xf32, #tpu.memory_space<hbm>> -> memref<10000x128xf32, #tpu.memory_space<hbm>>
      tpu.wait_indirect_dma semaphore(%arg10 : memref<!tpu.dma_semaphore, #tpu.memory_space<semaphore_mem>>) src(%dma_wait3A_139 : memref<10000x128xf32, #tpu.memory_space<hbm>>) dst(%arg8 : memref<128x128xf32, #tpu.memory_space<vmem>>)
      %dma_start3A_140 = arith.constant 0 : i32
      %dma_start3A_141 = tpu.memref_slice %arg6[%add3A_121, %dma_start3A_140] : memref<40x128xi32, #tpu.memory_space<vmem>> -> memref<1x128xi32, #tpu.memory_space<vmem>>
      %dma_start3A_142 = tpu.memref_squeeze %dma_start3A_141 : memref<1x128xi32, #tpu.memory_space<vmem>> -> memref<128xi32, #tpu.memory_space<vmem>>
      %dma_start3A_143 = arith.constant 0 : i32
      %dma_start3A_144 = arith.constant 0 : i32
      %dma_start3A_145 = tpu.memref_slice %arg13[%dma_start3A_143, %dma_start3A_144] : memref<10240x128xf32, #tpu.memory_space<vmem_shared>> -> memref<10240x128xf32, #tpu.memory_space<vmem_shared>>
      tpu.enqueue_indirect_dma source(%arg8 : memref<128x128xf32, #tpu.memory_space<vmem>>) target(%dma_start3A_145 : memref<10240x128xf32, #tpu.memory_space<vmem_shared>>) offsets(%dma_start3A_142 : memref<128xi32, #tpu.memory_space<vmem>>) semaphore(%arg12 : memref<!tpu.dma_semaphore, #tpu.memory_space<semaphore_mem>>) {add = true}
    }
    %scan3A_40 = arith.constant 20 : i32
    %dma_wait3A = arith.constant 39 : i32
    %dma_wait3A_41 = arith.constant 0 : i32
    %dma_wait3A_42 = tpu.memref_slice %arg6[%dma_wait3A, %dma_wait3A_41] : memref<40x128xi32, #tpu.memory_space<vmem>> -> memref<1x128xi32, #tpu.memory_space<vmem>>
    %dma_wait3A_43 = tpu.memref_squeeze %dma_wait3A_42 : memref<1x128xi32, #tpu.memory_space<vmem>> -> memref<128xi32, #tpu.memory_space<vmem>>
    %dma_wait3A_44 = arith.constant 0 : i32
    %dma_wait3A_45 = arith.constant 0 : i32
    %dma_wait3A_46 = tpu.memref_slice %arg13[%dma_wait3A_44, %dma_wait3A_45] : memref<10240x128xf32, #tpu.memory_space<vmem_shared>> -> memref<10240x128xf32, #tpu.memory_space<vmem_shared>>
    tpu.wait_indirect_dma semaphore(%arg12 : memref<!tpu.dma_semaphore, #tpu.memory_space<semaphore_mem>>) src(%arg8 : memref<128x128xf32, #tpu.memory_space<vmem>>) dst(%dma_wait3A_46 : memref<10240x128xf32, #tpu.memory_space<vmem_shared>>)
    %mul3A_47 = arith.constant 80 : i32
    %mul3A_48 = arith.muli %add3A, %mul3A_47 : i32
    %add3A_49 = arith.constant 40 : i32
    %add3A_50 = arith.addi %mul3A_48, %add3A_49 : i32
    %run_scoped3A_51 = arith.constant 0 : i32
    "tpu.region"() ({
      %run_scoped3A_93 = tpu.sem_alloc : memref<!tpu.dma_semaphore, #tpu.memory_space<semaphore_mem>>
      %dma_start3A_94 = arith.constant 0 : i32
      %dma_start3A_95 = tpu.memref_slice %arg3[%run_scoped3A_51, %add3A_50, %dma_start3A_94] : memref<2x2560x128xi32, #tpu.memory_space<hbm>> -> memref<1x40x128xi32, #tpu.memory_space<hbm>>
      %dma_start3A_96 = tpu.memref_squeeze %dma_start3A_95 : memref<1x40x128xi32, #tpu.memory_space<hbm>> -> memref<40x128xi32, #tpu.memory_space<hbm>>
      %dma_start3A_97 = arith.constant 0 : i32
      %dma_start3A_98 = tpu.memref_slice %arg3[%run_scoped3A_51, %add3A_50, %dma_start3A_97] : memref<2x2560x128xi32, #tpu.memory_space<hbm>> -> memref<1x40x128xi32, #tpu.memory_space<hbm>>
      %dma_start3A_99 = tpu.memref_squeeze %dma_start3A_98 : memref<1x40x128xi32, #tpu.memory_space<hbm>> -> memref<40x128xi32, #tpu.memory_space<hbm>>
      tpu.enqueue_dma source(%dma_start3A_99 : memref<40x128xi32, #tpu.memory_space<hbm>>) target(%arg5 : memref<40x128xi32, #tpu.memory_space<vmem>>) target_semaphore(%run_scoped3A_93 : memref<!tpu.dma_semaphore, #tpu.memory_space<semaphore_mem>>)
      %dma_wait3A_100 = arith.constant 0 : i32
      %dma_wait3A_101 = tpu.memref_slice %arg3[%run_scoped3A_51, %add3A_50, %dma_wait3A_100] : memref<2x2560x128xi32, #tpu.memory_space<hbm>> -> memref<1x40x128xi32, #tpu.memory_space<hbm>>
      %dma_wait3A_102 = tpu.memref_squeeze %dma_wait3A_101 : memref<1x40x128xi32, #tpu.memory_space<hbm>> -> memref<40x128xi32, #tpu.memory_space<hbm>>
      %dma_wait3A_103 = arith.constant 0 : i32
      %dma_wait3A_104 = tpu.memref_slice %arg3[%run_scoped3A_51, %add3A_50, %dma_wait3A_103] : memref<2x2560x128xi32, #tpu.memory_space<hbm>> -> memref<1x40x128xi32, #tpu.memory_space<hbm>>
      %dma_wait3A_105 = tpu.memref_squeeze %dma_wait3A_104 : memref<1x40x128xi32, #tpu.memory_space<hbm>> -> memref<40x128xi32, #tpu.memory_space<hbm>>
      tpu.wait_dma2 semaphore(%run_scoped3A_93 : memref<!tpu.dma_semaphore, #tpu.memory_space<semaphore_mem>>) src(%dma_wait3A_105 : memref<40x128xi32, #tpu.memory_space<hbm>>) dst(%arg5 : memref<40x128xi32, #tpu.memory_space<vmem>>)
      tpu.yield
    }) : () -> ()
    %run_scoped3A_52 = arith.constant 1 : i32
    "tpu.region"() ({
      %run_scoped3A_93 = tpu.sem_alloc : memref<!tpu.dma_semaphore, #tpu.memory_space<semaphore_mem>>
      %dma_start3A_94 = arith.constant 0 : i32
      %dma_start3A_95 = tpu.memref_slice %arg3[%run_scoped3A_52, %add3A_50, %dma_start3A_94] : memref<2x2560x128xi32, #tpu.memory_space<hbm>> -> memref<1x40x128xi32, #tpu.memory_space<hbm>>
      %dma_start3A_96 = tpu.memref_squeeze %dma_start3A_95 : memref<1x40x128xi32, #tpu.memory_space<hbm>> -> memref<40x128xi32, #tpu.memory_space<hbm>>
      %dma_start3A_97 = arith.constant 0 : i32
      %dma_start3A_98 = tpu.memref_slice %arg3[%run_scoped3A_52, %add3A_50, %dma_start3A_97] : memref<2x2560x128xi32, #tpu.memory_space<hbm>> -> memref<1x40x128xi32, #tpu.memory_space<hbm>>
      %dma_start3A_99 = tpu.memref_squeeze %dma_start3A_98 : memref<1x40x128xi32, #tpu.memory_space<hbm>> -> memref<40x128xi32, #tpu.memory_space<hbm>>
      tpu.enqueue_dma source(%dma_start3A_99 : memref<40x128xi32, #tpu.memory_space<hbm>>) target(%arg6 : memref<40x128xi32, #tpu.memory_space<vmem>>) target_semaphore(%run_scoped3A_93 : memref<!tpu.dma_semaphore, #tpu.memory_space<semaphore_mem>>)
      %dma_wait3A_100 = arith.constant 0 : i32
      %dma_wait3A_101 = tpu.memref_slice %arg3[%run_scoped3A_52, %add3A_50, %dma_wait3A_100] : memref<2x2560x128xi32, #tpu.memory_space<hbm>> -> memref<1x40x128xi32, #tpu.memory_space<hbm>>
      %dma_wait3A_102 = tpu.memref_squeeze %dma_wait3A_101 : memref<1x40x128xi32, #tpu.memory_space<hbm>> -> memref<40x128xi32, #tpu.memory_space<hbm>>
      %dma_wait3A_103 = arith.constant 0 : i32
      %dma_wait3A_104 = tpu.memref_slice %arg3[%run_scoped3A_52, %add3A_50, %dma_wait3A_103] : memref<2x2560x128xi32, #tpu.memory_space<hbm>> -> memref<1x40x128xi32, #tpu.memory_space<hbm>>
      %dma_wait3A_105 = tpu.memref_squeeze %dma_wait3A_104 : memref<1x40x128xi32, #tpu.memory_space<hbm>> -> memref<40x128xi32, #tpu.memory_space<hbm>>
      tpu.wait_dma2 semaphore(%run_scoped3A_93 : memref<!tpu.dma_semaphore, #tpu.memory_space<semaphore_mem>>) src(%dma_wait3A_105 : memref<40x128xi32, #tpu.memory_space<hbm>>) dst(%arg6 : memref<40x128xi32, #tpu.memory_space<vmem>>)
      tpu.yield
    }) : () -> ()
    %dma_start3A_53 = arith.constant 0 : i32
    %dma_start3A_54 = arith.constant 0 : i32
    %dma_start3A_55 = tpu.memref_slice %arg5[%dma_start3A_53, %dma_start3A_54] : memref<40x128xi32, #tpu.memory_space<vmem>> -> memref<1x128xi32, #tpu.memory_space<vmem>>
    %dma_start3A_56 = tpu.memref_squeeze %dma_start3A_55 : memref<1x128xi32, #tpu.memory_space<vmem>> -> memref<128xi32, #tpu.memory_space<vmem>>
    %dma_start3A_57 = arith.constant 0 : i32
    %dma_start3A_58 = arith.constant 0 : i32
    %dma_start3A_59 = tpu.memref_slice %arg2[%dma_start3A_57, %dma_start3A_58] : memref<10000x128xf32, #tpu.memory_space<hbm>> -> memref<10000x128xf32, #tpu.memory_space<hbm>>
    tpu.enqueue_indirect_dma source(%dma_start3A_59 : memref<10000x128xf32, #tpu.memory_space<hbm>>) target(%arg7 : memref<128x128xf32, #tpu.memory_space<vmem>>) offsets(%dma_start3A_56 : memref<128xi32, #tpu.memory_space<vmem>>) semaphore(%arg9 : memref<!tpu.dma_semaphore, #tpu.memory_space<semaphore_mem>>)
    %scan3A_60 = arith.constant 0 : i32
    %scan3A_61 = arith.constant 20 : i32
    %scan3A_62 = arith.addi %scan3A_60, %scan3A_61 : i32
    %scan3A_63 = arith.constant 1 : i32
    scf.for %scan3A_93 = %scan3A_60 to %scan3A_62 step %scan3A_63  : i32 {
      %mul3A_94 = arith.constant 2 : i32
      %mul3A_95 = arith.muli %scan3A_93, %mul3A_94 : i32
      %add3A_96 = arith.constant 0 : i32
      %add3A_97 = arith.addi %add3A_96, %mul3A_95 : i32
      %add3A_98 = arith.constant 0 : i32
      %add3A_99 = arith.addi %add3A_97, %add3A_98 : i32
      %ge3A = arith.constant 1 : i32
      %ge3A_100 = arith.cmpi sge, %add3A_99, %ge3A : i32
      %convert_element_type3A = arith.extui %ge3A_100 : i1 to i32
      %cond3A = arith.constant 0 : i32
      %cond3A_101 = arith.cmpi ne, %convert_element_type3A, %cond3A : i32
      scf.if %cond3A_101 {
        %sub3A = arith.constant 1 : i32
        %sub3A_146 = arith.subi %add3A_99, %sub3A : i32
        %dma_wait3A_147 = arith.constant 0 : i32
        %dma_wait3A_148 = tpu.memref_slice %arg6[%sub3A_146, %dma_wait3A_147] : memref<40x128xi32, #tpu.memory_space<vmem>> -> memref<1x128xi32, #tpu.memory_space<vmem>>
        %dma_wait3A_149 = tpu.memref_squeeze %dma_wait3A_148 : memref<1x128xi32, #tpu.memory_space<vmem>> -> memref<128xi32, #tpu.memory_space<vmem>>
        %dma_wait3A_150 = arith.constant 0 : i32
        %dma_wait3A_151 = arith.constant 0 : i32
        %dma_wait3A_152 = tpu.memref_slice %arg13[%dma_wait3A_150, %dma_wait3A_151] : memref<10240x128xf32, #tpu.memory_space<vmem_shared>> -> memref<10240x128xf32, #tpu.memory_space<vmem_shared>>
        tpu.wait_indirect_dma semaphore(%arg12 : memref<!tpu.dma_semaphore, #tpu.memory_space<semaphore_mem>>) src(%arg8 : memref<128x128xf32, #tpu.memory_space<vmem>>) dst(%dma_wait3A_152 : memref<10240x128xf32, #tpu.memory_space<vmem_shared>>)
      } else {
      }
      %add3A_102 = arith.constant 1 : i32
      %add3A_103 = arith.addi %add3A_99, %add3A_102 : i32
      %lt3A = arith.constant 40 : i32
      %lt3A_104 = arith.cmpi slt, %add3A_103, %lt3A : i32
      %convert_element_type3A_105 = arith.extui %lt3A_104 : i1 to i32
      %cond3A_106 = arith.constant 0 : i32
      %cond3A_107 = arith.cmpi ne, %convert_element_type3A_105, %cond3A_106 : i32
      scf.if %cond3A_107 {
        %add3A_146 = arith.constant 1 : i32
        %add3A_147 = arith.addi %add3A_99, %add3A_146 : i32
        %dma_start3A_148 = arith.constant 0 : i32
        %dma_start3A_149 = tpu.memref_slice %arg5[%add3A_147, %dma_start3A_148] : memref<40x128xi32, #tpu.memory_space<vmem>> -> memref<1x128xi32, #tpu.memory_space<vmem>>
        %dma_start3A_150 = tpu.memref_squeeze %dma_start3A_149 : memref<1x128xi32, #tpu.memory_space<vmem>> -> memref<128xi32, #tpu.memory_space<vmem>>
        %dma_start3A_151 = arith.constant 0 : i32
        %dma_start3A_152 = arith.constant 0 : i32
        %dma_start3A_153 = tpu.memref_slice %arg2[%dma_start3A_151, %dma_start3A_152] : memref<10000x128xf32, #tpu.memory_space<hbm>> -> memref<10000x128xf32, #tpu.memory_space<hbm>>
        tpu.enqueue_indirect_dma source(%dma_start3A_153 : memref<10000x128xf32, #tpu.memory_space<hbm>>) target(%arg8 : memref<128x128xf32, #tpu.memory_space<vmem>>) offsets(%dma_start3A_150 : memref<128xi32, #tpu.memory_space<vmem>>) semaphore(%arg10 : memref<!tpu.dma_semaphore, #tpu.memory_space<semaphore_mem>>)
      } else {
      }
      %dma_wait3A_108 = arith.constant 0 : i32
      %dma_wait3A_109 = tpu.memref_slice %arg5[%add3A_99, %dma_wait3A_108] : memref<40x128xi32, #tpu.memory_space<vmem>> -> memref<1x128xi32, #tpu.memory_space<vmem>>
      %dma_wait3A_110 = tpu.memref_squeeze %dma_wait3A_109 : memref<1x128xi32, #tpu.memory_space<vmem>> -> memref<128xi32, #tpu.memory_space<vmem>>
      %dma_wait3A_111 = arith.constant 0 : i32
      %dma_wait3A_112 = arith.constant 0 : i32
      %dma_wait3A_113 = tpu.memref_slice %arg2[%dma_wait3A_111, %dma_wait3A_112] : memref<10000x128xf32, #tpu.memory_space<hbm>> -> memref<10000x128xf32, #tpu.memory_space<hbm>>
      tpu.wait_indirect_dma semaphore(%arg9 : memref<!tpu.dma_semaphore, #tpu.memory_space<semaphore_mem>>) src(%dma_wait3A_113 : memref<10000x128xf32, #tpu.memory_space<hbm>>) dst(%arg7 : memref<128x128xf32, #tpu.memory_space<vmem>>)
      %dma_start3A_114 = arith.constant 0 : i32
      %dma_start3A_115 = tpu.memref_slice %arg6[%add3A_99, %dma_start3A_114] : memref<40x128xi32, #tpu.memory_space<vmem>> -> memref<1x128xi32, #tpu.memory_space<vmem>>
      %dma_start3A_116 = tpu.memref_squeeze %dma_start3A_115 : memref<1x128xi32, #tpu.memory_space<vmem>> -> memref<128xi32, #tpu.memory_space<vmem>>
      %dma_start3A_117 = arith.constant 0 : i32
      %dma_start3A_118 = arith.constant 0 : i32
      %dma_start3A_119 = tpu.memref_slice %arg13[%dma_start3A_117, %dma_start3A_118] : memref<10240x128xf32, #tpu.memory_space<vmem_shared>> -> memref<10240x128xf32, #tpu.memory_space<vmem_shared>>
      tpu.enqueue_indirect_dma source(%arg7 : memref<128x128xf32, #tpu.memory_space<vmem>>) target(%dma_start3A_119 : memref<10240x128xf32, #tpu.memory_space<vmem_shared>>) offsets(%dma_start3A_116 : memref<128xi32, #tpu.memory_space<vmem>>) semaphore(%arg11 : memref<!tpu.dma_semaphore, #tpu.memory_space<semaphore_mem>>) {add = true}
      %add3A_120 = arith.constant 1 : i32
      %add3A_121 = arith.addi %add3A_97, %add3A_120 : i32
      %ge3A_122 = arith.constant 1 : i32
      %ge3A_123 = arith.cmpi sge, %add3A_121, %ge3A_122 : i32
      %convert_element_type3A_124 = arith.extui %ge3A_123 : i1 to i32
      %cond3A_125 = arith.constant 0 : i32
      %cond3A_126 = arith.cmpi ne, %convert_element_type3A_124, %cond3A_125 : i32
      scf.if %cond3A_126 {
        %sub3A = arith.constant 1 : i32
        %sub3A_146 = arith.subi %add3A_121, %sub3A : i32
        %dma_wait3A_147 = arith.constant 0 : i32
        %dma_wait3A_148 = tpu.memref_slice %arg6[%sub3A_146, %dma_wait3A_147] : memref<40x128xi32, #tpu.memory_space<vmem>> -> memref<1x128xi32, #tpu.memory_space<vmem>>
        %dma_wait3A_149 = tpu.memref_squeeze %dma_wait3A_148 : memref<1x128xi32, #tpu.memory_space<vmem>> -> memref<128xi32, #tpu.memory_space<vmem>>
        %dma_wait3A_150 = arith.constant 0 : i32
        %dma_wait3A_151 = arith.constant 0 : i32
        %dma_wait3A_152 = tpu.memref_slice %arg13[%dma_wait3A_150, %dma_wait3A_151] : memref<10240x128xf32, #tpu.memory_space<vmem_shared>> -> memref<10240x128xf32, #tpu.memory_space<vmem_shared>>
        tpu.wait_indirect_dma semaphore(%arg11 : memref<!tpu.dma_semaphore, #tpu.memory_space<semaphore_mem>>) src(%arg7 : memref<128x128xf32, #tpu.memory_space<vmem>>) dst(%dma_wait3A_152 : memref<10240x128xf32, #tpu.memory_space<vmem_shared>>)
      } else {
      }
      %add3A_127 = arith.constant 1 : i32
      %add3A_128 = arith.addi %add3A_121, %add3A_127 : i32
      %lt3A_129 = arith.constant 40 : i32
      %lt3A_130 = arith.cmpi slt, %add3A_128, %lt3A_129 : i32
      %convert_element_type3A_131 = arith.extui %lt3A_130 : i1 to i32
      %cond3A_132 = arith.constant 0 : i32
      %cond3A_133 = arith.cmpi ne, %convert_element_type3A_131, %cond3A_132 : i32
      scf.if %cond3A_133 {
        %add3A_146 = arith.constant 1 : i32
        %add3A_147 = arith.addi %add3A_121, %add3A_146 : i32
        %dma_start3A_148 = arith.constant 0 : i32
        %dma_start3A_149 = tpu.memref_slice %arg5[%add3A_147, %dma_start3A_148] : memref<40x128xi32, #tpu.memory_space<vmem>> -> memref<1x128xi32, #tpu.memory_space<vmem>>
        %dma_start3A_150 = tpu.memref_squeeze %dma_start3A_149 : memref<1x128xi32, #tpu.memory_space<vmem>> -> memref<128xi32, #tpu.memory_space<vmem>>
        %dma_start3A_151 = arith.constant 0 : i32
        %dma_start3A_152 = arith.constant 0 : i32
        %dma_start3A_153 = tpu.memref_slice %arg2[%dma_start3A_151, %dma_start3A_152] : memref<10000x128xf32, #tpu.memory_space<hbm>> -> memref<10000x128xf32, #tpu.memory_space<hbm>>
        tpu.enqueue_indirect_dma source(%dma_start3A_153 : memref<10000x128xf32, #tpu.memory_space<hbm>>) target(%arg7 : memref<128x128xf32, #tpu.memory_space<vmem>>) offsets(%dma_start3A_150 : memref<128xi32, #tpu.memory_space<vmem>>) semaphore(%arg9 : memref<!tpu.dma_semaphore, #tpu.memory_space<semaphore_mem>>)
      } else {
      }
      %dma_wait3A_134 = arith.constant 0 : i32
      %dma_wait3A_135 = tpu.memref_slice %arg5[%add3A_121, %dma_wait3A_134] : memref<40x128xi32, #tpu.memory_space<vmem>> -> memref<1x128xi32, #tpu.memory_space<vmem>>
      %dma_wait3A_136 = tpu.memref_squeeze %dma_wait3A_135 : memref<1x128xi32, #tpu.memory_space<vmem>> -> memref<128xi32, #tpu.memory_space<vmem>>
      %dma_wait3A_137 = arith.constant 0 : i32
      %dma_wait3A_138 = arith.constant 0 : i32
      %dma_wait3A_139 = tpu.memref_slice %arg2[%dma_wait3A_137, %dma_wait3A_138] : memref<10000x128xf32, #tpu.memory_space<hbm>> -> memref<10000x128xf32, #tpu.memory_space<hbm>>
      tpu.wait_indirect_dma semaphore(%arg10 : memref<!tpu.dma_semaphore, #tpu.memory_space<semaphore_mem>>) src(%dma_wait3A_139 : memref<10000x128xf32, #tpu.memory_space<hbm>>) dst(%arg8 : memref<128x128xf32, #tpu.memory_space<vmem>>)
      %dma_start3A_140 = arith.constant 0 : i32
      %dma_start3A_141 = tpu.memref_slice %arg6[%add3A_121, %dma_start3A_140] : memref<40x128xi32, #tpu.memory_space<vmem>> -> memref<1x128xi32, #tpu.memory_space<vmem>>
      %dma_start3A_142 = tpu.memref_squeeze %dma_start3A_141 : memref<1x128xi32, #tpu.memory_space<vmem>> -> memref<128xi32, #tpu.memory_space<vmem>>
      %dma_start3A_143 = arith.constant 0 : i32
      %dma_start3A_144 = arith.constant 0 : i32
      %dma_start3A_145 = tpu.memref_slice %arg13[%dma_start3A_143, %dma_start3A_144] : memref<10240x128xf32, #tpu.memory_space<vmem_shared>> -> memref<10240x128xf32, #tpu.memory_space<vmem_shared>>
      tpu.enqueue_indirect_dma source(%arg8 : memref<128x128xf32, #tpu.memory_space<vmem>>) target(%dma_start3A_145 : memref<10240x128xf32, #tpu.memory_space<vmem_shared>>) offsets(%dma_start3A_142 : memref<128xi32, #tpu.memory_space<vmem>>) semaphore(%arg12 : memref<!tpu.dma_semaphore, #tpu.memory_space<semaphore_mem>>) {add = true}
    }
    %scan3A_64 = arith.constant 20 : i32
    %dma_wait3A_65 = arith.constant 39 : i32
    %dma_wait3A_66 = arith.constant 0 : i32
    %dma_wait3A_67 = tpu.memref_slice %arg6[%dma_wait3A_65, %dma_wait3A_66] : memref<40x128xi32, #tpu.memory_space<vmem>> -> memref<1x128xi32, #tpu.memory_space<vmem>>
    %dma_wait3A_68 = tpu.memref_squeeze %dma_wait3A_67 : memref<1x128xi32, #tpu.memory_space<vmem>> -> memref<128xi32, #tpu.memory_space<vmem>>
    %dma_wait3A_69 = arith.constant 0 : i32
    %dma_wait3A_70 = arith.constant 0 : i32
    %dma_wait3A_71 = tpu.memref_slice %arg13[%dma_wait3A_69, %dma_wait3A_70] : memref<10240x128xf32, #tpu.memory_space<vmem_shared>> -> memref<10240x128xf32, #tpu.memory_space<vmem_shared>>
    tpu.wait_indirect_dma semaphore(%arg12 : memref<!tpu.dma_semaphore, #tpu.memory_space<semaphore_mem>>) src(%arg8 : memref<128x128xf32, #tpu.memory_space<vmem>>) dst(%dma_wait3A_71 : memref<10240x128xf32, #tpu.memory_space<vmem_shared>>)
    %barrier3A_72 = arith.constant 0 : index
    tpu.barrier barrier_id(%barrier3A_72)
    %mul3A_73 = arith.constant 640 : i32
    %mul3A_74 = arith.muli %arg1, %mul3A_73 : i32
    %add3A_75 = arith.constant 0 : i32
    %add3A_76 = arith.addi %mul3A_74, %add3A_75 : i32
    "tpu.region"() ({
      %run_scoped3A_93 = tpu.sem_alloc : memref<!tpu.dma_semaphore, #tpu.memory_space<semaphore_mem>>
      %dma_start3A_94 = arith.constant 0 : i32
      %dma_start3A_95 = tpu.memref_slice %arg4[%arg0, %add3A_76, %dma_start3A_94] : memref<2x10240x128xf32, #tpu.memory_space<hbm>> -> memref<1x128x128xf32, #tpu.memory_space<hbm>>
      %dma_start3A_96 = tpu.memref_squeeze %dma_start3A_95 : memref<1x128x128xf32, #tpu.memory_space<hbm>> -> memref<128x128xf32, #tpu.memory_space<hbm>>
      %dma_start3A_97 = arith.constant 0 : i32
      %dma_start3A_98 = tpu.memref_slice %arg13[%add3A_76, %dma_start3A_97] : memref<10240x128xf32, #tpu.memory_space<vmem_shared>> -> memref<128x128xf32, #tpu.memory_space<vmem_shared>>
      tpu.enqueue_dma source(%dma_start3A_98 : memref<128x128xf32, #tpu.memory_space<vmem_shared>>) target(%dma_start3A_96 : memref<128x128xf32, #tpu.memory_space<hbm>>) target_semaphore(%run_scoped3A_93 : memref<!tpu.dma_semaphore, #tpu.memory_space<semaphore_mem>>)
      %dma_wait3A_99 = arith.constant 0 : i32
      %dma_wait3A_100 = tpu.memref_slice %arg4[%arg0, %add3A_76, %dma_wait3A_99] : memref<2x10240x128xf32, #tpu.memory_space<hbm>> -> memref<1x128x128xf32, #tpu.memory_space<hbm>>
      %dma_wait3A_101 = tpu.memref_squeeze %dma_wait3A_100 : memref<1x128x128xf32, #tpu.memory_space<hbm>> -> memref<128x128xf32, #tpu.memory_space<hbm>>
      %dma_wait3A_102 = arith.constant 0 : i32
      %dma_wait3A_103 = tpu.memref_slice %arg13[%add3A_76, %dma_wait3A_102] : memref<10240x128xf32, #tpu.memory_space<vmem_shared>> -> memref<128x128xf32, #tpu.memory_space<vmem_shared>>
      tpu.wait_dma2 semaphore(%run_scoped3A_93 : memref<!tpu.dma_semaphore, #tpu.memory_space<semaphore_mem>>) src(%dma_wait3A_103 : memref<128x128xf32, #tpu.memory_space<vmem_shared>>) dst(%dma_wait3A_101 : memref<128x128xf32, #tpu.memory_space<hbm>>)
      tpu.yield
    }) : () -> ()
    %mul3A_77 = arith.constant 640 : i32
    %mul3A_78 = arith.muli %arg1, %mul3A_77 : i32
    %add3A_79 = arith.constant 128 : i32
    %add3A_80 = arith.addi %mul3A_78, %add3A_79 : i32
    "tpu.region"() ({
      %run_scoped3A_93 = tpu.sem_alloc : memref<!tpu.dma_semaphore, #tpu.memory_space<semaphore_mem>>
      %dma_start3A_94 = arith.constant 0 : i32
      %dma_start3A_95 = tpu.memref_slice %arg4[%arg0, %add3A_80, %dma_start3A_94] : memref<2x10240x128xf32, #tpu.memory_space<hbm>> -> memref<1x128x128xf32, #tpu.memory_space<hbm>>
      %dma_start3A_96 = tpu.memref_squeeze %dma_start3A_95 : memref<1x128x128xf32, #tpu.memory_space<hbm>> -> memref<128x128xf32, #tpu.memory_space<hbm>>
      %dma_start3A_97 = arith.constant 0 : i32
      %dma_start3A_98 = tpu.memref_slice %arg13[%add3A_80, %dma_start3A_97] : memref<10240x128xf32, #tpu.memory_space<vmem_shared>> -> memref<128x128xf32, #tpu.memory_space<vmem_shared>>
      tpu.enqueue_dma source(%dma_start3A_98 : memref<128x128xf32, #tpu.memory_space<vmem_shared>>) target(%dma_start3A_96 : memref<128x128xf32, #tpu.memory_space<hbm>>) target_semaphore(%run_scoped3A_93 : memref<!tpu.dma_semaphore, #tpu.memory_space<semaphore_mem>>)
      %dma_wait3A_99 = arith.constant 0 : i32
      %dma_wait3A_100 = tpu.memref_slice %arg4[%arg0, %add3A_80, %dma_wait3A_99] : memref<2x10240x128xf32, #tpu.memory_space<hbm>> -> memref<1x128x128xf32, #tpu.memory_space<hbm>>
      %dma_wait3A_101 = tpu.memref_squeeze %dma_wait3A_100 : memref<1x128x128xf32, #tpu.memory_space<hbm>> -> memref<128x128xf32, #tpu.memory_space<hbm>>
      %dma_wait3A_102 = arith.constant 0 : i32
      %dma_wait3A_103 = tpu.memref_slice %arg13[%add3A_80, %dma_wait3A_102] : memref<10240x128xf32, #tpu.memory_space<vmem_shared>> -> memref<128x128xf32, #tpu.memory_space<vmem_shared>>
      tpu.wait_dma2 semaphore(%run_scoped3A_93 : memref<!tpu.dma_semaphore, #tpu.memory_space<semaphore_mem>>) src(%dma_wait3A_103 : memref<128x128xf32, #tpu.memory_space<vmem_shared>>) dst(%dma_wait3A_101 : memref<128x128xf32, #tpu.memory_space<hbm>>)
      tpu.yield
    }) : () -> ()
    %mul3A_81 = arith.constant 640 : i32
    %mul3A_82 = arith.muli %arg1, %mul3A_81 : i32
    %add3A_83 = arith.constant 256 : i32
    %add3A_84 = arith.addi %mul3A_82, %add3A_83 : i32
    "tpu.region"() ({
      %run_scoped3A_93 = tpu.sem_alloc : memref<!tpu.dma_semaphore, #tpu.memory_space<semaphore_mem>>
      %dma_start3A_94 = arith.constant 0 : i32
      %dma_start3A_95 = tpu.memref_slice %arg4[%arg0, %add3A_84, %dma_start3A_94] : memref<2x10240x128xf32, #tpu.memory_space<hbm>> -> memref<1x128x128xf32, #tpu.memory_space<hbm>>
      %dma_start3A_96 = tpu.memref_squeeze %dma_start3A_95 : memref<1x128x128xf32, #tpu.memory_space<hbm>> -> memref<128x128xf32, #tpu.memory_space<hbm>>
      %dma_start3A_97 = arith.constant 0 : i32
      %dma_start3A_98 = tpu.memref_slice %arg13[%add3A_84, %dma_start3A_97] : memref<10240x128xf32, #tpu.memory_space<vmem_shared>> -> memref<128x128xf32, #tpu.memory_space<vmem_shared>>
      tpu.enqueue_dma source(%dma_start3A_98 : memref<128x128xf32, #tpu.memory_space<vmem_shared>>) target(%dma_start3A_96 : memref<128x128xf32, #tpu.memory_space<hbm>>) target_semaphore(%run_scoped3A_93 : memref<!tpu.dma_semaphore, #tpu.memory_space<semaphore_mem>>)
      %dma_wait3A_99 = arith.constant 0 : i32
      %dma_wait3A_100 = tpu.memref_slice %arg4[%arg0, %add3A_84, %dma_wait3A_99] : memref<2x10240x128xf32, #tpu.memory_space<hbm>> -> memref<1x128x128xf32, #tpu.memory_space<hbm>>
      %dma_wait3A_101 = tpu.memref_squeeze %dma_wait3A_100 : memref<1x128x128xf32, #tpu.memory_space<hbm>> -> memref<128x128xf32, #tpu.memory_space<hbm>>
      %dma_wait3A_102 = arith.constant 0 : i32
      %dma_wait3A_103 = tpu.memref_slice %arg13[%add3A_84, %dma_wait3A_102] : memref<10240x128xf32, #tpu.memory_space<vmem_shared>> -> memref<128x128xf32, #tpu.memory_space<vmem_shared>>
      tpu.wait_dma2 semaphore(%run_scoped3A_93 : memref<!tpu.dma_semaphore, #tpu.memory_space<semaphore_mem>>) src(%dma_wait3A_103 : memref<128x128xf32, #tpu.memory_space<vmem_shared>>) dst(%dma_wait3A_101 : memref<128x128xf32, #tpu.memory_space<hbm>>)
      tpu.yield
    }) : () -> ()
    %mul3A_85 = arith.constant 640 : i32
    %mul3A_86 = arith.muli %arg1, %mul3A_85 : i32
    %add3A_87 = arith.constant 384 : i32
    %add3A_88 = arith.addi %mul3A_86, %add3A_87 : i32
    "tpu.region"() ({
      %run_scoped3A_93 = tpu.sem_alloc : memref<!tpu.dma_semaphore, #tpu.memory_space<semaphore_mem>>
      %dma_start3A_94 = arith.constant 0 : i32
      %dma_start3A_95 = tpu.memref_slice %arg4[%arg0, %add3A_88, %dma_start3A_94] : memref<2x10240x128xf32, #tpu.memory_space<hbm>> -> memref<1x128x128xf32, #tpu.memory_space<hbm>>
      %dma_start3A_96 = tpu.memref_squeeze %dma_start3A_95 : memref<1x128x128xf32, #tpu.memory_space<hbm>> -> memref<128x128xf32, #tpu.memory_space<hbm>>
      %dma_start3A_97 = arith.constant 0 : i32
      %dma_start3A_98 = tpu.memref_slice %arg13[%add3A_88, %dma_start3A_97] : memref<10240x128xf32, #tpu.memory_space<vmem_shared>> -> memref<128x128xf32, #tpu.memory_space<vmem_shared>>
      tpu.enqueue_dma source(%dma_start3A_98 : memref<128x128xf32, #tpu.memory_space<vmem_shared>>) target(%dma_start3A_96 : memref<128x128xf32, #tpu.memory_space<hbm>>) target_semaphore(%run_scoped3A_93 : memref<!tpu.dma_semaphore, #tpu.memory_space<semaphore_mem>>)
      %dma_wait3A_99 = arith.constant 0 : i32
      %dma_wait3A_100 = tpu.memref_slice %arg4[%arg0, %add3A_88, %dma_wait3A_99] : memref<2x10240x128xf32, #tpu.memory_space<hbm>> -> memref<1x128x128xf32, #tpu.memory_space<hbm>>
      %dma_wait3A_101 = tpu.memref_squeeze %dma_wait3A_100 : memref<1x128x128xf32, #tpu.memory_space<hbm>> -> memref<128x128xf32, #tpu.memory_space<hbm>>
      %dma_wait3A_102 = arith.constant 0 : i32
      %dma_wait3A_103 = tpu.memref_slice %arg13[%add3A_88, %dma_wait3A_102] : memref<10240x128xf32, #tpu.memory_space<vmem_shared>> -> memref<128x128xf32, #tpu.memory_space<vmem_shared>>
      tpu.wait_dma2 semaphore(%run_scoped3A_93 : memref<!tpu.dma_semaphore, #tpu.memory_space<semaphore_mem>>) src(%dma_wait3A_103 : memref<128x128xf32, #tpu.memory_space<vmem_shared>>) dst(%dma_wait3A_101 : memref<128x128xf32, #tpu.memory_space<hbm>>)
      tpu.yield
    }) : () -> ()
    %mul3A_89 = arith.constant 640 : i32
    %mul3A_90 = arith.muli %arg1, %mul3A_89 : i32
    %add3A_91 = arith.constant 512 : i32
    %add3A_92 = arith.addi %mul3A_90, %add3A_91 : i32
    "tpu.region"() ({
      %run_scoped3A_93 = tpu.sem_alloc : memref<!tpu.dma_semaphore, #tpu.memory_space<semaphore_mem>>
      %dma_start3A_94 = arith.constant 0 : i32
      %dma_start3A_95 = tpu.memref_slice %arg4[%arg0, %add3A_92, %dma_start3A_94] : memref<2x10240x128xf32, #tpu.memory_space<hbm>> -> memref<1x128x128xf32, #tpu.memory_space<hbm>>
      %dma_start3A_96 = tpu.memref_squeeze %dma_start3A_95 : memref<1x128x128xf32, #tpu.memory_space<hbm>> -> memref<128x128xf32, #tpu.memory_space<hbm>>
      %dma_start3A_97 = arith.constant 0 : i32
      %dma_start3A_98 = tpu.memref_slice %arg13[%add3A_92, %dma_start3A_97] : memref<10240x128xf32, #tpu.memory_space<vmem_shared>> -> memref<128x128xf32, #tpu.memory_space<vmem_shared>>
      tpu.enqueue_dma source(%dma_start3A_98 : memref<128x128xf32, #tpu.memory_space<vmem_shared>>) target(%dma_start3A_96 : memref<128x128xf32, #tpu.memory_space<hbm>>) target_semaphore(%run_scoped3A_93 : memref<!tpu.dma_semaphore, #tpu.memory_space<semaphore_mem>>)
      %dma_wait3A_99 = arith.constant 0 : i32
      %dma_wait3A_100 = tpu.memref_slice %arg4[%arg0, %add3A_92, %dma_wait3A_99] : memref<2x10240x128xf32, #tpu.memory_space<hbm>> -> memref<1x128x128xf32, #tpu.memory_space<hbm>>
      %dma_wait3A_101 = tpu.memref_squeeze %dma_wait3A_100 : memref<1x128x128xf32, #tpu.memory_space<hbm>> -> memref<128x128xf32, #tpu.memory_space<hbm>>
      %dma_wait3A_102 = arith.constant 0 : i32
      %dma_wait3A_103 = tpu.memref_slice %arg13[%add3A_92, %dma_wait3A_102] : memref<10240x128xf32, #tpu.memory_space<vmem_shared>> -> memref<128x128xf32, #tpu.memory_space<vmem_shared>>
      tpu.wait_dma2 semaphore(%run_scoped3A_93 : memref<!tpu.dma_semaphore, #tpu.memory_space<semaphore_mem>>) src(%dma_wait3A_103 : memref<128x128xf32, #tpu.memory_space<vmem_shared>>) dst(%dma_wait3A_101 : memref<128x128xf32, #tpu.memory_space<hbm>>)
      tpu.yield
    }) : () -> ()
    return
  }
}

#map = affine_map<(d0, d1) -> (0, 0, 0)>
#map1 = affine_map<(d0, d1) -> (0, 0)>
module attributes {stable_mosaic.version = 14 : i64} {
  func.func @_deg_body(%arg0: i32, %arg1: i32, %arg2: memref<2x2560x128xi32, #tpu.memory_space<hbm>>, %arg3: memref<2x10240xf32, #tpu.memory_space<hbm>>, %arg4: memref<40x128xi32, #tpu.memory_space<vmem>>, %arg5: memref<128xf32, #tpu.memory_space<vmem>>, %arg6: memref<640xf32, #tpu.memory_space<vmem>>, %arg7: memref<10240xf32, #tpu.memory_space<vmem_shared>>, %arg8: memref<!tpu.dma_semaphore, #tpu.memory_space<semaphore_mem>>) attributes {dimension_semantics = [#tpu.dimension_semantics<core_parallel>, #tpu.dimension_semantics<subcore_parallel>], iteration_bounds = array<i64: 2, 16>, scalar_prefetch = 0 : i64, scratch_operands = 5 : i64, tpu.core_type = #tpu.core_type<sc_vector_subcore>, window_params = [{transform_indices = #map}, {transform_indices = #map1}]} {
    %mul3A = arith.constant 2 : i32
    %mul3A_0 = arith.muli %arg1, %mul3A : i32
    %add3A = arith.addi %mul3A_0, %arg0 : i32
    %scan3A = arith.constant 0 : i32
    %scan3A_1 = arith.constant 8 : i32
    %scan3A_2 = arith.addi %scan3A, %scan3A_1 : i32
    %scan3A_3 = arith.constant 1 : i32
    scf.for %scan3A_36 = %scan3A to %scan3A_2 step %scan3A_3  : i32 {
      %mul3A_37 = arith.constant 1 : i32
      %mul3A_38 = arith.muli %scan3A_36, %mul3A_37 : i32
      %add3A_39 = arith.constant 0 : i32
      %add3A_40 = arith.addi %add3A_39, %mul3A_38 : i32
      %broadcast_in_dim3A = arith.constant 1.000000e+00 : f32
      %broadcast_in_dim3A_41 = vector.broadcast %broadcast_in_dim3A : f32 to vector<16xf32>
      %mul3A_42 = arith.constant 16 : i32
      %mul3A_43 = arith.muli %add3A_40, %mul3A_42 : i32
      %swap3A = arith.index_cast %mul3A_43 : i32 to index
      %swap3A_44 = tpu.vector_load %arg5[%swap3A] {strides = array<i32>} : memref<128xf32, #tpu.memory_space<vmem>>, vector<16xf32>,
      %swap3A_45 = vector.shape_cast %swap3A_44 : vector<16xf32> to vector<16xf32>
      %swap3A_46 = vector.shape_cast %broadcast_in_dim3A_41 : vector<16xf32> to vector<16xf32>
      tpu.vector_store %arg5[%swap3A], %swap3A_46 {strides = array<i32>} : memref<128xf32, #tpu.memory_space<vmem>>, vector<16xf32>,
    }
    %scan3A_4 = arith.constant 8 : i32
    %scan3A_5 = arith.constant 0 : i32
    %scan3A_6 = arith.constant 40 : i32
    %scan3A_7 = arith.addi %scan3A_5, %scan3A_6 : i32
    %scan3A_8 = arith.constant 1 : i32
    scf.for %scan3A_36 = %scan3A_5 to %scan3A_7 step %scan3A_8  : i32 {
      %mul3A_37 = arith.constant 1 : i32
      %mul3A_38 = arith.muli %scan3A_36, %mul3A_37 : i32
      %add3A_39 = arith.constant 0 : i32
      %add3A_40 = arith.addi %add3A_39, %mul3A_38 : i32
      %broadcast_in_dim3A = arith.constant 0.000000e+00 : f32
      %broadcast_in_dim3A_41 = vector.broadcast %broadcast_in_dim3A : f32 to vector<16xf32>
      %mul3A_42 = arith.constant 16 : i32
      %mul3A_43 = arith.muli %add3A_40, %mul3A_42 : i32
      %swap3A = arith.index_cast %mul3A_43 : i32 to index
      %swap3A_44 = tpu.vector_load %arg6[%swap3A] {strides = array<i32>} : memref<640xf32, #tpu.memory_space<vmem>>, vector<16xf32>,
      %swap3A_45 = vector.shape_cast %swap3A_44 : vector<16xf32> to vector<16xf32>
      %swap3A_46 = vector.shape_cast %broadcast_in_dim3A_41 : vector<16xf32> to vector<16xf32>
      tpu.vector_store %arg6[%swap3A], %swap3A_46 {strides = array<i32>} : memref<640xf32, #tpu.memory_space<vmem>>, vector<16xf32>,
    }
    %scan3A_9 = arith.constant 40 : i32
    %mul3A_10 = arith.constant 640 : i32
    %mul3A_11 = arith.muli %arg1, %mul3A_10 : i32
    "tpu.region"() ({
      %run_scoped3A_36 = tpu.sem_alloc : memref<!tpu.dma_semaphore, #tpu.memory_space<semaphore_mem>>
      %dma_start3A = tpu.memref_slice %arg7[%mul3A_11] : memref<10240xf32, #tpu.memory_space<vmem_shared>> -> memref<640xf32, #tpu.memory_space<vmem_shared>>
      %dma_start3A_37 = tpu.memref_slice %arg7[%mul3A_11] : memref<10240xf32, #tpu.memory_space<vmem_shared>> -> memref<640xf32, #tpu.memory_space<vmem_shared>>
      tpu.enqueue_dma source(%arg6 : memref<640xf32, #tpu.memory_space<vmem>>) target(%dma_start3A_37 : memref<640xf32, #tpu.memory_space<vmem_shared>>) target_semaphore(%run_scoped3A_36 : memref<!tpu.dma_semaphore, #tpu.memory_space<semaphore_mem>>)
      %dma_wait3A = tpu.memref_slice %arg7[%mul3A_11] : memref<10240xf32, #tpu.memory_space<vmem_shared>> -> memref<640xf32, #tpu.memory_space<vmem_shared>>
      %dma_wait3A_38 = tpu.memref_slice %arg7[%mul3A_11] : memref<10240xf32, #tpu.memory_space<vmem_shared>> -> memref<640xf32, #tpu.memory_space<vmem_shared>>
      tpu.wait_dma2 semaphore(%run_scoped3A_36 : memref<!tpu.dma_semaphore, #tpu.memory_space<semaphore_mem>>) src(%arg6 : memref<640xf32, #tpu.memory_space<vmem>>) dst(%dma_wait3A_38 : memref<640xf32, #tpu.memory_space<vmem_shared>>)
      tpu.yield
    }) : () -> ()
    %barrier3A = arith.constant 0 : index
    tpu.barrier barrier_id(%barrier3A)
    %mul3A_12 = arith.constant 80 : i32
    %mul3A_13 = arith.muli %add3A, %mul3A_12 : i32
    %add3A_14 = arith.constant 0 : i32
    %add3A_15 = arith.addi %mul3A_13, %add3A_14 : i32
    %run_scoped3A = arith.constant 1 : i32
    "tpu.region"() ({
      %run_scoped3A_36 = tpu.sem_alloc : memref<!tpu.dma_semaphore, #tpu.memory_space<semaphore_mem>>
      %dma_start3A = arith.constant 0 : i32
      %dma_start3A_37 = tpu.memref_slice %arg2[%run_scoped3A, %add3A_15, %dma_start3A] : memref<2x2560x128xi32, #tpu.memory_space<hbm>> -> memref<1x40x128xi32, #tpu.memory_space<hbm>>
      %dma_start3A_38 = tpu.memref_squeeze %dma_start3A_37 : memref<1x40x128xi32, #tpu.memory_space<hbm>> -> memref<40x128xi32, #tpu.memory_space<hbm>>
      %dma_start3A_39 = arith.constant 0 : i32
      %dma_start3A_40 = tpu.memref_slice %arg2[%run_scoped3A, %add3A_15, %dma_start3A_39] : memref<2x2560x128xi32, #tpu.memory_space<hbm>> -> memref<1x40x128xi32, #tpu.memory_space<hbm>>
      %dma_start3A_41 = tpu.memref_squeeze %dma_start3A_40 : memref<1x40x128xi32, #tpu.memory_space<hbm>> -> memref<40x128xi32, #tpu.memory_space<hbm>>
      tpu.enqueue_dma source(%dma_start3A_41 : memref<40x128xi32, #tpu.memory_space<hbm>>) target(%arg4 : memref<40x128xi32, #tpu.memory_space<vmem>>) target_semaphore(%run_scoped3A_36 : memref<!tpu.dma_semaphore, #tpu.memory_space<semaphore_mem>>)
      %dma_wait3A = arith.constant 0 : i32
      %dma_wait3A_42 = tpu.memref_slice %arg2[%run_scoped3A, %add3A_15, %dma_wait3A] : memref<2x2560x128xi32, #tpu.memory_space<hbm>> -> memref<1x40x128xi32, #tpu.memory_space<hbm>>
      %dma_wait3A_43 = tpu.memref_squeeze %dma_wait3A_42 : memref<1x40x128xi32, #tpu.memory_space<hbm>> -> memref<40x128xi32, #tpu.memory_space<hbm>>
      %dma_wait3A_44 = arith.constant 0 : i32
      %dma_wait3A_45 = tpu.memref_slice %arg2[%run_scoped3A, %add3A_15, %dma_wait3A_44] : memref<2x2560x128xi32, #tpu.memory_space<hbm>> -> memref<1x40x128xi32, #tpu.memory_space<hbm>>
      %dma_wait3A_46 = tpu.memref_squeeze %dma_wait3A_45 : memref<1x40x128xi32, #tpu.memory_space<hbm>> -> memref<40x128xi32, #tpu.memory_space<hbm>>
      tpu.wait_dma2 semaphore(%run_scoped3A_36 : memref<!tpu.dma_semaphore, #tpu.memory_space<semaphore_mem>>) src(%dma_wait3A_46 : memref<40x128xi32, #tpu.memory_space<hbm>>) dst(%arg4 : memref<40x128xi32, #tpu.memory_space<vmem>>)
      tpu.yield
    }) : () -> ()
    %scan3A_16 = arith.constant 0 : i32
    %scan3A_17 = arith.constant 5 : i32
    %scan3A_18 = arith.addi %scan3A_16, %scan3A_17 : i32
    %scan3A_19 = arith.constant 1 : i32
    scf.for %scan3A_36 = %scan3A_16 to %scan3A_18 step %scan3A_19  : i32 {
      %mul3A_37 = arith.constant 8 : i32
      %mul3A_38 = arith.muli %scan3A_36, %mul3A_37 : i32
      %add3A_39 = arith.constant 0 : i32
      %add3A_40 = arith.addi %add3A_39, %mul3A_38 : i32
      %add3A_41 = arith.constant 0 : i32
      %add3A_42 = arith.addi %add3A_40, %add3A_41 : i32
      %dma_start3A = arith.constant 0 : i32
      %dma_start3A_43 = tpu.memref_slice %arg4[%add3A_42, %dma_start3A] : memref<40x128xi32, #tpu.memory_space<vmem>> -> memref<1x128xi32, #tpu.memory_space<vmem>>
      %dma_start3A_44 = tpu.memref_squeeze %dma_start3A_43 : memref<1x128xi32, #tpu.memory_space<vmem>> -> memref<128xi32, #tpu.memory_space<vmem>>
      %dma_start3A_45 = arith.constant 0 : i32
      %dma_start3A_46 = tpu.memref_slice %arg7[%dma_start3A_45] : memref<10240xf32, #tpu.memory_space<vmem_shared>> -> memref<10240xf32, #tpu.memory_space<vmem_shared>>
      tpu.enqueue_indirect_dma source(%arg5 : memref<128xf32, #tpu.memory_space<vmem>>) target(%dma_start3A_46 : memref<10240xf32, #tpu.memory_space<vmem_shared>>) offsets(%dma_start3A_44 : memref<128xi32, #tpu.memory_space<vmem>>) semaphore(%arg8 : memref<!tpu.dma_semaphore, #tpu.memory_space<semaphore_mem>>) {add = true}
      %add3A_47 = arith.constant 1 : i32
      %add3A_48 = arith.addi %add3A_40, %add3A_47 : i32
      %dma_start3A_49 = arith.constant 0 : i32
      %dma_start3A_50 = tpu.memref_slice %arg4[%add3A_48, %dma_start3A_49] : memref<40x128xi32, #tpu.memory_space<vmem>> -> memref<1x128xi32, #tpu.memory_space<vmem>>
      %dma_start3A_51 = tpu.memref_squeeze %dma_start3A_50 : memref<1x128xi32, #tpu.memory_space<vmem>> -> memref<128xi32, #tpu.memory_space<vmem>>
      %dma_start3A_52 = arith.constant 0 : i32
      %dma_start3A_53 = tpu.memref_slice %arg7[%dma_start3A_52] : memref<10240xf32, #tpu.memory_space<vmem_shared>> -> memref<10240xf32, #tpu.memory_space<vmem_shared>>
      tpu.enqueue_indirect_dma source(%arg5 : memref<128xf32, #tpu.memory_space<vmem>>) target(%dma_start3A_53 : memref<10240xf32, #tpu.memory_space<vmem_shared>>) offsets(%dma_start3A_51 : memref<128xi32, #tpu.memory_space<vmem>>) semaphore(%arg8 : memref<!tpu.dma_semaphore, #tpu.memory_space<semaphore_mem>>) {add = true}
      %add3A_54 = arith.constant 2 : i32
      %add3A_55 = arith.addi %add3A_40, %add3A_54 : i32
      %dma_start3A_56 = arith.constant 0 : i32
      %dma_start3A_57 = tpu.memref_slice %arg4[%add3A_55, %dma_start3A_56] : memref<40x128xi32, #tpu.memory_space<vmem>> -> memref<1x128xi32, #tpu.memory_space<vmem>>
      %dma_start3A_58 = tpu.memref_squeeze %dma_start3A_57 : memref<1x128xi32, #tpu.memory_space<vmem>> -> memref<128xi32, #tpu.memory_space<vmem>>
      %dma_start3A_59 = arith.constant 0 : i32
      %dma_start3A_60 = tpu.memref_slice %arg7[%dma_start3A_59] : memref<10240xf32, #tpu.memory_space<vmem_shared>> -> memref<10240xf32, #tpu.memory_space<vmem_shared>>
      tpu.enqueue_indirect_dma source(%arg5 : memref<128xf32, #tpu.memory_space<vmem>>) target(%dma_start3A_60 : memref<10240xf32, #tpu.memory_space<vmem_shared>>) offsets(%dma_start3A_58 : memref<128xi32, #tpu.memory_space<vmem>>) semaphore(%arg8 : memref<!tpu.dma_semaphore, #tpu.memory_space<semaphore_mem>>) {add = true}
      %add3A_61 = arith.constant 3 : i32
      %add3A_62 = arith.addi %add3A_40, %add3A_61 : i32
      %dma_start3A_63 = arith.constant 0 : i32
      %dma_start3A_64 = tpu.memref_slice %arg4[%add3A_62, %dma_start3A_63] : memref<40x128xi32, #tpu.memory_space<vmem>> -> memref<1x128xi32, #tpu.memory_space<vmem>>
      %dma_start3A_65 = tpu.memref_squeeze %dma_start3A_64 : memref<1x128xi32, #tpu.memory_space<vmem>> -> memref<128xi32, #tpu.memory_space<vmem>>
      %dma_start3A_66 = arith.constant 0 : i32
      %dma_start3A_67 = tpu.memref_slice %arg7[%dma_start3A_66] : memref<10240xf32, #tpu.memory_space<vmem_shared>> -> memref<10240xf32, #tpu.memory_space<vmem_shared>>
      tpu.enqueue_indirect_dma source(%arg5 : memref<128xf32, #tpu.memory_space<vmem>>) target(%dma_start3A_67 : memref<10240xf32, #tpu.memory_space<vmem_shared>>) offsets(%dma_start3A_65 : memref<128xi32, #tpu.memory_space<vmem>>) semaphore(%arg8 : memref<!tpu.dma_semaphore, #tpu.memory_space<semaphore_mem>>) {add = true}
      %add3A_68 = arith.constant 4 : i32
      %add3A_69 = arith.addi %add3A_40, %add3A_68 : i32
      %dma_start3A_70 = arith.constant 0 : i32
      %dma_start3A_71 = tpu.memref_slice %arg4[%add3A_69, %dma_start3A_70] : memref<40x128xi32, #tpu.memory_space<vmem>> -> memref<1x128xi32, #tpu.memory_space<vmem>>
      %dma_start3A_72 = tpu.memref_squeeze %dma_start3A_71 : memref<1x128xi32, #tpu.memory_space<vmem>> -> memref<128xi32, #tpu.memory_space<vmem>>
      %dma_start3A_73 = arith.constant 0 : i32
      %dma_start3A_74 = tpu.memref_slice %arg7[%dma_start3A_73] : memref<10240xf32, #tpu.memory_space<vmem_shared>> -> memref<10240xf32, #tpu.memory_space<vmem_shared>>
      tpu.enqueue_indirect_dma source(%arg5 : memref<128xf32, #tpu.memory_space<vmem>>) target(%dma_start3A_74 : memref<10240xf32, #tpu.memory_space<vmem_shared>>) offsets(%dma_start3A_72 : memref<128xi32, #tpu.memory_space<vmem>>) semaphore(%arg8 : memref<!tpu.dma_semaphore, #tpu.memory_space<semaphore_mem>>) {add = true}
      %add3A_75 = arith.constant 5 : i32
      %add3A_76 = arith.addi %add3A_40, %add3A_75 : i32
      %dma_start3A_77 = arith.constant 0 : i32
      %dma_start3A_78 = tpu.memref_slice %arg4[%add3A_76, %dma_start3A_77] : memref<40x128xi32, #tpu.memory_space<vmem>> -> memref<1x128xi32, #tpu.memory_space<vmem>>
      %dma_start3A_79 = tpu.memref_squeeze %dma_start3A_78 : memref<1x128xi32, #tpu.memory_space<vmem>> -> memref<128xi32, #tpu.memory_space<vmem>>
      %dma_start3A_80 = arith.constant 0 : i32
      %dma_start3A_81 = tpu.memref_slice %arg7[%dma_start3A_80] : memref<10240xf32, #tpu.memory_space<vmem_shared>> -> memref<10240xf32, #tpu.memory_space<vmem_shared>>
      tpu.enqueue_indirect_dma source(%arg5 : memref<128xf32, #tpu.memory_space<vmem>>) target(%dma_start3A_81 : memref<10240xf32, #tpu.memory_space<vmem_shared>>) offsets(%dma_start3A_79 : memref<128xi32, #tpu.memory_space<vmem>>) semaphore(%arg8 : memref<!tpu.dma_semaphore, #tpu.memory_space<semaphore_mem>>) {add = true}
      %add3A_82 = arith.constant 6 : i32
      %add3A_83 = arith.addi %add3A_40, %add3A_82 : i32
      %dma_start3A_84 = arith.constant 0 : i32
      %dma_start3A_85 = tpu.memref_slice %arg4[%add3A_83, %dma_start3A_84] : memref<40x128xi32, #tpu.memory_space<vmem>> -> memref<1x128xi32, #tpu.memory_space<vmem>>
      %dma_start3A_86 = tpu.memref_squeeze %dma_start3A_85 : memref<1x128xi32, #tpu.memory_space<vmem>> -> memref<128xi32, #tpu.memory_space<vmem>>
      %dma_start3A_87 = arith.constant 0 : i32
      %dma_start3A_88 = tpu.memref_slice %arg7[%dma_start3A_87] : memref<10240xf32, #tpu.memory_space<vmem_shared>> -> memref<10240xf32, #tpu.memory_space<vmem_shared>>
      tpu.enqueue_indirect_dma source(%arg5 : memref<128xf32, #tpu.memory_space<vmem>>) target(%dma_start3A_88 : memref<10240xf32, #tpu.memory_space<vmem_shared>>) offsets(%dma_start3A_86 : memref<128xi32, #tpu.memory_space<vmem>>) semaphore(%arg8 : memref<!tpu.dma_semaphore, #tpu.memory_space<semaphore_mem>>) {add = true}
      %add3A_89 = arith.constant 7 : i32
      %add3A_90 = arith.addi %add3A_40, %add3A_89 : i32
      %dma_start3A_91 = arith.constant 0 : i32
      %dma_start3A_92 = tpu.memref_slice %arg4[%add3A_90, %dma_start3A_91] : memref<40x128xi32, #tpu.memory_space<vmem>> -> memref<1x128xi32, #tpu.memory_space<vmem>>
      %dma_start3A_93 = tpu.memref_squeeze %dma_start3A_92 : memref<1x128xi32, #tpu.memory_space<vmem>> -> memref<128xi32, #tpu.memory_space<vmem>>
      %dma_start3A_94 = arith.constant 0 : i32
      %dma_start3A_95 = tpu.memref_slice %arg7[%dma_start3A_94] : memref<10240xf32, #tpu.memory_space<vmem_shared>> -> memref<10240xf32, #tpu.memory_space<vmem_shared>>
      tpu.enqueue_indirect_dma source(%arg5 : memref<128xf32, #tpu.memory_space<vmem>>) target(%dma_start3A_95 : memref<10240xf32, #tpu.memory_space<vmem_shared>>) offsets(%dma_start3A_93 : memref<128xi32, #tpu.memory_space<vmem>>) semaphore(%arg8 : memref<!tpu.dma_semaphore, #tpu.memory_space<semaphore_mem>>) {add = true}
      %add3A_96 = arith.constant 0 : i32
      %add3A_97 = arith.addi %add3A_40, %add3A_96 : i32
      %dma_wait3A = arith.constant 0 : i32
      %dma_wait3A_98 = tpu.memref_slice %arg4[%add3A_97, %dma_wait3A] : memref<40x128xi32, #tpu.memory_space<vmem>> -> memref<1x128xi32, #tpu.memory_space<vmem>>
      %dma_wait3A_99 = tpu.memref_squeeze %dma_wait3A_98 : memref<1x128xi32, #tpu.memory_space<vmem>> -> memref<128xi32, #tpu.memory_space<vmem>>
      %dma_wait3A_100 = arith.constant 0 : i32
      %dma_wait3A_101 = tpu.memref_slice %arg7[%dma_wait3A_100] : memref<10240xf32, #tpu.memory_space<vmem_shared>> -> memref<10240xf32, #tpu.memory_space<vmem_shared>>
      tpu.wait_indirect_dma semaphore(%arg8 : memref<!tpu.dma_semaphore, #tpu.memory_space<semaphore_mem>>) src(%arg5 : memref<128xf32, #tpu.memory_space<vmem>>) dst(%dma_wait3A_101 : memref<10240xf32, #tpu.memory_space<vmem_shared>>)
      %add3A_102 = arith.constant 1 : i32
      %add3A_103 = arith.addi %add3A_40, %add3A_102 : i32
      %dma_wait3A_104 = arith.constant 0 : i32
      %dma_wait3A_105 = tpu.memref_slice %arg4[%add3A_103, %dma_wait3A_104] : memref<40x128xi32, #tpu.memory_space<vmem>> -> memref<1x128xi32, #tpu.memory_space<vmem>>
      %dma_wait3A_106 = tpu.memref_squeeze %dma_wait3A_105 : memref<1x128xi32, #tpu.memory_space<vmem>> -> memref<128xi32, #tpu.memory_space<vmem>>
      %dma_wait3A_107 = arith.constant 0 : i32
      %dma_wait3A_108 = tpu.memref_slice %arg7[%dma_wait3A_107] : memref<10240xf32, #tpu.memory_space<vmem_shared>> -> memref<10240xf32, #tpu.memory_space<vmem_shared>>
      tpu.wait_indirect_dma semaphore(%arg8 : memref<!tpu.dma_semaphore, #tpu.memory_space<semaphore_mem>>) src(%arg5 : memref<128xf32, #tpu.memory_space<vmem>>) dst(%dma_wait3A_108 : memref<10240xf32, #tpu.memory_space<vmem_shared>>)
      %add3A_109 = arith.constant 2 : i32
      %add3A_110 = arith.addi %add3A_40, %add3A_109 : i32
      %dma_wait3A_111 = arith.constant 0 : i32
      %dma_wait3A_112 = tpu.memref_slice %arg4[%add3A_110, %dma_wait3A_111] : memref<40x128xi32, #tpu.memory_space<vmem>> -> memref<1x128xi32, #tpu.memory_space<vmem>>
      %dma_wait3A_113 = tpu.memref_squeeze %dma_wait3A_112 : memref<1x128xi32, #tpu.memory_space<vmem>> -> memref<128xi32, #tpu.memory_space<vmem>>
      %dma_wait3A_114 = arith.constant 0 : i32
      %dma_wait3A_115 = tpu.memref_slice %arg7[%dma_wait3A_114] : memref<10240xf32, #tpu.memory_space<vmem_shared>> -> memref<10240xf32, #tpu.memory_space<vmem_shared>>
      tpu.wait_indirect_dma semaphore(%arg8 : memref<!tpu.dma_semaphore, #tpu.memory_space<semaphore_mem>>) src(%arg5 : memref<128xf32, #tpu.memory_space<vmem>>) dst(%dma_wait3A_115 : memref<10240xf32, #tpu.memory_space<vmem_shared>>)
      %add3A_116 = arith.constant 3 : i32
      %add3A_117 = arith.addi %add3A_40, %add3A_116 : i32
      %dma_wait3A_118 = arith.constant 0 : i32
      %dma_wait3A_119 = tpu.memref_slice %arg4[%add3A_117, %dma_wait3A_118] : memref<40x128xi32, #tpu.memory_space<vmem>> -> memref<1x128xi32, #tpu.memory_space<vmem>>
      %dma_wait3A_120 = tpu.memref_squeeze %dma_wait3A_119 : memref<1x128xi32, #tpu.memory_space<vmem>> -> memref<128xi32, #tpu.memory_space<vmem>>
      %dma_wait3A_121 = arith.constant 0 : i32
      %dma_wait3A_122 = tpu.memref_slice %arg7[%dma_wait3A_121] : memref<10240xf32, #tpu.memory_space<vmem_shared>> -> memref<10240xf32, #tpu.memory_space<vmem_shared>>
      tpu.wait_indirect_dma semaphore(%arg8 : memref<!tpu.dma_semaphore, #tpu.memory_space<semaphore_mem>>) src(%arg5 : memref<128xf32, #tpu.memory_space<vmem>>) dst(%dma_wait3A_122 : memref<10240xf32, #tpu.memory_space<vmem_shared>>)
      %add3A_123 = arith.constant 4 : i32
      %add3A_124 = arith.addi %add3A_40, %add3A_123 : i32
      %dma_wait3A_125 = arith.constant 0 : i32
      %dma_wait3A_126 = tpu.memref_slice %arg4[%add3A_124, %dma_wait3A_125] : memref<40x128xi32, #tpu.memory_space<vmem>> -> memref<1x128xi32, #tpu.memory_space<vmem>>
      %dma_wait3A_127 = tpu.memref_squeeze %dma_wait3A_126 : memref<1x128xi32, #tpu.memory_space<vmem>> -> memref<128xi32, #tpu.memory_space<vmem>>
      %dma_wait3A_128 = arith.constant 0 : i32
      %dma_wait3A_129 = tpu.memref_slice %arg7[%dma_wait3A_128] : memref<10240xf32, #tpu.memory_space<vmem_shared>> -> memref<10240xf32, #tpu.memory_space<vmem_shared>>
      tpu.wait_indirect_dma semaphore(%arg8 : memref<!tpu.dma_semaphore, #tpu.memory_space<semaphore_mem>>) src(%arg5 : memref<128xf32, #tpu.memory_space<vmem>>) dst(%dma_wait3A_129 : memref<10240xf32, #tpu.memory_space<vmem_shared>>)
      %add3A_130 = arith.constant 5 : i32
      %add3A_131 = arith.addi %add3A_40, %add3A_130 : i32
      %dma_wait3A_132 = arith.constant 0 : i32
      %dma_wait3A_133 = tpu.memref_slice %arg4[%add3A_131, %dma_wait3A_132] : memref<40x128xi32, #tpu.memory_space<vmem>> -> memref<1x128xi32, #tpu.memory_space<vmem>>
      %dma_wait3A_134 = tpu.memref_squeeze %dma_wait3A_133 : memref<1x128xi32, #tpu.memory_space<vmem>> -> memref<128xi32, #tpu.memory_space<vmem>>
      %dma_wait3A_135 = arith.constant 0 : i32
      %dma_wait3A_136 = tpu.memref_slice %arg7[%dma_wait3A_135] : memref<10240xf32, #tpu.memory_space<vmem_shared>> -> memref<10240xf32, #tpu.memory_space<vmem_shared>>
      tpu.wait_indirect_dma semaphore(%arg8 : memref<!tpu.dma_semaphore, #tpu.memory_space<semaphore_mem>>) src(%arg5 : memref<128xf32, #tpu.memory_space<vmem>>) dst(%dma_wait3A_136 : memref<10240xf32, #tpu.memory_space<vmem_shared>>)
      %add3A_137 = arith.constant 6 : i32
      %add3A_138 = arith.addi %add3A_40, %add3A_137 : i32
      %dma_wait3A_139 = arith.constant 0 : i32
      %dma_wait3A_140 = tpu.memref_slice %arg4[%add3A_138, %dma_wait3A_139] : memref<40x128xi32, #tpu.memory_space<vmem>> -> memref<1x128xi32, #tpu.memory_space<vmem>>
      %dma_wait3A_141 = tpu.memref_squeeze %dma_wait3A_140 : memref<1x128xi32, #tpu.memory_space<vmem>> -> memref<128xi32, #tpu.memory_space<vmem>>
      %dma_wait3A_142 = arith.constant 0 : i32
      %dma_wait3A_143 = tpu.memref_slice %arg7[%dma_wait3A_142] : memref<10240xf32, #tpu.memory_space<vmem_shared>> -> memref<10240xf32, #tpu.memory_space<vmem_shared>>
      tpu.wait_indirect_dma semaphore(%arg8 : memref<!tpu.dma_semaphore, #tpu.memory_space<semaphore_mem>>) src(%arg5 : memref<128xf32, #tpu.memory_space<vmem>>) dst(%dma_wait3A_143 : memref<10240xf32, #tpu.memory_space<vmem_shared>>)
      %add3A_144 = arith.constant 7 : i32
      %add3A_145 = arith.addi %add3A_40, %add3A_144 : i32
      %dma_wait3A_146 = arith.constant 0 : i32
      %dma_wait3A_147 = tpu.memref_slice %arg4[%add3A_145, %dma_wait3A_146] : memref<40x128xi32, #tpu.memory_space<vmem>> -> memref<1x128xi32, #tpu.memory_space<vmem>>
      %dma_wait3A_148 = tpu.memref_squeeze %dma_wait3A_147 : memref<1x128xi32, #tpu.memory_space<vmem>> -> memref<128xi32, #tpu.memory_space<vmem>>
      %dma_wait3A_149 = arith.constant 0 : i32
      %dma_wait3A_150 = tpu.memref_slice %arg7[%dma_wait3A_149] : memref<10240xf32, #tpu.memory_space<vmem_shared>> -> memref<10240xf32, #tpu.memory_space<vmem_shared>>
      tpu.wait_indirect_dma semaphore(%arg8 : memref<!tpu.dma_semaphore, #tpu.memory_space<semaphore_mem>>) src(%arg5 : memref<128xf32, #tpu.memory_space<vmem>>) dst(%dma_wait3A_150 : memref<10240xf32, #tpu.memory_space<vmem_shared>>)
    }
    %scan3A_20 = arith.constant 5 : i32
    %mul3A_21 = arith.constant 80 : i32
    %mul3A_22 = arith.muli %add3A, %mul3A_21 : i32
    %add3A_23 = arith.constant 40 : i32
    %add3A_24 = arith.addi %mul3A_22, %add3A_23 : i32
    %run_scoped3A_25 = arith.constant 1 : i32
    "tpu.region"() ({
      %run_scoped3A_36 = tpu.sem_alloc : memref<!tpu.dma_semaphore, #tpu.memory_space<semaphore_mem>>
      %dma_start3A = arith.constant 0 : i32
      %dma_start3A_37 = tpu.memref_slice %arg2[%run_scoped3A_25, %add3A_24, %dma_start3A] : memref<2x2560x128xi32, #tpu.memory_space<hbm>> -> memref<1x40x128xi32, #tpu.memory_space<hbm>>
      %dma_start3A_38 = tpu.memref_squeeze %dma_start3A_37 : memref<1x40x128xi32, #tpu.memory_space<hbm>> -> memref<40x128xi32, #tpu.memory_space<hbm>>
      %dma_start3A_39 = arith.constant 0 : i32
      %dma_start3A_40 = tpu.memref_slice %arg2[%run_scoped3A_25, %add3A_24, %dma_start3A_39] : memref<2x2560x128xi32, #tpu.memory_space<hbm>> -> memref<1x40x128xi32, #tpu.memory_space<hbm>>
      %dma_start3A_41 = tpu.memref_squeeze %dma_start3A_40 : memref<1x40x128xi32, #tpu.memory_space<hbm>> -> memref<40x128xi32, #tpu.memory_space<hbm>>
      tpu.enqueue_dma source(%dma_start3A_41 : memref<40x128xi32, #tpu.memory_space<hbm>>) target(%arg4 : memref<40x128xi32, #tpu.memory_space<vmem>>) target_semaphore(%run_scoped3A_36 : memref<!tpu.dma_semaphore, #tpu.memory_space<semaphore_mem>>)
      %dma_wait3A = arith.constant 0 : i32
      %dma_wait3A_42 = tpu.memref_slice %arg2[%run_scoped3A_25, %add3A_24, %dma_wait3A] : memref<2x2560x128xi32, #tpu.memory_space<hbm>> -> memref<1x40x128xi32, #tpu.memory_space<hbm>>
      %dma_wait3A_43 = tpu.memref_squeeze %dma_wait3A_42 : memref<1x40x128xi32, #tpu.memory_space<hbm>> -> memref<40x128xi32, #tpu.memory_space<hbm>>
      %dma_wait3A_44 = arith.constant 0 : i32
      %dma_wait3A_45 = tpu.memref_slice %arg2[%run_scoped3A_25, %add3A_24, %dma_wait3A_44] : memref<2x2560x128xi32, #tpu.memory_space<hbm>> -> memref<1x40x128xi32, #tpu.memory_space<hbm>>
      %dma_wait3A_46 = tpu.memref_squeeze %dma_wait3A_45 : memref<1x40x128xi32, #tpu.memory_space<hbm>> -> memref<40x128xi32, #tpu.memory_space<hbm>>
      tpu.wait_dma2 semaphore(%run_scoped3A_36 : memref<!tpu.dma_semaphore, #tpu.memory_space<semaphore_mem>>) src(%dma_wait3A_46 : memref<40x128xi32, #tpu.memory_space<hbm>>) dst(%arg4 : memref<40x128xi32, #tpu.memory_space<vmem>>)
      tpu.yield
    }) : () -> ()
    %scan3A_26 = arith.constant 0 : i32
    %scan3A_27 = arith.constant 5 : i32
    %scan3A_28 = arith.addi %scan3A_26, %scan3A_27 : i32
    %scan3A_29 = arith.constant 1 : i32
    scf.for %scan3A_36 = %scan3A_26 to %scan3A_28 step %scan3A_29  : i32 {
      %mul3A_37 = arith.constant 8 : i32
      %mul3A_38 = arith.muli %scan3A_36, %mul3A_37 : i32
      %add3A_39 = arith.constant 0 : i32
      %add3A_40 = arith.addi %add3A_39, %mul3A_38 : i32
      %add3A_41 = arith.constant 0 : i32
      %add3A_42 = arith.addi %add3A_40, %add3A_41 : i32
      %dma_start3A = arith.constant 0 : i32
      %dma_start3A_43 = tpu.memref_slice %arg4[%add3A_42, %dma_start3A] : memref<40x128xi32, #tpu.memory_space<vmem>> -> memref<1x128xi32, #tpu.memory_space<vmem>>
      %dma_start3A_44 = tpu.memref_squeeze %dma_start3A_43 : memref<1x128xi32, #tpu.memory_space<vmem>> -> memref<128xi32, #tpu.memory_space<vmem>>
      %dma_start3A_45 = arith.constant 0 : i32
      %dma_start3A_46 = tpu.memref_slice %arg7[%dma_start3A_45] : memref<10240xf32, #tpu.memory_space<vmem_shared>> -> memref<10240xf32, #tpu.memory_space<vmem_shared>>
      tpu.enqueue_indirect_dma source(%arg5 : memref<128xf32, #tpu.memory_space<vmem>>) target(%dma_start3A_46 : memref<10240xf32, #tpu.memory_space<vmem_shared>>) offsets(%dma_start3A_44 : memref<128xi32, #tpu.memory_space<vmem>>) semaphore(%arg8 : memref<!tpu.dma_semaphore, #tpu.memory_space<semaphore_mem>>) {add = true}
      %add3A_47 = arith.constant 1 : i32
      %add3A_48 = arith.addi %add3A_40, %add3A_47 : i32
      %dma_start3A_49 = arith.constant 0 : i32
      %dma_start3A_50 = tpu.memref_slice %arg4[%add3A_48, %dma_start3A_49] : memref<40x128xi32, #tpu.memory_space<vmem>> -> memref<1x128xi32, #tpu.memory_space<vmem>>
      %dma_start3A_51 = tpu.memref_squeeze %dma_start3A_50 : memref<1x128xi32, #tpu.memory_space<vmem>> -> memref<128xi32, #tpu.memory_space<vmem>>
      %dma_start3A_52 = arith.constant 0 : i32
      %dma_start3A_53 = tpu.memref_slice %arg7[%dma_start3A_52] : memref<10240xf32, #tpu.memory_space<vmem_shared>> -> memref<10240xf32, #tpu.memory_space<vmem_shared>>
      tpu.enqueue_indirect_dma source(%arg5 : memref<128xf32, #tpu.memory_space<vmem>>) target(%dma_start3A_53 : memref<10240xf32, #tpu.memory_space<vmem_shared>>) offsets(%dma_start3A_51 : memref<128xi32, #tpu.memory_space<vmem>>) semaphore(%arg8 : memref<!tpu.dma_semaphore, #tpu.memory_space<semaphore_mem>>) {add = true}
      %add3A_54 = arith.constant 2 : i32
      %add3A_55 = arith.addi %add3A_40, %add3A_54 : i32
      %dma_start3A_56 = arith.constant 0 : i32
      %dma_start3A_57 = tpu.memref_slice %arg4[%add3A_55, %dma_start3A_56] : memref<40x128xi32, #tpu.memory_space<vmem>> -> memref<1x128xi32, #tpu.memory_space<vmem>>
      %dma_start3A_58 = tpu.memref_squeeze %dma_start3A_57 : memref<1x128xi32, #tpu.memory_space<vmem>> -> memref<128xi32, #tpu.memory_space<vmem>>
      %dma_start3A_59 = arith.constant 0 : i32
      %dma_start3A_60 = tpu.memref_slice %arg7[%dma_start3A_59] : memref<10240xf32, #tpu.memory_space<vmem_shared>> -> memref<10240xf32, #tpu.memory_space<vmem_shared>>
      tpu.enqueue_indirect_dma source(%arg5 : memref<128xf32, #tpu.memory_space<vmem>>) target(%dma_start3A_60 : memref<10240xf32, #tpu.memory_space<vmem_shared>>) offsets(%dma_start3A_58 : memref<128xi32, #tpu.memory_space<vmem>>) semaphore(%arg8 : memref<!tpu.dma_semaphore, #tpu.memory_space<semaphore_mem>>) {add = true}
      %add3A_61 = arith.constant 3 : i32
      %add3A_62 = arith.addi %add3A_40, %add3A_61 : i32
      %dma_start3A_63 = arith.constant 0 : i32
      %dma_start3A_64 = tpu.memref_slice %arg4[%add3A_62, %dma_start3A_63] : memref<40x128xi32, #tpu.memory_space<vmem>> -> memref<1x128xi32, #tpu.memory_space<vmem>>
      %dma_start3A_65 = tpu.memref_squeeze %dma_start3A_64 : memref<1x128xi32, #tpu.memory_space<vmem>> -> memref<128xi32, #tpu.memory_space<vmem>>
      %dma_start3A_66 = arith.constant 0 : i32
      %dma_start3A_67 = tpu.memref_slice %arg7[%dma_start3A_66] : memref<10240xf32, #tpu.memory_space<vmem_shared>> -> memref<10240xf32, #tpu.memory_space<vmem_shared>>
      tpu.enqueue_indirect_dma source(%arg5 : memref<128xf32, #tpu.memory_space<vmem>>) target(%dma_start3A_67 : memref<10240xf32, #tpu.memory_space<vmem_shared>>) offsets(%dma_start3A_65 : memref<128xi32, #tpu.memory_space<vmem>>) semaphore(%arg8 : memref<!tpu.dma_semaphore, #tpu.memory_space<semaphore_mem>>) {add = true}
      %add3A_68 = arith.constant 4 : i32
      %add3A_69 = arith.addi %add3A_40, %add3A_68 : i32
      %dma_start3A_70 = arith.constant 0 : i32
      %dma_start3A_71 = tpu.memref_slice %arg4[%add3A_69, %dma_start3A_70] : memref<40x128xi32, #tpu.memory_space<vmem>> -> memref<1x128xi32, #tpu.memory_space<vmem>>
      %dma_start3A_72 = tpu.memref_squeeze %dma_start3A_71 : memref<1x128xi32, #tpu.memory_space<vmem>> -> memref<128xi32, #tpu.memory_space<vmem>>
      %dma_start3A_73 = arith.constant 0 : i32
      %dma_start3A_74 = tpu.memref_slice %arg7[%dma_start3A_73] : memref<10240xf32, #tpu.memory_space<vmem_shared>> -> memref<10240xf32, #tpu.memory_space<vmem_shared>>
      tpu.enqueue_indirect_dma source(%arg5 : memref<128xf32, #tpu.memory_space<vmem>>) target(%dma_start3A_74 : memref<10240xf32, #tpu.memory_space<vmem_shared>>) offsets(%dma_start3A_72 : memref<128xi32, #tpu.memory_space<vmem>>) semaphore(%arg8 : memref<!tpu.dma_semaphore, #tpu.memory_space<semaphore_mem>>) {add = true}
      %add3A_75 = arith.constant 5 : i32
      %add3A_76 = arith.addi %add3A_40, %add3A_75 : i32
      %dma_start3A_77 = arith.constant 0 : i32
      %dma_start3A_78 = tpu.memref_slice %arg4[%add3A_76, %dma_start3A_77] : memref<40x128xi32, #tpu.memory_space<vmem>> -> memref<1x128xi32, #tpu.memory_space<vmem>>
      %dma_start3A_79 = tpu.memref_squeeze %dma_start3A_78 : memref<1x128xi32, #tpu.memory_space<vmem>> -> memref<128xi32, #tpu.memory_space<vmem>>
      %dma_start3A_80 = arith.constant 0 : i32
      %dma_start3A_81 = tpu.memref_slice %arg7[%dma_start3A_80] : memref<10240xf32, #tpu.memory_space<vmem_shared>> -> memref<10240xf32, #tpu.memory_space<vmem_shared>>
      tpu.enqueue_indirect_dma source(%arg5 : memref<128xf32, #tpu.memory_space<vmem>>) target(%dma_start3A_81 : memref<10240xf32, #tpu.memory_space<vmem_shared>>) offsets(%dma_start3A_79 : memref<128xi32, #tpu.memory_space<vmem>>) semaphore(%arg8 : memref<!tpu.dma_semaphore, #tpu.memory_space<semaphore_mem>>) {add = true}
      %add3A_82 = arith.constant 6 : i32
      %add3A_83 = arith.addi %add3A_40, %add3A_82 : i32
      %dma_start3A_84 = arith.constant 0 : i32
      %dma_start3A_85 = tpu.memref_slice %arg4[%add3A_83, %dma_start3A_84] : memref<40x128xi32, #tpu.memory_space<vmem>> -> memref<1x128xi32, #tpu.memory_space<vmem>>
      %dma_start3A_86 = tpu.memref_squeeze %dma_start3A_85 : memref<1x128xi32, #tpu.memory_space<vmem>> -> memref<128xi32, #tpu.memory_space<vmem>>
      %dma_start3A_87 = arith.constant 0 : i32
      %dma_start3A_88 = tpu.memref_slice %arg7[%dma_start3A_87] : memref<10240xf32, #tpu.memory_space<vmem_shared>> -> memref<10240xf32, #tpu.memory_space<vmem_shared>>
      tpu.enqueue_indirect_dma source(%arg5 : memref<128xf32, #tpu.memory_space<vmem>>) target(%dma_start3A_88 : memref<10240xf32, #tpu.memory_space<vmem_shared>>) offsets(%dma_start3A_86 : memref<128xi32, #tpu.memory_space<vmem>>) semaphore(%arg8 : memref<!tpu.dma_semaphore, #tpu.memory_space<semaphore_mem>>) {add = true}
      %add3A_89 = arith.constant 7 : i32
      %add3A_90 = arith.addi %add3A_40, %add3A_89 : i32
      %dma_start3A_91 = arith.constant 0 : i32
      %dma_start3A_92 = tpu.memref_slice %arg4[%add3A_90, %dma_start3A_91] : memref<40x128xi32, #tpu.memory_space<vmem>> -> memref<1x128xi32, #tpu.memory_space<vmem>>
      %dma_start3A_93 = tpu.memref_squeeze %dma_start3A_92 : memref<1x128xi32, #tpu.memory_space<vmem>> -> memref<128xi32, #tpu.memory_space<vmem>>
      %dma_start3A_94 = arith.constant 0 : i32
      %dma_start3A_95 = tpu.memref_slice %arg7[%dma_start3A_94] : memref<10240xf32, #tpu.memory_space<vmem_shared>> -> memref<10240xf32, #tpu.memory_space<vmem_shared>>
      tpu.enqueue_indirect_dma source(%arg5 : memref<128xf32, #tpu.memory_space<vmem>>) target(%dma_start3A_95 : memref<10240xf32, #tpu.memory_space<vmem_shared>>) offsets(%dma_start3A_93 : memref<128xi32, #tpu.memory_space<vmem>>) semaphore(%arg8 : memref<!tpu.dma_semaphore, #tpu.memory_space<semaphore_mem>>) {add = true}
      %add3A_96 = arith.constant 0 : i32
      %add3A_97 = arith.addi %add3A_40, %add3A_96 : i32
      %dma_wait3A = arith.constant 0 : i32
      %dma_wait3A_98 = tpu.memref_slice %arg4[%add3A_97, %dma_wait3A] : memref<40x128xi32, #tpu.memory_space<vmem>> -> memref<1x128xi32, #tpu.memory_space<vmem>>
      %dma_wait3A_99 = tpu.memref_squeeze %dma_wait3A_98 : memref<1x128xi32, #tpu.memory_space<vmem>> -> memref<128xi32, #tpu.memory_space<vmem>>
      %dma_wait3A_100 = arith.constant 0 : i32
      %dma_wait3A_101 = tpu.memref_slice %arg7[%dma_wait3A_100] : memref<10240xf32, #tpu.memory_space<vmem_shared>> -> memref<10240xf32, #tpu.memory_space<vmem_shared>>
      tpu.wait_indirect_dma semaphore(%arg8 : memref<!tpu.dma_semaphore, #tpu.memory_space<semaphore_mem>>) src(%arg5 : memref<128xf32, #tpu.memory_space<vmem>>) dst(%dma_wait3A_101 : memref<10240xf32, #tpu.memory_space<vmem_shared>>)
      %add3A_102 = arith.constant 1 : i32
      %add3A_103 = arith.addi %add3A_40, %add3A_102 : i32
      %dma_wait3A_104 = arith.constant 0 : i32
      %dma_wait3A_105 = tpu.memref_slice %arg4[%add3A_103, %dma_wait3A_104] : memref<40x128xi32, #tpu.memory_space<vmem>> -> memref<1x128xi32, #tpu.memory_space<vmem>>
      %dma_wait3A_106 = tpu.memref_squeeze %dma_wait3A_105 : memref<1x128xi32, #tpu.memory_space<vmem>> -> memref<128xi32, #tpu.memory_space<vmem>>
      %dma_wait3A_107 = arith.constant 0 : i32
      %dma_wait3A_108 = tpu.memref_slice %arg7[%dma_wait3A_107] : memref<10240xf32, #tpu.memory_space<vmem_shared>> -> memref<10240xf32, #tpu.memory_space<vmem_shared>>
      tpu.wait_indirect_dma semaphore(%arg8 : memref<!tpu.dma_semaphore, #tpu.memory_space<semaphore_mem>>) src(%arg5 : memref<128xf32, #tpu.memory_space<vmem>>) dst(%dma_wait3A_108 : memref<10240xf32, #tpu.memory_space<vmem_shared>>)
      %add3A_109 = arith.constant 2 : i32
      %add3A_110 = arith.addi %add3A_40, %add3A_109 : i32
      %dma_wait3A_111 = arith.constant 0 : i32
      %dma_wait3A_112 = tpu.memref_slice %arg4[%add3A_110, %dma_wait3A_111] : memref<40x128xi32, #tpu.memory_space<vmem>> -> memref<1x128xi32, #tpu.memory_space<vmem>>
      %dma_wait3A_113 = tpu.memref_squeeze %dma_wait3A_112 : memref<1x128xi32, #tpu.memory_space<vmem>> -> memref<128xi32, #tpu.memory_space<vmem>>
      %dma_wait3A_114 = arith.constant 0 : i32
      %dma_wait3A_115 = tpu.memref_slice %arg7[%dma_wait3A_114] : memref<10240xf32, #tpu.memory_space<vmem_shared>> -> memref<10240xf32, #tpu.memory_space<vmem_shared>>
      tpu.wait_indirect_dma semaphore(%arg8 : memref<!tpu.dma_semaphore, #tpu.memory_space<semaphore_mem>>) src(%arg5 : memref<128xf32, #tpu.memory_space<vmem>>) dst(%dma_wait3A_115 : memref<10240xf32, #tpu.memory_space<vmem_shared>>)
      %add3A_116 = arith.constant 3 : i32
      %add3A_117 = arith.addi %add3A_40, %add3A_116 : i32
      %dma_wait3A_118 = arith.constant 0 : i32
      %dma_wait3A_119 = tpu.memref_slice %arg4[%add3A_117, %dma_wait3A_118] : memref<40x128xi32, #tpu.memory_space<vmem>> -> memref<1x128xi32, #tpu.memory_space<vmem>>
      %dma_wait3A_120 = tpu.memref_squeeze %dma_wait3A_119 : memref<1x128xi32, #tpu.memory_space<vmem>> -> memref<128xi32, #tpu.memory_space<vmem>>
      %dma_wait3A_121 = arith.constant 0 : i32
      %dma_wait3A_122 = tpu.memref_slice %arg7[%dma_wait3A_121] : memref<10240xf32, #tpu.memory_space<vmem_shared>> -> memref<10240xf32, #tpu.memory_space<vmem_shared>>
      tpu.wait_indirect_dma semaphore(%arg8 : memref<!tpu.dma_semaphore, #tpu.memory_space<semaphore_mem>>) src(%arg5 : memref<128xf32, #tpu.memory_space<vmem>>) dst(%dma_wait3A_122 : memref<10240xf32, #tpu.memory_space<vmem_shared>>)
      %add3A_123 = arith.constant 4 : i32
      %add3A_124 = arith.addi %add3A_40, %add3A_123 : i32
      %dma_wait3A_125 = arith.constant 0 : i32
      %dma_wait3A_126 = tpu.memref_slice %arg4[%add3A_124, %dma_wait3A_125] : memref<40x128xi32, #tpu.memory_space<vmem>> -> memref<1x128xi32, #tpu.memory_space<vmem>>
      %dma_wait3A_127 = tpu.memref_squeeze %dma_wait3A_126 : memref<1x128xi32, #tpu.memory_space<vmem>> -> memref<128xi32, #tpu.memory_space<vmem>>
      %dma_wait3A_128 = arith.constant 0 : i32
      %dma_wait3A_129 = tpu.memref_slice %arg7[%dma_wait3A_128] : memref<10240xf32, #tpu.memory_space<vmem_shared>> -> memref<10240xf32, #tpu.memory_space<vmem_shared>>
      tpu.wait_indirect_dma semaphore(%arg8 : memref<!tpu.dma_semaphore, #tpu.memory_space<semaphore_mem>>) src(%arg5 : memref<128xf32, #tpu.memory_space<vmem>>) dst(%dma_wait3A_129 : memref<10240xf32, #tpu.memory_space<vmem_shared>>)
      %add3A_130 = arith.constant 5 : i32
      %add3A_131 = arith.addi %add3A_40, %add3A_130 : i32
      %dma_wait3A_132 = arith.constant 0 : i32
      %dma_wait3A_133 = tpu.memref_slice %arg4[%add3A_131, %dma_wait3A_132] : memref<40x128xi32, #tpu.memory_space<vmem>> -> memref<1x128xi32, #tpu.memory_space<vmem>>
      %dma_wait3A_134 = tpu.memref_squeeze %dma_wait3A_133 : memref<1x128xi32, #tpu.memory_space<vmem>> -> memref<128xi32, #tpu.memory_space<vmem>>
      %dma_wait3A_135 = arith.constant 0 : i32
      %dma_wait3A_136 = tpu.memref_slice %arg7[%dma_wait3A_135] : memref<10240xf32, #tpu.memory_space<vmem_shared>> -> memref<10240xf32, #tpu.memory_space<vmem_shared>>
      tpu.wait_indirect_dma semaphore(%arg8 : memref<!tpu.dma_semaphore, #tpu.memory_space<semaphore_mem>>) src(%arg5 : memref<128xf32, #tpu.memory_space<vmem>>) dst(%dma_wait3A_136 : memref<10240xf32, #tpu.memory_space<vmem_shared>>)
      %add3A_137 = arith.constant 6 : i32
      %add3A_138 = arith.addi %add3A_40, %add3A_137 : i32
      %dma_wait3A_139 = arith.constant 0 : i32
      %dma_wait3A_140 = tpu.memref_slice %arg4[%add3A_138, %dma_wait3A_139] : memref<40x128xi32, #tpu.memory_space<vmem>> -> memref<1x128xi32, #tpu.memory_space<vmem>>
      %dma_wait3A_141 = tpu.memref_squeeze %dma_wait3A_140 : memref<1x128xi32, #tpu.memory_space<vmem>> -> memref<128xi32, #tpu.memory_space<vmem>>
      %dma_wait3A_142 = arith.constant 0 : i32
      %dma_wait3A_143 = tpu.memref_slice %arg7[%dma_wait3A_142] : memref<10240xf32, #tpu.memory_space<vmem_shared>> -> memref<10240xf32, #tpu.memory_space<vmem_shared>>
      tpu.wait_indirect_dma semaphore(%arg8 : memref<!tpu.dma_semaphore, #tpu.memory_space<semaphore_mem>>) src(%arg5 : memref<128xf32, #tpu.memory_space<vmem>>) dst(%dma_wait3A_143 : memref<10240xf32, #tpu.memory_space<vmem_shared>>)
      %add3A_144 = arith.constant 7 : i32
      %add3A_145 = arith.addi %add3A_40, %add3A_144 : i32
      %dma_wait3A_146 = arith.constant 0 : i32
      %dma_wait3A_147 = tpu.memref_slice %arg4[%add3A_145, %dma_wait3A_146] : memref<40x128xi32, #tpu.memory_space<vmem>> -> memref<1x128xi32, #tpu.memory_space<vmem>>
      %dma_wait3A_148 = tpu.memref_squeeze %dma_wait3A_147 : memref<1x128xi32, #tpu.memory_space<vmem>> -> memref<128xi32, #tpu.memory_space<vmem>>
      %dma_wait3A_149 = arith.constant 0 : i32
      %dma_wait3A_150 = tpu.memref_slice %arg7[%dma_wait3A_149] : memref<10240xf32, #tpu.memory_space<vmem_shared>> -> memref<10240xf32, #tpu.memory_space<vmem_shared>>
      tpu.wait_indirect_dma semaphore(%arg8 : memref<!tpu.dma_semaphore, #tpu.memory_space<semaphore_mem>>) src(%arg5 : memref<128xf32, #tpu.memory_space<vmem>>) dst(%dma_wait3A_150 : memref<10240xf32, #tpu.memory_space<vmem_shared>>)
    }
    %scan3A_30 = arith.constant 5 : i32
    %barrier3A_31 = arith.constant 0 : index
    tpu.barrier barrier_id(%barrier3A_31)
    %mul3A_32 = arith.constant 640 : i32
    %mul3A_33 = arith.muli %arg1, %mul3A_32 : i32
    %mul3A_34 = arith.constant 640 : i32
    %mul3A_35 = arith.muli %arg1, %mul3A_34 : i32
    "tpu.region"() ({
      %run_scoped3A_36 = tpu.sem_alloc : memref<!tpu.dma_semaphore, #tpu.memory_space<semaphore_mem>>
      %dma_start3A = tpu.memref_slice %arg3[%arg0, %mul3A_35] : memref<2x10240xf32, #tpu.memory_space<hbm>> -> memref<1x640xf32, #tpu.memory_space<hbm>>
      %dma_start3A_37 = tpu.memref_squeeze %dma_start3A : memref<1x640xf32, #tpu.memory_space<hbm>> -> memref<640xf32, #tpu.memory_space<hbm>>
      %dma_start3A_38 = tpu.memref_slice %arg7[%mul3A_33] : memref<10240xf32, #tpu.memory_space<vmem_shared>> -> memref<640xf32, #tpu.memory_space<vmem_shared>>
      tpu.enqueue_dma source(%dma_start3A_38 : memref<640xf32, #tpu.memory_space<vmem_shared>>) target(%dma_start3A_37 : memref<640xf32, #tpu.memory_space<hbm>>) target_semaphore(%run_scoped3A_36 : memref<!tpu.dma_semaphore, #tpu.memory_space<semaphore_mem>>)
      %dma_wait3A = tpu.memref_slice %arg3[%arg0, %mul3A_35] : memref<2x10240xf32, #tpu.memory_space<hbm>> -> memref<1x640xf32, #tpu.memory_space<hbm>>
      %dma_wait3A_39 = tpu.memref_squeeze %dma_wait3A : memref<1x640xf32, #tpu.memory_space<hbm>> -> memref<640xf32, #tpu.memory_space<hbm>>
      %dma_wait3A_40 = tpu.memref_slice %arg7[%mul3A_33] : memref<10240xf32, #tpu.memory_space<vmem_shared>> -> memref<640xf32, #tpu.memory_space<vmem_shared>>
      tpu.wait_dma2 semaphore(%run_scoped3A_36 : memref<!tpu.dma_semaphore, #tpu.memory_space<semaphore_mem>>) src(%dma_wait3A_40 : memref<640xf32, #tpu.memory_space<vmem_shared>>) dst(%dma_wait3A_39 : memref<640xf32, #tpu.memory_space<hbm>>)
      tpu.yield
    }) : () -> ()
    return
  }
}

module attributes {stable_mosaic.version = 14 : i64} {
  func.func @_scale_body(%arg0: memref<2x10240x1xf32, #tpu.memory_space<vmem>>, %arg1: memref<10000x128xf32, #tpu.memory_space<vmem>>, %arg2: memref<10240x1xf32, #tpu.memory_space<vmem>>, %arg3: memref<10000x128xf32, #tpu.memory_space<vmem>>) attributes {dimension_semantics = [], scalar_prefetch = 0 : i64, scratch_operands = 0 : i64, tpu.core_type = #tpu.core_type<tc>} {
    %get3A = arith.constant 0 : index
    %get3A_0 = arith.constant 0 : index
    %get3A_1 = arith.constant 0 : index
    %get3A_2 = vector.load %arg0[%get3A, %get3A_0, %get3A_1] : memref<2x10240x1xf32, #tpu.memory_space<vmem>>, vector<1x10240x1xf32>
    %get3A_3 = vector.shape_cast %get3A_2 : vector<1x10240x1xf32> to vector<10240x1xf32>
    %get3A_4 = arith.constant 1 : index
    %get3A_5 = arith.constant 0 : index
    %get3A_6 = arith.constant 0 : index
    %get3A_7 = vector.load %arg0[%get3A_4, %get3A_5, %get3A_6] : memref<2x10240x1xf32, #tpu.memory_space<vmem>>, vector<1x10240x1xf32>
    %get3A_8 = vector.shape_cast %get3A_7 : vector<1x10240x1xf32> to vector<10240x1xf32>
    %add3A = arith.addf %get3A_3, %get3A_8 : vector<10240x1xf32>
    %gt3A = arith.constant 0.000000e+00 : f32
    %gt3A_9 = vector.broadcast %gt3A : f32 to vector<10240x1xf32>
    %gt3A_10 = arith.cmpf ogt, %add3A, %gt3A_9 : vector<10240x1xf32>
    %rsqrt3A = math.rsqrt %add3A : vector<10240x1xf32>
    %jit3A = arith.constant 0.000000e+00 : f32
    %broadcast_in_dim3A = vector.broadcast %jit3A : f32 to vector<10240x1xf32>
    %select_n3A = arith.select %gt3A_10, %rsqrt3A, %broadcast_in_dim3A : vector<10240x1xi1>, vector<10240x1xf32>
    %swap3A = arith.constant 0 : index
    %swap3A_11 = arith.constant 0 : index
    %swap3A_12 = vector.load %arg2[%swap3A, %swap3A_11] : memref<10240x1xf32, #tpu.memory_space<vmem>>, vector<10240x1xf32>
    tpu.vector_store %arg2[%swap3A, %swap3A_11], %select_n3A {strides = array<i32>} : memref<10240x1xf32, #tpu.memory_space<vmem>>, vector<10240x1xf32>,
    %slice3A = vector.extract_strided_slice %select_n3A {offsets = [0, 0], sizes = [10000, 1], strides = [1, 1]} : vector<10240x1xf32> to vector<10000x1xf32>
    %get3A_13 = arith.constant 0 : index
    %get3A_14 = arith.constant 0 : index
    %get3A_15 = vector.load %arg1[%get3A_13, %get3A_14] : memref<10000x128xf32, #tpu.memory_space<vmem>>, vector<10000x128xf32>
    %mul3A = vector.broadcast %slice3A : vector<10000x1xf32> to vector<10000x128xf32>
    %mul3A_16 = arith.mulf %mul3A, %get3A_15 : vector<10000x128xf32>
    %swap3A_17 = arith.constant 0 : index
    %swap3A_18 = arith.constant 0 : index
    %swap3A_19 = vector.load %arg3[%swap3A_17, %swap3A_18] : memref<10000x128xf32, #tpu.memory_space<vmem>>, vector<10000x128xf32>
    tpu.vector_store %arg3[%swap3A_17, %swap3A_18], %mul3A_16 {strides = array<i32>} : memref<10000x128xf32, #tpu.memory_space<vmem>>, vector<10000x128xf32>,
    return
  }
}

module attributes {stable_mosaic.version = 14 : i64} {
  func.func @_combine_body(%arg0: memref<2x10240x128xf32, #tpu.memory_space<vmem>>, %arg1: memref<10240x1xf32, #tpu.memory_space<vmem>>, %arg2: memref<10000x128xf32, #tpu.memory_space<vmem>>) attributes {dimension_semantics = [], scalar_prefetch = 0 : i64, scratch_operands = 0 : i64, tpu.core_type = #tpu.core_type<tc>} {
    %get3A = arith.constant 0 : index
    %get3A_0 = arith.constant 0 : index
    %get3A_1 = arith.constant 0 : index
    %get3A_2 = vector.load %arg0[%get3A, %get3A_0, %get3A_1] : memref<2x10240x128xf32, #tpu.memory_space<vmem>>, vector<1x10000x128xf32>
    %get3A_3 = vector.shape_cast %get3A_2 : vector<1x10000x128xf32> to vector<10000x128xf32>
    %get3A_4 = arith.constant 1 : index
    %get3A_5 = arith.constant 0 : index
    %get3A_6 = arith.constant 0 : index
    %get3A_7 = vector.load %arg0[%get3A_4, %get3A_5, %get3A_6] : memref<2x10240x128xf32, #tpu.memory_space<vmem>>, vector<1x10000x128xf32>
    %get3A_8 = vector.shape_cast %get3A_7 : vector<1x10000x128xf32> to vector<10000x128xf32>
    %add3A = arith.addf %get3A_3, %get3A_8 : vector<10000x128xf32>
    %get3A_9 = arith.constant 0 : index
    %get3A_10 = arith.constant 0 : index
    %get3A_11 = vector.load %arg1[%get3A_9, %get3A_10] : memref<10240x1xf32, #tpu.memory_space<vmem>>, vector<10000x1xf32>
    %mul3A = vector.broadcast %get3A_11 : vector<10000x1xf32> to vector<10000x128xf32>
    %mul3A_12 = arith.mulf %mul3A, %add3A : vector<10000x128xf32>
    %swap3A = arith.constant 0 : index
    %swap3A_13 = arith.constant 0 : index
    %swap3A_14 = vector.load %arg2[%swap3A, %swap3A_13] : memref<10000x128xf32, #tpu.memory_space<vmem>>, vector<10000x128xf32>
    tpu.vector_store %arg2[%swap3A, %swap3A_13], %mul3A_12 {strides = array<i32>} : memref<10000x128xf32, #tpu.memory_space<vmem>>, vector<10000x128xf32>,
    return
  }
}

</mosaic_0001>

<sc_bundles>
// kernel: kernel.6.cloned.1.call-start
scs
__scs_entry_jumppad:
0x0: {  	(pc) =	sbr.rel $0x88, $3  }
0x1: {  	(tag) =	ssettag $0x0;
	lr =	simm.s32 $0x1  }
0x2: {  	[smem:$0x3F9F] =	sst lr;
	_ =	strace $0xD0000000  }
0x3: {  	_ = 	snop  }
0x4: {  	_ = 	snop  }
0x5: {  	_ = 	snop  }
0x6: {  	_ = 	snop  }
0x7: {  	_ = 	snop  }
__scs_overlays_trampoline_lowered:
0x8: {  	[smem:$0x3FAE] =	sst s0  }
0x9: {  	[smem:$0x3FAF] =	sst s1  }
0xa: {  	[smem:$0x3FB0] =	sst s2  }
0xb: {  	[smem:$0x3FB1] =	sst s3  }
0xc: {  	[smem:$0x3FB2] =	sst s4  }
0xd: {  	[smem:$0x3FB3] =	sst s5  }
0xe: {  	[smem:$0x3FB4] =	sst s6  }
0xf: {  	[smem:$0x3FB5] =	sst s7  }
0x10: {  	[smem:$0x3FB6] =	sst s8  }
0x11: {  	[smem:$0x3FB7] =	sst s9;
	s0 =	simm.s32 @!p0 $0x0  }
0x12: {  	s1 =	sld [smem:$0x3F9D];
	s0 =	simm.s32 @p0 $0x1  }
0x13: {  	[smem:$0x3FB8] =	sst s0;
	s0 =	simm.s32 @!p1 $0x0  }
0x14: {  	s2 =	sld [smem:$0x3F9C];
	s0 =	simm.s32 @p1 $0x1  }
0x15: {  	[smem:$0x3FB9] =	sst s0;
	s0 =	simm.s32 @!p2 $0x0  }
0x16: {  	s3 =	sld [smem:$0x3FDB];
	s0 =	simm.s32 @p2 $0x1  }
0x17: {  	s4 =	simm.s32 $0x1BF5;
	[smem:$0x3FBB] =	sst s0  }
0x18: {  	s0 =	sld [smem:$0x3F9E];
	_ =	swait.ge [sflag:s4], $0x0  }
0x19: {  	s7 =	sld [smem:$0x3F9F]  }
0x1a: {  	s8 =	sadd.s32 $0xFFFFE003, lr  }
0x1b: {  	s9 =	sadd.s32 $0xFFFFFEF7, lr;
	s5 =	simm.s32 $0xFFFFFFFF;
	p2 =	slt.u32 s8, $0xFFFFF086  }
0x1c: {  	p1 =	slt.u32 s9, $0xF7A;
	s5 =	simm.s32 @!p2 $0x0  }
0x1d: {  	s5 =	simm.s32 @p1 $0x1;
	p0 =	seq.s32 s7, s2  }
0x1e: {  	s7 =	smul.u32 @!p0 $0xF7A, s2;
	p2 =	seq.s32 @!p0 s5, $0x0  }
0x1f: {  	s9 =	smul.u32 $0xF7A, s1;
	s8 =	simm.s32 @!p0 $0x1BF5;
	p2 =	por !p2, p0  }
0x20: {  	[sflag:s8] =	ssyncset.s32 @!p0 $0xFFFFF086;
	s6 =	sadd.s32 @!p0 s3, s7;
	s7 =	simm.s32 @!p0 $0x108  }
0x21: {  	s3 =	sadd.s32 s3, s9;
	s6 =	sadd.s32 @!p0 $0x88, s6;
	s7 =	simm.s32 @p2 $0x1082  }
0x22: {  	[simem:s7], [sflag:s8] =	dma.local @!p0 [hbm:s6], $0xF7A  }
0x23: {  	s9 =	sor.u32 $0xD0000000, s2;
	s6 =	simm.s32 $0x108;
	_ =	swait.ge @!p0 [sflag:s8], $0x0  }
0x24: {  	s3 =	sadd.s32 $0x88, s3;
	s6 =	simm.s32 @!p1 $0x1082;
	[sflag:s4] =	ssyncset.s32 $0xFFFFF086  }
0x25: {  	[simem:s6], [sflag:s4] =	dma.local [hbm:s3], $0xF7A  }
0x26: {  	[smem:$0x3F9F] =	sst s1;
	(tag) =	ssettag s2;
	_ =	strace s9  }
0x27: {  	s1 =	sld [smem:$0x3FAF]  }
0x28: {  	s2 =	sld [smem:$0x3FB0]  }
0x29: {  	s4 =	sld [smem:$0x3FB2]  }
0x2a: {  	p0 =	seq.s32 s5, $0x0;
	s5 =	sld [smem:$0x3FB3]  }
0x2b: {  	s6 =	sld [smem:$0x3FB4]  }
0x2c: {  	s7 =	sld [smem:$0x3FB5]  }
0x2d: {  	s3 =	simm.s32 $0x108;
	s8 =	sld [smem:$0x3FB6]  }
0x2e: {  	s3 =	simm.s32 @!p0 $0x1082;
	s9 =	sld [smem:$0x3FB7]  }
0x2f: {  	lr =	sadd.s32 s0, s3;
	s0 =	sld [smem:$0x3FAE]  }
0x30: {  	s3 =	sld [smem:$0x3FB1]  }
0x31: {  	[smem:$0x3FBA] =	sst s10  }
0x32: {  	s10 =	sld [smem:$0x3FB8];
	_ =	sdelay $0x3  }
0x33: {  	p0 =	seq.s32 s10, $0x1;
	s10 =	sld [smem:$0x3FBA];
	_ =	sdelay $0x3  }
0x34: {  	[smem:$0x3FBA] =	sst s10  }
0x35: {  	s10 =	sld [smem:$0x3FB9];
	_ =	sdelay $0x3  }
0x36: {  	p1 =	seq.s32 s10, $0x1;
	s10 =	sld [smem:$0x3FBA];
	_ =	sdelay $0x3  }
0x37: {  	[smem:$0x3FBA] =	sst s10  }
0x38: {  	s10 =	sld [smem:$0x3FBB]  }
0x39: {  	_ = 	snop;
	(pc) =	sbr.ind lr, $3  }
0x3a: {  	_ = 	snop  }
0x3b: {  	_ = 	snop  }
0x3c: {  	p2 =	seq.s32 s10, $0x1;
	s10 =	sld [smem:$0x3FBA]  }
0x3d: {  	_ =	shalt  }
0x3e: {  	_ =	shalt  }
0x3f: {  	_ =	shalt  }
0x40: {  	_ =	shalt  }
0x41: {  	_ =	shalt  }
0x42: {  	_ =	shalt  }
0x43: {  	_ =	shalt  }
0x44: {  	_ =	shalt  }
0x45: {  	_ =	shalt  }
0x46: {  	_ =	shalt  }
0x47: {  	_ =	shalt  }
0x48: {  	_ =	shalt  }
0x49: {  	_ =	shalt  }
0x4a: {  	_ =	shalt  }
0x4b: {  	_ =	shalt  }
0x4c: {  	_ =	shalt  }
0x4d: {  	_ =	shalt  }
0x4e: {  	_ =	shalt  }
0x4f: {  	_ =	shalt  }
0x50: {  	_ =	shalt  }
0x51: {  	_ =	shalt  }
0x52: {  	_ =	shalt  }
0x53: {  	_ =	shalt  }
0x54: {  	_ =	shalt  }
0x55: {  	_ =	shalt  }
0x56: {  	_ =	shalt  }
0x57: {  	_ =	shalt  }
0x58: {  	_ =	shalt  }
0x59: {  	_ =	shalt  }
0x5a: {  	_ =	shalt  }
0x5b: {  	_ =	shalt  }
0x5c: {  	_ =	shalt  }
0x5d: {  	_ =	shalt  }
0x5e: {  	_ =	shalt  }
0x5f: {  	_ =	shalt  }
0x60: {  	_ =	shalt  }
0x61: {  	_ =	shalt  }
0x62: {  	_ =	shalt  }
0x63: {  	_ =	shalt  }
0x64: {  	_ =	shalt  }
0x65: {  	_ =	shalt  }
0x66: {  	_ =	shalt  }
0x67: {  	_ =	shalt  }
0x68: {  	_ =	shalt  }
0x69: {  	_ =	shalt  }
0x6a: {  	_ =	shalt  }
0x6b: {  	_ =	shalt  }
0x6c: {  	_ =	shalt  }
0x6d: {  	_ =	shalt  }
0x6e: {  	_ =	shalt  }
0x6f: {  	_ =	shalt  }
0x70: {  	_ =	shalt  }
0x71: {  	_ =	shalt  }
0x72: {  	_ =	shalt  }
0x73: {  	_ =	shalt  }
0x74: {  	_ =	shalt  }
0x75: {  	_ =	shalt  }
0x76: {  	_ =	shalt  }
0x77: {  	_ =	shalt  }
0x78: {  	_ =	shalt  }
0x79: {  	_ =	shalt  }
0x7a: {  	_ =	shalt  }
0x7b: {  	_ =	shalt  }
0x7c: {  	_ =	shalt  }
0x7d: {  	_ =	shalt  }
0x7e: {  	_ =	shalt  }
0x7f: {  	_ =	shalt  }
0x80: {  	_ =	shalt  }
0x81: {  	_ =	shalt  }
0x82: {  	_ =	shalt  }
0x83: {  	_ =	shalt  }
0x84: {  	_ =	shalt  }
0x85: {  	_ =	shalt  }
0x86: {  	_ =	shalt  }
0x87: {  	_ =	shalt  }
.Lfunc_end0:
.L_simem_size_0:
called_computation_lowered:
.L_overlay_start_0:
0x88: {  	s2 =	sld [smem:$0x3FD9]  }
0x89: {  	s3 =	sld [smem:$0x3FFE];
	_ =	sdelay $0x1  }
0x8a: {  	s1 =	srdreg.scid  }
0x8b: {  	s0 =	sand.u32 $0x1, s1  }
0x8c: {  	s17 =	sshll.u32 s0, $0xA;
	s2 =	sadd.s32 s3, s2  }
0x8d: {  	s2 =	sadd.s32 s2, s17  }
0x8e: {  	[smem:$0x3FC6] =	sst s2  }
0x8f: {  	_ = 	snop  }
0x90: {  	s2 =	sld [smem:$0x3FD0];
	(tm) =	ssettm $0x1  }
0x91: {  	s18 =	sld [smem:$0x3FFB];
	_ =	sdelay $0x3  }
0x92: {  	_ =	strace s18  }
0x93: {  	s3 =	sld [smem:$0x3FFC];
	_ =	sdelay $0x3  }
0x94: {  	_ =	strace s3  }
0x95: {  	s3 =	sld [smem:$0x3FFD];
	_ =	sdelay $0x3  }
0x96: {  	_ =	strace s3  }
0x97: {  	_ =	strace $0x8FFFFFFF  }
0x98: {  	s19 =	sld [smem:$0x3FDB];
	_ =	sdelay $0x1  }
0x99: {  	s4 =	simm.s32 $_scs_section_size  }
0x9a: {  	s5 =	simm.s32 $_size__tile_overlayer_lowered;
	s6 =	simm.s32 $_tile_overlayer_lowered  }
0x9b: {  	s22 =	simm.s32 $0x1BFF;
	s21 =	sshll.u32 s6, $0x1;
	s3 =	sadd.s32 s4, s19  }
0x9c: {  	s7 =	simm.s32 $0x0;
	s20 =	sshll.u32 s5, $0x1;
	s5 =	sadd.s32 s21, s3  }
0x9d: {  	[timem:s7], [sflag:s22] =	dma.local [hbm:s5], s20  }
0x9e: {  	_ =	swait.ge [sflag:s22], s20  }
0x9f: {  	s4 =	ssub.s32 $0x0, s20;
	[sflag:s22] =	ssyncset.done $0x0  }
0xa0: {  	[sflag:s22] =	ssyncadd.s32 s4;
	_ =	sdelay $0x1  }
0xa1: {  	s23 =	simm.s32 $0x1B8B  }
0xa2: {  	_ =	swait.ge [sflag:s23], $0x1  }
0xa3: {  	[sflag:s23] =	ssyncset.done $0x0  }
0xa4: {  	s25 =	simm.s32 $0x1B8E;
	s24 =	sld [smem:$0x3FFE];
	[sflag:s23] =	ssyncadd.s32 $0xFFFFFFFF  }
0xa5: {  	s26 =	simm.s32 $execute0_lowered;
	[smem:$0x3FD2] =	sst s25  }
0xa6: {  	s5 =	sshll.u32 s26, $0x1;
	_ =	strace $0x80000046;
	[dreg:$0x1] =	wrdreg $0xFFFFFFFF  }
0xa7: {  	s28 =	simm.s32 $_size_execute0_lowered;
	s3 =	sadd.s32 s3, s5;
	[dreg:$0x0] =	wrdreg $0x0  }
0xa8: {  	s5 =	sshll.u32 s28, $0x1;
	[dreg:$0x2] =	wrdreg s3  }
0xa9: {  	[dreg:$0x3] =	wrdreg s5  }
0xaa: {  	[dreg:$0x4] =	wrdreg $0xC0  }
0xab: {  	_ =	task [dreg:s7], $0x5FFFF  }
0xac: {  	[dreg:$0x1] =	wrdreg $0xFFFFFFFF  }
0xad: {  	[dreg:$0x0] =	wrdreg $0x60  }
0xae: {  	[dreg:$0x2] =	wrdreg s24  }
0xaf: {  	[dreg:$0x3] =	wrdreg s2  }
0xb0: {  	[dreg:$0x4] =	wrdreg $0x17000  }
0xb1: {  	[dreg:$0x5] =	wrdreg $0x9  }
0xb2: {  	_ =	task.clear_ibuf [dreg:s7], $0x6FFFF;
	_ =	strace $0x90000046  }
0xb3: {  	s29 =	simm.s32 $0x9;
	_ =	strace $0x80000048  }
0xb4: {  	_ =	swait.ge [sflag:s29], $0x1  }
0xb5: {  	[sflag:s29] =	ssyncadd.s32 $0xFFFFFFFF  }
0xb6: {  	_ =	strace $0x90000048  }
0xb7: {  	_ =	sfence  }
0xb8: {  	s30 =	sld [smem:$0x0];
	_ =	sdelay $0x2  }
0xb9: {  	s31 =	sshll.u32 s1, $0xD;
	s1 =	sshrl.u32 s1, $0x2  }
0xba: {  	s3 =	sand.u32 $0x4000, s31;
	s1 =	sadd.s32 s1, s30  }
0xbb: {  	s0 =	sor.u32 s3, s0;
	s1 =	sshll.u32 s1, $0x11  }
0xbc: {  	s0 =	sor.u32 s1, s0  }
0xbd: {  	s0 =	sadd.s32 $0x8F2B, s0  }
0xbe: {  	[sflag:s0] =	ssyncadd.remote.s32 $0x1  }
0xbf: {  	_ =	sfence.sel $0xFFFF  }
0xc0: {  	[dreg:$0x0] =	wrdreg $0xFFFFFFFF;
	(pc) =	sbr.abs _section_cstart, $3  }
0xc1: {  	[dreg:$0x1] =	wrdreg $0xFFFFFFFF  }
0xc2: {  	_ =	task.clear_ibuf [dreg:s7], $0x2FFFF;
	_ =	strace $0x9FFFFFFF  }
0xc3: {  	(tm) =	ssettm $0x7FFFFFFF  }
tec
execute0_lowered:
.L_overlay_start_1:
0x0: {  	(tag) =	ssettag $0x1  }
0x1: {  	s3 =	rddreg [dreg:$0x0]  }
0x2: {  	s0 =	rddreg [dreg:$0x1];
	s2 =	simm.s32 $0x0  }
0x3: {  	v0 =	vimm.f32 $1.000000000e+00;
	[smem:$0x7FF] =	sst s2  }
0x4: {  	s1 =	rddreg [dreg:$0x2];
	v1 =	vimm.f32 $0.0e+00;
	_ =	strace $0x80000047;
	[tilespmem:$0x1400] =	vst v0  }
0x5: {  	[tilespmem:$0x16F0] =	vst v1  }
0x6: {  	[tilespmem:$0x16E0] =	vst v1  }
0x7: {  	[tilespmem:$0x16D0] =	vst v1  }
0x8: {  	[tilespmem:$0x16C0] =	vst v1  }
0x9: {  	[tilespmem:$0x16B0] =	vst v1  }
0xa: {  	[tilespmem:$0x16A0] =	vst v1  }
0xb: {  	[tilespmem:$0x1690] =	vst v1  }
0xc: {  	[tilespmem:$0x1680] =	vst v1  }
0xd: {  	[tilespmem:$0x1670] =	vst v1  }
0xe: {  	[tilespmem:$0x1660] =	vst v1  }
0xf: {  	[tilespmem:$0x1650] =	vst v1  }
0x10: {  	[tilespmem:$0x1640] =	vst v1  }
0x11: {  	[tilespmem:$0x1630] =	vst v1  }
0x12: {  	[tilespmem:$0x1620] =	vst v1  }
0x13: {  	[tilespmem:$0x1610] =	vst v1  }
0x14: {  	[tilespmem:$0x1600] =	vst v1  }
0x15: {  	[tilespmem:$0x15F0] =	vst v1  }
0x16: {  	[tilespmem:$0x15E0] =	vst v1  }
0x17: {  	[tilespmem:$0x15D0] =	vst v1  }
0x18: {  	[tilespmem:$0x15C0] =	vst v1  }
0x19: {  	[tilespmem:$0x15B0] =	vst v1  }
0x1a: {  	[tilespmem:$0x15A0] =	vst v1  }
0x1b: {  	[tilespmem:$0x1590] =	vst v1  }
0x1c: {  	[tilespmem:$0x1580] =	vst v1  }
0x1d: {  	[tilespmem:$0x1570] =	vst v1  }
0x1e: {  	[tilespmem:$0x1560] =	vst v1  }
0x1f: {  	[tilespmem:$0x1550] =	vst v1  }
0x20: {  	[tilespmem:$0x1540] =	vst v1  }
0x21: {  	[tilespmem:$0x1530] =	vst v1  }
0x22: {  	[tilespmem:$0x1520] =	vst v1  }
0x23: {  	[tilespmem:$0x1510] =	vst v1  }
0x24: {  	[tilespmem:$0x1500] =	vst v1  }
0x25: {  	[tilespmem:$0x14F0] =	vst v1  }
0x26: {  	[tilespmem:$0x14E0] =	vst v1  }
0x27: {  	[tilespmem:$0x14D0] =	vst v1  }
0x28: {  	[tilespmem:$0x14C0] =	vst v1  }
0x29: {  	s4 =	srdreg.scid;
	s5 =	stileid.u32;
	[tilespmem:$0x14B0] =	vst v1  }
0x2a: {  	s6 =	sand.u32 $0x1, s4;
	s22 =	sshll.u32 s5, $0x1;
	[tilespmem:$0x14A0] =	vst v1  }
0x2b: {  	s7 =	stileid.u32;
	s25 =	simm.s32 $0x1480;
	s4 =	sor.u32 s6, s22;
	[tilespmem:$0x1490] =	vst v1  }
0x2c: {  	s28 =	simm.s32 $0x20;
	[dreg:$0xd] =	wrdreg s6;
	[tilespmem:$0x1480] =	vst v1;
	s4 =	smul.u32 $0x2800, s4  }
0x2d: {  	s30 =	simm.s32 $0x10;
	s5 =	smul.u32 $0x500, s5;
	[tilespmem:$0x1470] =	vst v0;
	[dreg:$0x7] =	wrdreg s25  }
0x2e: {  	s26 =	smul.u32 $0xA00, s7;
	[tilespmem:$0x1460] =	vst v0;
	[dreg:$0x8] =	wrdreg s28;
	s4 =	sshrl.u32 s4, $0x3  }
0x2f: {  	s23 =	sshll.u32 s6, $0x7;
	[tilespmem:$0x1450] =	vst v0;
	[dreg:$0x9] =	wrdreg s30;
	s3 =	sadd.s32 s4, s3  }
0x30: {  	[tilespmem:$0x1440] =	vst v0;
	s29 =	rddreg [dreg:$0x7];
	s4 =	sor.u32 s23, s5;
	s24 =	sadd.s32 $0xB600, s3  }
0x31: {  	[tilespmem:$0x1430] =	vst v0;
	s3 =	sadd.s32 $0xB880, s3;
	s4 =	sshrl.u32 s4, $0x3;
	[dreg:$0x4] =	wrdreg s24  }
0x32: {  	[tilespmem:$0x1420] =	vst v0;
	[dreg:$0x5] =	wrdreg s3;
	s0 =	sadd.s32 s0, s4;
	s3 =	sshrl.u32 s26, $0x2  }
0x33: {  	[tilespmem:$0x1410] =	vst v0;
	s4 =	simm.s32 $0x2;
	[dreg:$0x6] =	wrdreg s0;
	s25 =	sadd.s32 s3, s1  }
0x34: {  	[spmem:s25] =	stream.linear.scatter [tilespmem:s29], [sflag:$0x2], $0x280, $0x38;
	[tilespmem:$0x1980] =	vst v63  }
0x35: {  	_ =	swait.ge [sflag:s4], $0x280  }
0x36: {  	[sflag:s4] =	ssyncset.done $0x0  }
0x37: {  	[sflag:s4] =	ssyncadd.s32 $0xFFFFFD80  }
0x38: {  	[bflag:$0x0] =	sbarrier.arrive $0xFFFF  }
0x39: {  	s31 =	rddreg [dreg:$0x4]  }
0x3a: {  	[tilespmem:s2], [sflag:$0x2] =	stream.linear.gather [hbm4b:s31+s2], $0x1400, $0x38;
	[tilespmem:$0x1980] =	vst v63  }
0x3b: {  	_ =	swait.ge [sflag:s4], $0x1400  }
0x3c: {  	[sflag:s4] =	ssyncset.done $0x0  }
0x3d: {  	s7 =	simm.s32 $0x1400;
	s6 =	simm.s32 $0x80;
	[sflag:s4] =	ssyncadd.s32 $0xFFFFEC00  }
0x3e: {  	[spmem:s1] =	stream.indirect.scatter.add.f32 [tilespmem:s7], [sflag:$0x1], $0x1, s2, s6, $0xb8;
	[tilespmem:$0x1980] =	vst v63  }
0x3f: {  	_ = 	snop  }
0x40: {  	[spmem:s1] =	stream.indirect.scatter.add.f32 [tilespmem:s7], [sflag:$0x1], $0x1, s6, s6, $0xb8;
	[tilespmem:$0x1980] =	vst v63  }
0x41: {  	s3 =	simm.s32 $0x100  }
0x42: {  	[spmem:s1] =	stream.indirect.scatter.add.f32 [tilespmem:s7], [sflag:$0x1], $0x1, s3, s6, $0xb8;
	[tilespmem:$0x1980] =	vst v63  }
0x43: {  	s5 =	simm.s32 $0x180  }
0x44: {  	[spmem:s1] =	stream.indirect.scatter.add.f32 [tilespmem:s7], [sflag:$0x1], $0x1, s5, s6, $0xb8;
	[tilespmem:$0x1980] =	vst v63  }
0x45: {  	s8 =	simm.s32 $0x200  }
0x46: {  	[spmem:s1] =	stream.indirect.scatter.add.f32 [tilespmem:s7], [sflag:$0x1], $0x1, s8, s6, $0xb8;
	[tilespmem:$0x1980] =	vst v63  }
0x47: {  	s9 =	simm.s32 $0x280  }
0x48: {  	[spmem:s1] =	stream.indirect.scatter.add.f32 [tilespmem:s7], [sflag:$0x1], $0x1, s9, s6, $0xb8;
	[tilespmem:$0x1980] =	vst v63  }
0x49: {  	s10 =	simm.s32 $0x300  }
0x4a: {  	[spmem:s1] =	stream.indirect.scatter.add.f32 [tilespmem:s7], [sflag:$0x1], $0x1, s10, s6, $0xb8;
	[tilespmem:$0x1980] =	vst v63  }
0x4b: {  	s11 =	simm.s32 $0x380;
	s14 =	simm.s32 $0x1  }
0x4c: {  	[spmem:s1] =	stream.indirect.scatter.add.f32 [tilespmem:s7], [sflag:$0x1], $0x1, s11, s6, $0xb8;
	[tilespmem:$0x1980] =	vst v63  }
0x4d: {  	_ =	swait.ge [sflag:s14], $0x80  }
0x4e: {  	[sflag:s14] =	ssyncset.done $0x0  }
0x4f: {  	[sflag:s14] =	ssyncadd.s32 $0xFFFFFF80  }
0x50: {  	_ =	swait.ge [sflag:s14], $0x80  }
0x51: {  	[sflag:s14] =	ssyncset.done $0x0  }
0x52: {  	[sflag:s14] =	ssyncadd.s32 $0xFFFFFF80  }
0x53: {  	_ =	swait.ge [sflag:s14], $0x80  }
0x54: {  	[sflag:s14] =	ssyncset.done $0x0  }
0x55: {  	[sflag:s14] =	ssyncadd.s32 $0xFFFFFF80  }
0x56: {  	_ =	swait.ge [sflag:s14], $0x80  }
0x57: {  	[sflag:s14] =	ssyncset.done $0x0  }
0x58: {  	[sflag:s14] =	ssyncadd.s32 $0xFFFFFF80  }
0x59: {  	_ =	swait.ge [sflag:s14], $0x80  }
0x5a: {  	[sflag:s14] =	ssyncset.done $0x0  }
0x5b: {  	[sflag:s14] =	ssyncadd.s32 $0xFFFFFF80  }
0x5c: {  	_ =	swait.ge [sflag:s14], $0x80  }
0x5d: {  	[sflag:s14] =	ssyncset.done $0x0  }
0x5e: {  	[sflag:s14] =	ssyncadd.s32 $0xFFFFFF80  }
0x5f: {  	_ =	swait.ge [sflag:s14], $0x80  }
0x60: {  	[sflag:s14] =	ssyncset.done $0x0  }
0x61: {  	[sflag:s14] =	ssyncadd.s32 $0xFFFFFF80  }
0x62: {  	_ =	swait.ge [sflag:s14], $0x80  }
0x63: {  	[sflag:s14] =	ssyncset.done $0x0  }
0x64: {  	s12 =	simm.s32 $0x400;
	[sflag:s14] =	ssyncadd.s32 $0xFFFFFF80  }
0x65: {  	[spmem:s1] =	stream.indirect.scatter.add.f32 [tilespmem:s7], [sflag:$0x1], $0x1, s12, s6, $0xb8;
	[tilespmem:$0x1980] =	vst v63  }
0x66: {  	s13 =	simm.s32 $0x480  }
0x67: {  	[spmem:s1] =	stream.indirect.scatter.add.f32 [tilespmem:s7], [sflag:$0x1], $0x1, s13, s6, $0xb8;
	[tilespmem:$0x1980] =	vst v63  }
0x68: {  	s15 =	simm.s32 $0x500  }
0x69: {  	[spmem:s1] =	stream.indirect.scatter.add.f32 [tilespmem:s7], [sflag:$0x1], $0x1, s15, s6, $0xb8;
	[tilespmem:$0x1980] =	vst v63  }
0x6a: {  	s16 =	simm.s32 $0x580  }
0x6b: {  	[spmem:s1] =	stream.indirect.scatter.add.f32 [tilespmem:s7], [sflag:$0x1], $0x1, s16, s6, $0xb8;
	[tilespmem:$0x1980] =	vst v63  }
0x6c: {  	s17 =	simm.s32 $0x600  }
0x6d: {  	[spmem:s1] =	stream.indirect.scatter.add.f32 [tilespmem:s7], [sflag:$0x1], $0x1, s17, s6, $0xb8;
	[tilespmem:$0x1980] =	vst v63  }
0x6e: {  	s18 =	simm.s32 $0x680  }
0x6f: {  	[spmem:s1] =	stream.indirect.scatter.add.f32 [tilespmem:s7], [sflag:$0x1], $0x1, s18, s6, $0xb8;
	[tilespmem:$0x1980] =	vst v63  }
0x70: {  	s19 =	simm.s32 $0x700  }
0x71: {  	[spmem:s1] =	stream.indirect.scatter.add.f32 [tilespmem:s7], [sflag:$0x1], $0x1, s19, s6, $0xb8;
	[tilespmem:$0x1980] =	vst v63  }
0x72: {  	s20 =	simm.s32 $0x780  }
0x73: {  	[spmem:s1] =	stream.indirect.scatter.add.f32 [tilespmem:s7], [sflag:$0x1], $0x1, s20, s6, $0xb8;
	[tilespmem:$0x1980] =	vst v63  }
0x74: {  	_ =	swait.ge [sflag:s14], $0x80  }
0x75: {  	[sflag:s14] =	ssyncset.done $0x0  }
0x76: {  	[sflag:s14] =	ssyncadd.s32 $0xFFFFFF80  }
0x77: {  	_ =	swait.ge [sflag:s14], $0x80  }
0x78: {  	[sflag:s14] =	ssyncset.done $0x0  }
0x79: {  	[sflag:s14] =	ssyncadd.s32 $0xFFFFFF80  }
0x7a: {  	_ =	swait.ge [sflag:s14], $0x80  }
0x7b: {  	[sflag:s14] =	ssyncset.done $0x0  }
0x7c: {  	[sflag:s14] =	ssyncadd.s32 $0xFFFFFF80  }
0x7d: {  	_ =	swait.ge [sflag:s14], $0x80  }
0x7e: {  	[sflag:s14] =	ssyncset.done $0x0  }
0x7f: {  	[sflag:s14] =	ssyncadd.s32 $0xFFFFFF80  }
0x80: {  	_ =	swait.ge [sflag:s14], $0x80  }
0x81: {  	[sflag:s14] =	ssyncset.done $0x0  }
0x82: {  	[sflag:s14] =	ssyncadd.s32 $0xFFFFFF80  }
0x83: {  	_ =	swait.ge [sflag:s14], $0x80  }
0x84: {  	[sflag:s14] =	ssyncset.done $0x0  }
0x85: {  	[sflag:s14] =	ssyncadd.s32 $0xFFFFFF80  }
0x86: {  	_ =	swait.ge [sflag:s14], $0x80  }
0x87: {  	[sflag:s14] =	ssyncset.done $0x0  }
0x88: {  	[sflag:s14] =	ssyncadd.s32 $0xFFFFFF80  }
0x89: {  	_ =	swait.ge [sflag:s14], $0x80  }
0x8a: {  	[sflag:s14] =	ssyncset.done $0x0  }
0x8b: {  	s21 =	simm.s32 $0x800;
	[sflag:s14] =	ssyncadd.s32 $0xFFFFFF80  }
0x8c: {  	[spmem:s1] =	stream.indirect.scatter.add.f32 [tilespmem:s7], [sflag:$0x1], $0x1, s21, s6, $0xb8;
	[tilespmem:$0x1980] =	vst v63  }
0x8d: {  	s29 =	simm.s32 $0x880  }
0x8e: {  	[spmem:s1] =	stream.indirect.scatter.add.f32 [tilespmem:s7], [sflag:$0x1], $0x1, s29, s6, $0xb8;
	[tilespmem:$0x1980] =	vst v63  }
0x8f: {  	s28 =	simm.s32 $0x900  }
0x90: {  	[spmem:s1] =	stream.indirect.scatter.add.f32 [tilespmem:s7], [sflag:$0x1], $0x1, s28, s6, $0xb8;
	[tilespmem:$0x1980] =	vst v63  }
0x91: {  	s26 =	simm.s32 $0x980  }
0x92: {  	[spmem:s1] =	stream.indirect.scatter.add.f32 [tilespmem:s7], [sflag:$0x1], $0x1, s26, s6, $0xb8;
	[tilespmem:$0x1980] =	vst v63  }
0x93: {  	s24 =	simm.s32 $0xA00  }
0x94: {  	[spmem:s1] =	stream.indirect.scatter.add.f32 [tilespmem:s7], [sflag:$0x1], $0x1, s24, s6, $0xb8;
	[tilespmem:$0x1980] =	vst v63  }
0x95: {  	s23 =	simm.s32 $0xA80  }
0x96: {  	[spmem:s1] =	stream.indirect.scatter.add.f32 [tilespmem:s7], [sflag:$0x1], $0x1, s23, s6, $0xb8;
	[tilespmem:$0x1980] =	vst v63  }
0x97: {  	s30 =	simm.s32 $0xB00  }
0x98: {  	[spmem:s1] =	stream.indirect.scatter.add.f32 [tilespmem:s7], [sflag:$0x1], $0x1, s30, s6, $0xb8;
	[tilespmem:$0x1980] =	vst v63  }
0x99: {  	s31 =	simm.s32 $0xB80  }
0x9a: {  	[spmem:s1] =	stream.indirect.scatter.add.f32 [tilespmem:s7], [sflag:$0x1], $0x1, s31, s6, $0xb8;
	[tilespmem:$0x1980] =	vst v63  }
0x9b: {  	_ =	swait.ge [sflag:s14], $0x80  }
0x9c: {  	[sflag:s14] =	ssyncset.done $0x0  }
0x9d: {  	[sflag:s14] =	ssyncadd.s32 $0xFFFFFF80  }
0x9e: {  	_ =	swait.ge [sflag:s14], $0x80  }
0x9f: {  	[sflag:s14] =	ssyncset.done $0x0  }
0xa0: {  	[sflag:s14] =	ssyncadd.s32 $0xFFFFFF80  }
0xa1: {  	_ =	swait.ge [sflag:s14], $0x80  }
0xa2: {  	[sflag:s14] =	ssyncset.done $0x0  }
0xa3: {  	[sflag:s14] =	ssyncadd.s32 $0xFFFFFF80  }
0xa4: {  	_ =	swait.ge [sflag:s14], $0x80  }
0xa5: {  	[sflag:s14] =	ssyncset.done $0x0  }
0xa6: {  	[sflag:s14] =	ssyncadd.s32 $0xFFFFFF80  }
0xa7: {  	_ =	swait.ge [sflag:s14], $0x80  }
0xa8: {  	[sflag:s14] =	ssyncset.done $0x0  }
0xa9: {  	[sflag:s14] =	ssyncadd.s32 $0xFFFFFF80  }
0xaa: {  	_ =	swait.ge [sflag:s14], $0x80  }
0xab: {  	[sflag:s14] =	ssyncset.done $0x0  }
0xac: {  	[sflag:s14] =	ssyncadd.s32 $0xFFFFFF80  }
0xad: {  	_ =	swait.ge [sflag:s14], $0x80  }
0xae: {  	[sflag:s14] =	ssyncset.done $0x0  }
0xaf: {  	[sflag:s14] =	ssyncadd.s32 $0xFFFFFF80  }
0xb0: {  	_ =	swait.ge [sflag:s14], $0x80  }
0xb1: {  	[sflag:s14] =	ssyncset.done $0x0  }
0xb2: {  	s21 =	simm.s32 $0xC00;
	[sflag:s14] =	ssyncadd.s32 $0xFFFFFF80  }
0xb3: {  	[spmem:s1] =	stream.indirect.scatter.add.f32 [tilespmem:s7], [sflag:$0x1], $0x1, s21, s6, $0xb8;
	[tilespmem:$0x1980] =	vst v63  }
0xb4: {  	s20 =	simm.s32 $0xC80  }
0xb5: {  	[spmem:s1] =	stream.indirect.scatter.add.f32 [tilespmem:s7], [sflag:$0x1], $0x1, s20, s6, $0xb8;
	[tilespmem:$0x1980] =	vst v63  }
0xb6: {  	s19 =	simm.s32 $0xD00  }
0xb7: {  	[spmem:s1] =	stream.indirect.scatter.add.f32 [tilespmem:s7], [sflag:$0x1], $0x1, s19, s6, $0xb8;
	[tilespmem:$0x1980] =	vst v63  }
0xb8: {  	s18 =	simm.s32 $0xD80  }
0xb9: {  	[spmem:s1] =	stream.indirect.scatter.add.f32 [tilespmem:s7], [sflag:$0x1], $0x1, s18, s6, $0xb8;
	[tilespmem:$0x1980] =	vst v63  }
0xba: {  	s17 =	simm.s32 $0xE00  }
0xbb: {  	[spmem:s1] =	stream.indirect.scatter.add.f32 [tilespmem:s7], [sflag:$0x1], $0x1, s17, s6, $0xb8;
	[tilespmem:$0x1980] =	vst v63  }
0xbc: {  	s16 =	simm.s32 $0xE80  }
0xbd: {  	[spmem:s1] =	stream.indirect.scatter.add.f32 [tilespmem:s7], [sflag:$0x1], $0x1, s16, s6, $0xb8;
	[tilespmem:$0x1980] =	vst v63  }
0xbe: {  	s15 =	simm.s32 $0xF00  }
0xbf: {  	[spmem:s1] =	stream.indirect.scatter.add.f32 [tilespmem:s7], [sflag:$0x1], $0x1, s15, s6, $0xb8;
	[tilespmem:$0x1980] =	vst v63  }
0xc0: {  	s13 =	simm.s32 $0xF80  }
0xc1: {  	[spmem:s1] =	stream.indirect.scatter.add.f32 [tilespmem:s7], [sflag:$0x1], $0x1, s13, s6, $0xb8;
	[tilespmem:$0x1980] =	vst v63  }
0xc2: {  	_ =	swait.ge [sflag:s14], $0x80  }
0xc3: {  	[sflag:s14] =	ssyncset.done $0x0  }
0xc4: {  	[sflag:s14] =	ssyncadd.s32 $0xFFFFFF80  }
0xc5: {  	_ =	swait.ge [sflag:s14], $0x80  }
0xc6: {  	[sflag:s14] =	ssyncset.done $0x0  }
0xc7: {  	[sflag:s14] =	ssyncadd.s32 $0xFFFFFF80  }
0xc8: {  	_ =	swait.ge [sflag:s14], $0x80  }
0xc9: {  	[sflag:s14] =	ssyncset.done $0x0  }
0xca: {  	[sflag:s14] =	ssyncadd.s32 $0xFFFFFF80  }
0xcb: {  	_ =	swait.ge [sflag:s14], $0x80  }
0xcc: {  	[sflag:s14] =	ssyncset.done $0x0  }
0xcd: {  	[sflag:s14] =	ssyncadd.s32 $0xFFFFFF80  }
0xce: {  	_ =	swait.ge [sflag:s14], $0x80  }
0xcf: {  	[sflag:s14] =	ssyncset.done $0x0  }
0xd0: {  	[sflag:s14] =	ssyncadd.s32 $0xFFFFFF80  }
0xd1: {  	_ =	swait.ge [sflag:s14], $0x80  }
0xd2: {  	[sflag:s14] =	ssyncset.done $0x0  }
0xd3: {  	[sflag:s14] =	ssyncadd.s32 $0xFFFFFF80  }
0xd4: {  	_ =	swait.ge [sflag:s14], $0x80  }
0xd5: {  	[sflag:s14] =	ssyncset.done $0x0  }
0xd6: {  	[sflag:s14] =	ssyncadd.s32 $0xFFFFFF80  }
0xd7: {  	_ =	swait.ge [sflag:s14], $0x80  }
0xd8: {  	[sflag:s14] =	ssyncset.done $0x0  }
0xd9: {  	s12 =	simm.s32 $0x1000;
	[sflag:s14] =	ssyncadd.s32 $0xFFFFFF80  }
0xda: {  	[spmem:s1] =	stream.indirect.scatter.add.f32 [tilespmem:s7], [sflag:$0x1], $0x1, s12, s6, $0xb8;
	[tilespmem:$0x1980] =	vst v63  }
0xdb: {  	s11 =	simm.s32 $0x1080  }
0xdc: {  	[spmem:s1] =	stream.indirect.scatter.add.f32 [tilespmem:s7], [sflag:$0x1], $0x1, s11, s6, $0xb8;
	[tilespmem:$0x1980] =	vst v63  }
0xdd: {  	s10 =	simm.s32 $0x1100  }
0xde: {  	[spmem:s1] =	stream.indirect.scatter.add.f32 [tilespmem:s7], [sflag:$0x1], $0x1, s10, s6, $0xb8;
	[tilespmem:$0x1980] =	vst v63  }
0xdf: {  	s9 =	simm.s32 $0x1180  }
0xe0: {  	[spmem:s1] =	stream.indirect.scatter.add.f32 [tilespmem:s7], [sflag:$0x1], $0x1, s9, s6, $0xb8;
	[tilespmem:$0x1980] =	vst v63  }
0xe1: {  	s8 =	simm.s32 $0x1200  }
0xe2: {  	[spmem:s1] =	stream.indirect.scatter.add.f32 [tilespmem:s7], [sflag:$0x1], $0x1, s8, s6, $0xb8;
	[tilespmem:$0x1980] =	vst v63  }
0xe3: {  	s5 =	simm.s32 $0x1280  }
0xe4: {  	[spmem:s1] =	stream.indirect.scatter.add.f32 [tilespmem:s7], [sflag:$0x1], $0x1, s5, s6, $0xb8;
	[tilespmem:$0x1980] =	vst v63  }
0xe5: {  	s3 =	simm.s32 $0x1300  }
0xe6: {  	[spmem:s1] =	stream.indirect.scatter.add.f32 [tilespmem:s7], [sflag:$0x1], $0x1, s3, s6, $0xb8;
	[tilespmem:$0x1980] =	vst v63  }
0xe7: {  	s0 =	simm.s32 $0x1380  }
0xe8: {  	[spmem:s1] =	stream.indirect.scatter.add.f32 [tilespmem:s7], [sflag:$0x1], $0x1, s0, s6, $0xb8;
	[tilespmem:$0x1980] =	vst v63  }
0xe9: {  	_ =	swait.ge [sflag:s14], $0x80  }
0xea: {  	[sflag:s14] =	ssyncset.done $0x0  }
0xeb: {  	[sflag:s14] =	ssyncadd.s32 $0xFFFFFF80  }
0xec: {  	_ =	swait.ge [sflag:s14], $0x80  }
0xed: {  	[sflag:s14] =	ssyncset.done $0x0  }
0xee: {  	[sflag:s14] =	ssyncadd.s32 $0xFFFFFF80  }
0xef: {  	_ =	swait.ge [sflag:s14], $0x80  }
0xf0: {  	[sflag:s14] =	ssyncset.done $0x0  }
0xf1: {  	[sflag:s14] =	ssyncadd.s32 $0xFFFFFF80  }
0xf2: {  	_ =	swait.ge [sflag:s14], $0x80  }
0xf3: {  	[sflag:s14] =	ssyncset.done $0x0  }
0xf4: {  	[sflag:s14] =	ssyncadd.s32 $0xFFFFFF80  }
0xf5: {  	_ =	swait.ge [sflag:s14], $0x80  }
0xf6: {  	[sflag:s14] =	ssyncset.done $0x0  }
0xf7: {  	[sflag:s14] =	ssyncadd.s32 $0xFFFFFF80  }
0xf8: {  	_ =	swait.ge [sflag:s14], $0x80  }
0xf9: {  	[sflag:s14] =	ssyncset.done $0x0  }
0xfa: {  	[sflag:s14] =	ssyncadd.s32 $0xFFFFFF80  }
0xfb: {  	_ =	swait.ge [sflag:s14], $0x80  }
0xfc: {  	[sflag:s14] =	ssyncset.done $0x0  }
0xfd: {  	[sflag:s14] =	ssyncadd.s32 $0xFFFFFF80  }
0xfe: {  	_ =	swait.ge [sflag:s14], $0x80  }
0xff: {  	[sflag:s14] =	ssyncset.done $0x0  }
0x100: {  	s22 =	rddreg [dreg:$0x5];
	[sflag:s14] =	ssyncadd.s32 $0xFFFFFF80  }
0x101: {  	[tilespmem:s2], [sflag:$0x2] =	stream.linear.gather [hbm4b:s22+s2], $0x1400, $0x38;
	[tilespmem:$0x1980] =	vst v63  }
0x102: {  	_ =	swait.ge [sflag:s4], $0x1400  }
0x103: {  	[sflag:s4] =	ssyncset.done $0x0  }
0x104: {  	[sflag:s4] =	ssyncadd.s32 $0xFFFFEC00  }
0x105: {  	[spmem:s1] =	stream.indirect.scatter.add.f32 [tilespmem:s7], [sflag:$0x1], $0x1, s2, s6, $0xb8;
	[tilespmem:$0x1980] =	vst v63  }
0x106: {  	_ = 	snop  }
0x107: {  	[spmem:s1] =	stream.indirect.scatter.add.f32 [tilespmem:s7], [sflag:$0x1], $0x1, s6, s6, $0xb8;
	[tilespmem:$0x1980] =	vst v63  }
0x108: {  	s22 =	simm.s32 $0x100  }
0x109: {  	[spmem:s1] =	stream.indirect.scatter.add.f32 [tilespmem:s7], [sflag:$0x1], $0x1, s22, s6, $0xb8;
	[tilespmem:$0x1980] =	vst v63  }
0x10a: {  	s22 =	simm.s32 $0x180  }
0x10b: {  	[spmem:s1] =	stream.indirect.scatter.add.f32 [tilespmem:s7], [sflag:$0x1], $0x1, s22, s6, $0xb8;
	[tilespmem:$0x1980] =	vst v63  }
0x10c: {  	s22 =	simm.s32 $0x200  }
0x10d: {  	[spmem:s1] =	stream.indirect.scatter.add.f32 [tilespmem:s7], [sflag:$0x1], $0x1, s22, s6, $0xb8;
	[tilespmem:$0x1980] =	vst v63  }
0x10e: {  	s22 =	simm.s32 $0x280  }
0x10f: {  	[spmem:s1] =	stream.indirect.scatter.add.f32 [tilespmem:s7], [sflag:$0x1], $0x1, s22, s6, $0xb8;
	[tilespmem:$0x1980] =	vst v63  }
0x110: {  	s22 =	simm.s32 $0x300  }
0x111: {  	[spmem:s1] =	stream.indirect.scatter.add.f32 [tilespmem:s7], [sflag:$0x1], $0x1, s22, s6, $0xb8;
	[tilespmem:$0x1980] =	vst v63  }
0x112: {  	s22 =	simm.s32 $0x380  }
0x113: {  	[spmem:s1] =	stream.indirect.scatter.add.f32 [tilespmem:s7], [sflag:$0x1], $0x1, s22, s6, $0xb8;
	[tilespmem:$0x1980] =	vst v63  }
0x114: {  	_ =	swait.ge [sflag:s14], $0x80  }
0x115: {  	[sflag:s14] =	ssyncset.done $0x0  }
0x116: {  	[sflag:s14] =	ssyncadd.s32 $0xFFFFFF80  }
0x117: {  	_ =	swait.ge [sflag:s14], $0x80  }
0x118: {  	[sflag:s14] =	ssyncset.done $0x0  }
0x119: {  	[sflag:s14] =	ssyncadd.s32 $0xFFFFFF80  }
0x11a: {  	_ =	swait.ge [sflag:s14], $0x80  }
0x11b: {  	[sflag:s14] =	ssyncset.done $0x0  }
0x11c: {  	[sflag:s14] =	ssyncadd.s32 $0xFFFFFF80  }
0x11d: {  	_ =	swait.ge [sflag:s14], $0x80  }
0x11e: {  	[sflag:s14] =	ssyncset.done $0x0  }
0x11f: {  	[sflag:s14] =	ssyncadd.s32 $0xFFFFFF80  }
0x120: {  	_ =	swait.ge [sflag:s14], $0x80  }
0x121: {  	[sflag:s14] =	ssyncset.done $0x0  }
0x122: {  	[sflag:s14] =	ssyncadd.s32 $0xFFFFFF80  }
0x123: {  	_ =	swait.ge [sflag:s14], $0x80  }
0x124: {  	[sflag:s14] =	ssyncset.done $0x0  }
0x125: {  	[sflag:s14] =	ssyncadd.s32 $0xFFFFFF80  }
0x126: {  	_ =	swait.ge [sflag:s14], $0x80  }
0x127: {  	[sflag:s14] =	ssyncset.done $0x0  }
0x128: {  	[sflag:s14] =	ssyncadd.s32 $0xFFFFFF80  }
0x129: {  	_ =	swait.ge [sflag:s14], $0x80  }
0x12a: {  	[sflag:s14] =	ssyncset.done $0x0  }
0x12b: {  	s22 =	simm.s32 $0x400;
	[sflag:s14] =	ssyncadd.s32 $0xFFFFFF80  }
0x12c: {  	[spmem:s1] =	stream.indirect.scatter.add.f32 [tilespmem:s7], [sflag:$0x1], $0x1, s22, s6, $0xb8;
	[tilespmem:$0x1980] =	vst v63  }
0x12d: {  	s22 =	simm.s32 $0x480  }
0x12e: {  	[spmem:s1] =	stream.indirect.scatter.add.f32 [tilespmem:s7], [sflag:$0x1], $0x1, s22, s6, $0xb8;
	[tilespmem:$0x1980] =	vst v63  }
0x12f: {  	s22 =	simm.s32 $0x500  }
0x130: {  	[spmem:s1] =	stream.indirect.scatter.add.f32 [tilespmem:s7], [sflag:$0x1], $0x1, s22, s6, $0xb8;
	[tilespmem:$0x1980] =	vst v63  }
0x131: {  	s22 =	simm.s32 $0x580  }
0x132: {  	[spmem:s1] =	stream.indirect.scatter.add.f32 [tilespmem:s7], [sflag:$0x1], $0x1, s22, s6, $0xb8;
	[tilespmem:$0x1980] =	vst v63  }
0x133: {  	s22 =	simm.s32 $0x600  }
0x134: {  	[spmem:s1] =	stream.indirect.scatter.add.f32 [tilespmem:s7], [sflag:$0x1], $0x1, s22, s6, $0xb8;
	[tilespmem:$0x1980] =	vst v63  }
0x135: {  	s22 =	simm.s32 $0x680  }
0x136: {  	[spmem:s1] =	stream.indirect.scatter.add.f32 [tilespmem:s7], [sflag:$0x1], $0x1, s22, s6, $0xb8;
	[tilespmem:$0x1980] =	vst v63  }
0x137: {  	s22 =	simm.s32 $0x700  }
0x138: {  	[spmem:s1] =	stream.indirect.scatter.add.f32 [tilespmem:s7], [sflag:$0x1], $0x1, s22, s6, $0xb8;
	[tilespmem:$0x1980] =	vst v63  }
0x139: {  	s22 =	simm.s32 $0x780  }
0x13a: {  	[spmem:s1] =	stream.indirect.scatter.add.f32 [tilespmem:s7], [sflag:$0x1], $0x1, s22, s6, $0xb8;
	[tilespmem:$0x1980] =	vst v63  }
0x13b: {  	_ =	swait.ge [sflag:s14], $0x80  }
0x13c: {  	[sflag:s14] =	ssyncset.done $0x0  }
0x13d: {  	[sflag:s14] =	ssyncadd.s32 $0xFFFFFF80  }
0x13e: {  	_ =	swait.ge [sflag:s14], $0x80  }
0x13f: {  	[sflag:s14] =	ssyncset.done $0x0  }
0x140: {  	[sflag:s14] =	ssyncadd.s32 $0xFFFFFF80  }
0x141: {  	_ =	swait.ge [sflag:s14], $0x80  }
0x142: {  	[sflag:s14] =	ssyncset.done $0x0  }
0x143: {  	[sflag:s14] =	ssyncadd.s32 $0xFFFFFF80  }
0x144: {  	_ =	swait.ge [sflag:s14], $0x80  }
0x145: {  	[sflag:s14] =	ssyncset.done $0x0  }
0x146: {  	[sflag:s14] =	ssyncadd.s32 $0xFFFFFF80  }
0x147: {  	_ =	swait.ge [sflag:s14], $0x80  }
0x148: {  	[sflag:s14] =	ssyncset.done $0x0  }
0x149: {  	[sflag:s14] =	ssyncadd.s32 $0xFFFFFF80  }
0x14a: {  	_ =	swait.ge [sflag:s14], $0x80  }
0x14b: {  	[sflag:s14] =	ssyncset.done $0x0  }
0x14c: {  	[sflag:s14] =	ssyncadd.s32 $0xFFFFFF80  }
0x14d: {  	_ =	swait.ge [sflag:s14], $0x80  }
0x14e: {  	[sflag:s14] =	ssyncset.done $0x0  }
0x14f: {  	[sflag:s14] =	ssyncadd.s32 $0xFFFFFF80  }
0x150: {  	_ =	swait.ge [sflag:s14], $0x80  }
0x151: {  	[sflag:s14] =	ssyncset.done $0x0  }
0x152: {  	s22 =	simm.s32 $0x800;
	[sflag:s14] =	ssyncadd.s32 $0xFFFFFF80  }
0x153: {  	[spmem:s1] =	stream.indirect.scatter.add.f32 [tilespmem:s7], [sflag:$0x1], $0x1, s22, s6, $0xb8;
	[tilespmem:$0x1980] =	vst v63  }
0x154: {  	_ = 	snop  }
0x155: {  	[spmem:s1] =	stream.indirect.scatter.add.f32 [tilespmem:s7], [sflag:$0x1], $0x1, s29, s6, $0xb8;
	[tilespmem:$0x1980] =	vst v63  }
0x156: {  	_ = 	snop  }
0x157: {  	[spmem:s1] =	stream.indirect.scatter.add.f32 [tilespmem:s7], [sflag:$0x1], $0x1, s28, s6, $0xb8;
	[tilespmem:$0x1980] =	vst v63  }
0x158: {  	_ = 	snop  }
0x159: {  	[spmem:s1] =	stream.indirect.scatter.add.f32 [tilespmem:s7], [sflag:$0x1], $0x1, s26, s6, $0xb8;
	[tilespmem:$0x1980] =	vst v63  }
0x15a: {  	_ = 	snop  }
0x15b: {  	[spmem:s1] =	stream.indirect.scatter.add.f32 [tilespmem:s7], [sflag:$0x1], $0x1, s24, s6, $0xb8;
	[tilespmem:$0x1980] =	vst v63  }
0x15c: {  	_ = 	snop  }
0x15d: {  	[spmem:s1] =	stream.indirect.scatter.add.f32 [tilespmem:s7], [sflag:$0x1], $0x1, s23, s6, $0xb8;
	[tilespmem:$0x1980] =	vst v63  }
0x15e: {  	_ = 	snop  }
0x15f: {  	[spmem:s1] =	stream.indirect.scatter.add.f32 [tilespmem:s7], [sflag:$0x1], $0x1, s30, s6, $0xb8;
	[tilespmem:$0x1980] =	vst v63  }
0x160: {  	_ = 	snop  }
0x161: {  	[spmem:s1] =	stream.indirect.scatter.add.f32 [tilespmem:s7], [sflag:$0x1], $0x1, s31, s6, $0xb8;
	[tilespmem:$0x1980] =	vst v63  }
0x162: {  	_ =	swait.ge [sflag:s14], $0x80  }
0x163: {  	[sflag:s14] =	ssyncset.done $0x0  }
0x164: {  	[sflag:s14] =	ssyncadd.s32 $0xFFFFFF80  }
0x165: {  	_ =	swait.ge [sflag:s14], $0x80  }
0x166: {  	[sflag:s14] =	ssyncset.done $0x0  }
0x167: {  	[sflag:s14] =	ssyncadd.s32 $0xFFFFFF80  }
0x168: {  	_ =	swait.ge [sflag:s14], $0x80  }
0x169: {  	[sflag:s14] =	ssyncset.done $0x0  }
0x16a: {  	[sflag:s14] =	ssyncadd.s32 $0xFFFFFF80  }
0x16b: {  	_ =	swait.ge [sflag:s14], $0x80  }
0x16c: {  	[sflag:s14] =	ssyncset.done $0x0  }
0x16d: {  	[sflag:s14] =	ssyncadd.s32 $0xFFFFFF80  }
0x16e: {  	_ =	swait.ge [sflag:s14], $0x80  }
0x16f: {  	[sflag:s14] =	ssyncset.done $0x0  }
0x170: {  	[sflag:s14] =	ssyncadd.s32 $0xFFFFFF80  }
0x171: {  	_ =	swait.ge [sflag:s14], $0x80  }
0x172: {  	[sflag:s14] =	ssyncset.done $0x0  }
0x173: {  	[sflag:s14] =	ssyncadd.s32 $0xFFFFFF80  }
0x174: {  	_ =	swait.ge [sflag:s14], $0x80  }
0x175: {  	[sflag:s14] =	ssyncset.done $0x0  }
0x176: {  	[sflag:s14] =	ssyncadd.s32 $0xFFFFFF80  }
0x177: {  	_ =	swait.ge [sflag:s14], $0x80  }
0x178: {  	[sflag:s14] =	ssyncset.done $0x0  }
0x179: {  	[sflag:s14] =	ssyncadd.s32 $0xFFFFFF80  }
0x17a: {  	[spmem:s1] =	stream.indirect.scatter.add.f32 [tilespmem:s7], [sflag:$0x1], $0x1, s21, s6, $0xb8;
	[tilespmem:$0x1980] =	vst v63  }
0x17b: {  	_ = 	snop  }
0x17c: {  	[spmem:s1] =	stream.indirect.scatter.add.f32 [tilespmem:s7], [sflag:$0x1], $0x1, s20, s6, $0xb8;
	[tilespmem:$0x1980] =	vst v63  }
0x17d: {  	_ = 	snop  }
0x17e: {  	[spmem:s1] =	stream.indirect.scatter.add.f32 [tilespmem:s7], [sflag:$0x1], $0x1, s19, s6, $0xb8;
	[tilespmem:$0x1980] =	vst v63  }
0x17f: {  	_ = 	snop  }
0x180: {  	[spmem:s1] =	stream.indirect.scatter.add.f32 [tilespmem:s7], [sflag:$0x1], $0x1, s18, s6, $0xb8;
	[tilespmem:$0x1980] =	vst v63  }
0x181: {  	_ = 	snop  }
0x182: {  	[spmem:s1] =	stream.indirect.scatter.add.f32 [tilespmem:s7], [sflag:$0x1], $0x1, s17, s6, $0xb8;
	[tilespmem:$0x1980] =	vst v63  }
0x183: {  	_ = 	snop  }
0x184: {  	[spmem:s1] =	stream.indirect.scatter.add.f32 [tilespmem:s7], [sflag:$0x1], $0x1, s16, s6, $0xb8;
	[tilespmem:$0x1980] =	vst v63  }
0x185: {  	_ = 	snop  }
0x186: {  	[spmem:s1] =	stream.indirect.scatter.add.f32 [tilespmem:s7], [sflag:$0x1], $0x1, s15, s6, $0xb8;
	[tilespmem:$0x1980] =	vst v63  }
0x187: {  	_ = 	snop  }
0x188: {  	[spmem:s1] =	stream.indirect.scatter.add.f32 [tilespmem:s7], [sflag:$0x1], $0x1, s13, s6, $0xb8;
	[tilespmem:$0x1980] =	vst v63  }
0x189: {  	_ =	swait.ge [sflag:s14], $0x80  }
0x18a: {  	[sflag:s14] =	ssyncset.done $0x0  }
0x18b: {  	[sflag:s14] =	ssyncadd.s32 $0xFFFFFF80  }
0x18c: {  	_ =	swait.ge [sflag:s14], $0x80  }
0x18d: {  	[sflag:s14] =	ssyncset.done $0x0  }
0x18e: {  	[sflag:s14] =	ssyncadd.s32 $0xFFFFFF80  }
0x18f: {  	_ =	swait.ge [sflag:s14], $0x80  }
0x190: {  	[sflag:s14] =	ssyncset.done $0x0  }
0x191: {  	[sflag:s14] =	ssyncadd.s32 $0xFFFFFF80  }
0x192: {  	_ =	swait.ge [sflag:s14], $0x80  }
0x193: {  	[sflag:s14] =	ssyncset.done $0x0  }
0x194: {  	[sflag:s14] =	ssyncadd.s32 $0xFFFFFF80  }
0x195: {  	_ =	swait.ge [sflag:s14], $0x80  }
0x196: {  	[sflag:s14] =	ssyncset.done $0x0  }
0x197: {  	[sflag:s14] =	ssyncadd.s32 $0xFFFFFF80  }
0x198: {  	_ =	swait.ge [sflag:s14], $0x80  }
0x199: {  	[sflag:s14] =	ssyncset.done $0x0  }
0x19a: {  	[sflag:s14] =	ssyncadd.s32 $0xFFFFFF80  }
0x19b: {  	_ =	swait.ge [sflag:s14], $0x80  }
0x19c: {  	[sflag:s14] =	ssyncset.done $0x0  }
0x19d: {  	[sflag:s14] =	ssyncadd.s32 $0xFFFFFF80  }
0x19e: {  	_ =	swait.ge [sflag:s14], $0x80  }
0x19f: {  	[sflag:s14] =	ssyncset.done $0x0  }
0x1a0: {  	[sflag:s14] =	ssyncadd.s32 $0xFFFFFF80  }
0x1a1: {  	[spmem:s1] =	stream.indirect.scatter.add.f32 [tilespmem:s7], [sflag:$0x1], $0x1, s12, s6, $0xb8;
	[tilespmem:$0x1980] =	vst v63  }
0x1a2: {  	_ = 	snop  }
0x1a3: {  	[spmem:s1] =	stream.indirect.scatter.add.f32 [tilespmem:s7], [sflag:$0x1], $0x1, s11, s6, $0xb8;
	[tilespmem:$0x1980] =	vst v63  }
0x1a4: {  	_ = 	snop  }
0x1a5: {  	[spmem:s1] =	stream.indirect.scatter.add.f32 [tilespmem:s7], [sflag:$0x1], $0x1, s10, s6, $0xb8;
	[tilespmem:$0x1980] =	vst v63  }
0x1a6: {  	_ = 	snop  }
0x1a7: {  	[spmem:s1] =	stream.indirect.scatter.add.f32 [tilespmem:s7], [sflag:$0x1], $0x1, s9, s6, $0xb8;
	[tilespmem:$0x1980] =	vst v63  }
0x1a8: {  	_ = 	snop  }
0x1a9: {  	[spmem:s1] =	stream.indirect.scatter.add.f32 [tilespmem:s7], [sflag:$0x1], $0x1, s8, s6, $0xb8;
	[tilespmem:$0x1980] =	vst v63  }
0x1aa: {  	_ = 	snop  }
0x1ab: {  	[spmem:s1] =	stream.indirect.scatter.add.f32 [tilespmem:s7], [sflag:$0x1], $0x1, s5, s6, $0xb8;
	[tilespmem:$0x1980] =	vst v63  }
0x1ac: {  	_ = 	snop  }
0x1ad: {  	[spmem:s1] =	stream.indirect.scatter.add.f32 [tilespmem:s7], [sflag:$0x1], $0x1, s3, s6, $0xb8;
	[tilespmem:$0x1980] =	vst v63  }
0x1ae: {  	_ = 	snop  }
0x1af: {  	[spmem:s1] =	stream.indirect.scatter.add.f32 [tilespmem:s7], [sflag:$0x1], $0x1, s0, s6, $0xb8;
	[tilespmem:$0x1980] =	vst v63  }
0x1b0: {  	_ =	swait.ge [sflag:s14], $0x80  }
0x1b1: {  	[sflag:s14] =	ssyncset.done $0x0  }
0x1b2: {  	[sflag:s14] =	ssyncadd.s32 $0xFFFFFF80  }
0x1b3: {  	_ =	swait.ge [sflag:s14], $0x80  }
0x1b4: {  	[sflag:s14] =	ssyncset.done $0x0  }
0x1b5: {  	[sflag:s14] =	ssyncadd.s32 $0xFFFFFF80  }
0x1b6: {  	_ =	swait.ge [sflag:s14], $0x80  }
0x1b7: {  	[sflag:s14] =	ssyncset.done $0x0  }
0x1b8: {  	[sflag:s14] =	ssyncadd.s32 $0xFFFFFF80  }
0x1b9: {  	_ =	swait.ge [sflag:s14], $0x80  }
0x1ba: {  	[sflag:s14] =	ssyncset.done $0x0  }
0x1bb: {  	[sflag:s14] =	ssyncadd.s32 $0xFFFFFF80  }
0x1bc: {  	_ =	swait.ge [sflag:s14], $0x80  }
0x1bd: {  	[sflag:s14] =	ssyncset.done $0x0  }
0x1be: {  	[sflag:s14] =	ssyncadd.s32 $0xFFFFFF80  }
0x1bf: {  	_ =	swait.ge [sflag:s14], $0x80  }
0x1c0: {  	[sflag:s14] =	ssyncset.done $0x0  }
0x1c1: {  	[sflag:s14] =	ssyncadd.s32 $0xFFFFFF80  }
0x1c2: {  	_ =	swait.ge [sflag:s14], $0x80  }
0x1c3: {  	[sflag:s14] =	ssyncset.done $0x0  }
0x1c4: {  	[sflag:s14] =	ssyncadd.s32 $0xFFFFFF80  }
0x1c5: {  	_ =	swait.ge [sflag:s14], $0x80  }
0x1c6: {  	[sflag:s14] =	ssyncset.done $0x0  }
0x1c7: {  	[sflag:s14] =	ssyncadd.s32 $0xFFFFFF80  }
0x1c8: {  	[bflag:$0x0] =	sbarrier.arrive $0xFFFF  }
0x1c9: {  	s23 =	rddreg [dreg:$0x9]  }
0x1ca: {  	s28 =	stileid.u32;
	s24 =	rddreg [dreg:$0x6]  }
0x1cb: {  	s29 =	sshll.u32 s28, $0x6;
	s26 =	rddreg [dreg:$0x8]  }
0x1cc: {  	s0 =	sor.u32 $0x1C02, s29;
	[dreg:$0xa] =	wrdreg s25  }
0x1cd: {  	s30 =	sshrl.u32 s25, $0x3;
	[dreg:$0xb] =	wrdreg s0  }
0x1ce: {  	[dreg:$0xc] =	wrdreg s30  }
0x1cf: {  	[hbm:s24@s26], [sflag:s0] =	dma.strided [spmem:s30@s23], $0x50, s14, $0x10   }
0x1d0: {  	s0 =	rddreg [dreg:$0xd]  }
0x1d1: {  	s0 =	ssub.s32 $0x2, s0  }
0x1d2: {  	s31 =	sshrl.u32 s0, $0x1  }
0x1d3: {  	s24 =	ssub.s32 s0, s31  }
0x1d4: {  	s24 =	smax.u32 s24, $0x1  }
0x1d5: {  	p0 =	sne.s32 s24, $0x1  }
.Ltmp0:
0x1d6: {  	_ = 	snop;
	(pc) =	sbr.rel @!p0 .LBB2_3-.Ltmp0, $2  }
0x1d7: {  	_ =	sdelay $0x2  }
0x1d8: {  	s24 =	sadd.s32 $0xFFFFFFFF, s24  }
0x1d9: {  	s30 =	simm.s32 $0x200;
	s31 =	simm.s32 $0x280  }
0x1da: {  	s3 =	simm.s32 $0x380;
	s5 =	simm.s32 $0x400;
	s8 =	simm.s32 $0x480  }
0x1db: {  	s9 =	simm.s32 $0x500;
	s10 =	simm.s32 $0x580;
	s11 =	simm.s32 $0x600  }
0x1dc: {  	s12 =	simm.s32 $0x680;
	s13 =	simm.s32 $0x700;
	s15 =	simm.s32 $0x780  }
0x1dd: {  	s16 =	simm.s32 $0x800;
	s17 =	simm.s32 $0x880;
	s18 =	simm.s32 $0x900  }
0x1de: {  	s19 =	simm.s32 $0x980;
	s20 =	simm.s32 $0xA00;
	s21 =	simm.s32 $0xA80  }
0x1df: {  	s22 =	simm.s32 $0xB00;
	s23 =	simm.s32 $0xB80;
	s29 =	simm.s32 $0xC00  }
.LBB2_2:
0x1e0: {  	_ =	swait.ge [sflag:s4], $0x50  }
0x1e1: {  	[sflag:s4] =	ssyncset.done $0x0  }
0x1e2: {  	[sflag:s4] =	ssyncadd.s32 $0xFFFFFFB0  }
0x1e3: {  	[tilespmem:$0x1400] =	vst v0  }
0x1e4: {  	[tilespmem:$0x16F0] =	vst v1  }
0x1e5: {  	[tilespmem:$0x16E0] =	vst v1  }
0x1e6: {  	[tilespmem:$0x16D0] =	vst v1  }
0x1e7: {  	[tilespmem:$0x16C0] =	vst v1  }
0x1e8: {  	[tilespmem:$0x16B0] =	vst v1  }
0x1e9: {  	[tilespmem:$0x16A0] =	vst v1  }
0x1ea: {  	[tilespmem:$0x1690] =	vst v1  }
0x1eb: {  	[tilespmem:$0x1680] =	vst v1  }
0x1ec: {  	[tilespmem:$0x1670] =	vst v1  }
0x1ed: {  	[tilespmem:$0x1660] =	vst v1  }
0x1ee: {  	[tilespmem:$0x1650] =	vst v1  }
0x1ef: {  	[tilespmem:$0x1640] =	vst v1  }
0x1f0: {  	[tilespmem:$0x1630] =	vst v1  }
0x1f1: {  	[tilespmem:$0x1620] =	vst v1  }
0x1f2: {  	[tilespmem:$0x1610] =	vst v1  }
0x1f3: {  	[tilespmem:$0x1600] =	vst v1  }
0x1f4: {  	[tilespmem:$0x15F0] =	vst v1  }
0x1f5: {  	[tilespmem:$0x15E0] =	vst v1  }
0x1f6: {  	[tilespmem:$0x15D0] =	vst v1  }
0x1f7: {  	[tilespmem:$0x15C0] =	vst v1  }
0x1f8: {  	[tilespmem:$0x15B0] =	vst v1  }
0x1f9: {  	[tilespmem:$0x15A0] =	vst v1  }
0x1fa: {  	[tilespmem:$0x1590] =	vst v1  }
0x1fb: {  	[tilespmem:$0x1580] =	vst v1  }
0x1fc: {  	[tilespmem:$0x1570] =	vst v1  }
0x1fd: {  	[tilespmem:$0x1560] =	vst v1  }
0x1fe: {  	[tilespmem:$0x1550] =	vst v1  }
0x1ff: {  	[tilespmem:$0x1540] =	vst v1  }
0x200: {  	[tilespmem:$0x1530] =	vst v1  }
0x201: {  	[tilespmem:$0x1520] =	vst v1  }
0x202: {  	[tilespmem:$0x1510] =	vst v1  }
0x203: {  	[tilespmem:$0x1500] =	vst v1  }
0x204: {  	[tilespmem:$0x14F0] =	vst v1  }
0x205: {  	[tilespmem:$0x14E0] =	vst v1  }
0x206: {  	[tilespmem:$0x14D0] =	vst v1  }
0x207: {  	[tilespmem:$0x14C0] =	vst v1  }
0x208: {  	[tilespmem:$0x14B0] =	vst v1  }
0x209: {  	[tilespmem:$0x14A0] =	vst v1  }
0x20a: {  	[tilespmem:$0x1490] =	vst v1  }
0x20b: {  	[tilespmem:$0x1480] =	vst v1  }
0x20c: {  	[tilespmem:$0x1470] =	vst v0  }
0x20d: {  	[tilespmem:$0x1460] =	vst v0  }
0x20e: {  	[tilespmem:$0x1450] =	vst v0  }
0x20f: {  	[tilespmem:$0x1440] =	vst v0  }
0x210: {  	[tilespmem:$0x1430] =	vst v0  }
0x211: {  	s25 =	rddreg [dreg:$0x7];
	[tilespmem:$0x1420] =	vst v0  }
0x212: {  	s0 =	rddreg [dreg:$0xa];
	[tilespmem:$0x1410] =	vst v0  }
0x213: {  	[spmem:s0] =	stream.linear.scatter [tilespmem:s25], [sflag:$0x2], $0x280, $0x38;
	[tilespmem:$0x1980] =	vst v63  }
0x214: {  	_ =	swait.ge [sflag:s4], $0x280  }
0x215: {  	[sflag:s4] =	ssyncset.done $0x0  }
0x216: {  	[sflag:s4] =	ssyncadd.s32 $0xFFFFFD80  }
0x217: {  	[bflag:$0x0] =	sbarrier.arrive $0xFFFF  }
0x218: {  	s0 =	simm.s32 $0x0;
	s2 =	rddreg [dreg:$0x4]  }
0x219: {  	[tilespmem:s0], [sflag:$0x2] =	stream.linear.gather [hbm4b:s2+s0], $0x1400, $0x38;
	[tilespmem:$0x1980] =	vst v63  }
0x21a: {  	_ =	swait.ge [sflag:s4], $0x1400  }
0x21b: {  	[sflag:s4] =	ssyncset.done $0x0  }
0x21c: {  	[sflag:s4] =	ssyncadd.s32 $0xFFFFEC00  }
0x21d: {  	[spmem:s1] =	stream.indirect.scatter.add.f32 [tilespmem:s7], [sflag:$0x1], $0x1, s0, s6, $0xb8;
	[tilespmem:$0x1980] =	vst v63  }
0x21e: {  	_ = 	snop  }
0x21f: {  	[spmem:s1] =	stream.indirect.scatter.add.f32 [tilespmem:s7], [sflag:$0x1], $0x1, s6, s6, $0xb8;
	[tilespmem:$0x1980] =	vst v63  }
0x220: {  	s26 =	simm.s32 $0x100  }
0x221: {  	[spmem:s1] =	stream.indirect.scatter.add.f32 [tilespmem:s7], [sflag:$0x1], $0x1, s26, s6, $0xb8;
	[tilespmem:$0x1980] =	vst v63  }
0x222: {  	s28 =	simm.s32 $0x180  }
0x223: {  	[spmem:s1] =	stream.indirect.scatter.add.f32 [tilespmem:s7], [sflag:$0x1], $0x1, s28, s6, $0xb8;
	[tilespmem:$0x1980] =	vst v63  }
0x224: {  	_ = 	snop  }
0x225: {  	[spmem:s1] =	stream.indirect.scatter.add.f32 [tilespmem:s7], [sflag:$0x1], $0x1, s30, s6, $0xb8;
	[tilespmem:$0x1980] =	vst v63  }
0x226: {  	_ = 	snop  }
0x227: {  	[spmem:s1] =	stream.indirect.scatter.add.f32 [tilespmem:s7], [sflag:$0x1], $0x1, s31, s6, $0xb8;
	[tilespmem:$0x1980] =	vst v63  }
0x228: {  	s2 =	simm.s32 $0x300  }
0x229: {  	[spmem:s1] =	stream.indirect.scatter.add.f32 [tilespmem:s7], [sflag:$0x1], $0x1, s2, s6, $0xb8;
	[tilespmem:$0x1980] =	vst v63  }
0x22a: {  	_ = 	snop  }
0x22b: {  	[spmem:s1] =	stream.indirect.scatter.add.f32 [tilespmem:s7], [sflag:$0x1], $0x1, s3, s6, $0xb8;
	[tilespmem:$0x1980] =	vst v63  }
0x22c: {  	_ =	swait.ge [sflag:s14], $0x80  }
0x22d: {  	[sflag:s14] =	ssyncset.done $0x0  }
0x22e: {  	[sflag:s14] =	ssyncadd.s32 $0xFFFFFF80  }
0x22f: {  	_ =	swait.ge [sflag:s14], $0x80  }
0x230: {  	[sflag:s14] =	ssyncset.done $0x0  }
0x231: {  	[sflag:s14] =	ssyncadd.s32 $0xFFFFFF80  }
0x232: {  	_ =	swait.ge [sflag:s14], $0x80  }
0x233: {  	[sflag:s14] =	ssyncset.done $0x0  }
0x234: {  	[sflag:s14] =	ssyncadd.s32 $0xFFFFFF80  }
0x235: {  	_ =	swait.ge [sflag:s14], $0x80  }
0x236: {  	[sflag:s14] =	ssyncset.done $0x0  }
0x237: {  	[sflag:s14] =	ssyncadd.s32 $0xFFFFFF80  }
0x238: {  	_ =	swait.ge [sflag:s14], $0x80  }
0x239: {  	[sflag:s14] =	ssyncset.done $0x0  }
0x23a: {  	[sflag:s14] =	ssyncadd.s32 $0xFFFFFF80  }
0x23b: {  	_ =	swait.ge [sflag:s14], $0x80  }
0x23c: {  	[sflag:s14] =	ssyncset.done $0x0  }
0x23d: {  	[sflag:s14] =	ssyncadd.s32 $0xFFFFFF80  }
0x23e: {  	_ =	swait.ge [sflag:s14], $0x80  }
0x23f: {  	[sflag:s14] =	ssyncset.done $0x0  }
0x240: {  	[sflag:s14] =	ssyncadd.s32 $0xFFFFFF80  }
0x241: {  	_ =	swait.ge [sflag:s14], $0x80  }
0x242: {  	[sflag:s14] =	ssyncset.done $0x0  }
0x243: {  	[sflag:s14] =	ssyncadd.s32 $0xFFFFFF80  }
0x244: {  	[spmem:s1] =	stream.indirect.scatter.add.f32 [tilespmem:s7], [sflag:$0x1], $0x1, s5, s6, $0xb8;
	[tilespmem:$0x1980] =	vst v63  }
0x245: {  	_ = 	snop  }
0x246: {  	[spmem:s1] =	stream.indirect.scatter.add.f32 [tilespmem:s7], [sflag:$0x1], $0x1, s8, s6, $0xb8;
	[tilespmem:$0x1980] =	vst v63  }
0x247: {  	_ = 	snop  }
0x248: {  	[spmem:s1] =	stream.indirect.scatter.add.f32 [tilespmem:s7], [sflag:$0x1], $0x1, s9, s6, $0xb8;
	[tilespmem:$0x1980] =	vst v63  }
0x249: {  	_ = 	snop  }
0x24a: {  	[spmem:s1] =	stream.indirect.scatter.add.f32 [tilespmem:s7], [sflag:$0x1], $0x1, s10, s6, $0xb8;
	[tilespmem:$0x1980] =	vst v63  }
0x24b: {  	_ = 	snop  }
0x24c: {  	[spmem:s1] =	stream.indirect.scatter.add.f32 [tilespmem:s7], [sflag:$0x1], $0x1, s11, s6, $0xb8;
	[tilespmem:$0x1980] =	vst v63  }
0x24d: {  	_ = 	snop  }
0x24e: {  	[spmem:s1] =	stream.indirect.scatter.add.f32 [tilespmem:s7], [sflag:$0x1], $0x1, s12, s6, $0xb8;
	[tilespmem:$0x1980] =	vst v63  }
0x24f: {  	_ = 	snop  }
0x250: {  	[spmem:s1] =	stream.indirect.scatter.add.f32 [tilespmem:s7], [sflag:$0x1], $0x1, s13, s6, $0xb8;
	[tilespmem:$0x1980] =	vst v63  }
0x251: {  	_ = 	snop  }
0x252: {  	[spmem:s1] =	stream.indirect.scatter.add.f32 [tilespmem:s7], [sflag:$0x1], $0x1, s15, s6, $0xb8;
	[tilespmem:$0x1980] =	vst v63  }
0x253: {  	_ =	swait.ge [sflag:s14], $0x80  }
0x254: {  	[sflag:s14] =	ssyncset.done $0x0  }
0x255: {  	[sflag:s14] =	ssyncadd.s32 $0xFFFFFF80  }
0x256: {  	_ =	swait.ge [sflag:s14], $0x80  }
0x257: {  	[sflag:s14] =	ssyncset.done $0x0  }
0x258: {  	[sflag:s14] =	ssyncadd.s32 $0xFFFFFF80  }
0x259: {  	_ =	swait.ge [sflag:s14], $0x80  }
0x25a: {  	[sflag:s14] =	ssyncset.done $0x0  }
0x25b: {  	[sflag:s14] =	ssyncadd.s32 $0xFFFFFF80  }
0x25c: {  	_ =	swait.ge [sflag:s14], $0x80  }
0x25d: {  	[sflag:s14] =	ssyncset.done $0x0  }
0x25e: {  	[sflag:s14] =	ssyncadd.s32 $0xFFFFFF80  }
0x25f: {  	_ =	swait.ge [sflag:s14], $0x80  }
0x260: {  	[sflag:s14] =	ssyncset.done $0x0  }
0x261: {  	[sflag:s14] =	ssyncadd.s32 $0xFFFFFF80  }
0x262: {  	_ =	swait.ge [sflag:s14], $0x80  }
0x263: {  	[sflag:s14] =	ssyncset.done $0x0  }
0x264: {  	[sflag:s14] =	ssyncadd.s32 $0xFFFFFF80  }
0x265: {  	_ =	swait.ge [sflag:s14], $0x80  }
0x266: {  	[sflag:s14] =	ssyncset.done $0x0  }
0x267: {  	[sflag:s14] =	ssyncadd.s32 $0xFFFFFF80  }
0x268: {  	_ =	swait.ge [sflag:s14], $0x80  }
0x269: {  	[sflag:s14] =	ssyncset.done $0x0  }
0x26a: {  	[sflag:s14] =	ssyncadd.s32 $0xFFFFFF80  }
0x26b: {  	[spmem:s1] =	stream.indirect.scatter.add.f32 [tilespmem:s7], [sflag:$0x1], $0x1, s16, s6, $0xb8;
	[tilespmem:$0x1980] =	vst v63  }
0x26c: {  	_ = 	snop  }
0x26d: {  	[spmem:s1] =	stream.indirect.scatter.add.f32 [tilespmem:s7], [sflag:$0x1], $0x1, s17, s6, $0xb8;
	[tilespmem:$0x1980] =	vst v63  }
0x26e: {  	_ = 	snop  }
0x26f: {  	[spmem:s1] =	stream.indirect.scatter.add.f32 [tilespmem:s7], [sflag:$0x1], $0x1, s18, s6, $0xb8;
	[tilespmem:$0x1980] =	vst v63  }
0x270: {  	_ = 	snop  }
0x271: {  	[spmem:s1] =	stream.indirect.scatter.add.f32 [tilespmem:s7], [sflag:$0x1], $0x1, s19, s6, $0xb8;
	[tilespmem:$0x1980] =	vst v63  }
0x272: {  	_ = 	snop  }
0x273: {  	[spmem:s1] =	stream.indirect.scatter.add.f32 [tilespmem:s7], [sflag:$0x1], $0x1, s20, s6, $0xb8;
	[tilespmem:$0x1980] =	vst v63  }
0x274: {  	_ = 	snop  }
0x275: {  	[spmem:s1] =	stream.indirect.scatter.add.f32 [tilespmem:s7], [sflag:$0x1], $0x1, s21, s6, $0xb8;
	[tilespmem:$0x1980] =	vst v63  }
0x276: {  	_ = 	snop  }
0x277: {  	[spmem:s1] =	stream.indirect.scatter.add.f32 [tilespmem:s7], [sflag:$0x1], $0x1, s22, s6, $0xb8;
	[tilespmem:$0x1980] =	vst v63  }
0x278: {  	_ = 	snop  }
0x279: {  	[spmem:s1] =	stream.indirect.scatter.add.f32 [tilespmem:s7], [sflag:$0x1], $0x1, s23, s6, $0xb8;
	[tilespmem:$0x1980] =	vst v63  }
0x27a: {  	_ =	swait.ge [sflag:s14], $0x80  }
0x27b: {  	[sflag:s14] =	ssyncset.done $0x0  }
0x27c: {  	[sflag:s14] =	ssyncadd.s32 $0xFFFFFF80  }
0x27d: {  	_ =	swait.ge [sflag:s14], $0x80  }
0x27e: {  	[sflag:s14] =	ssyncset.done $0x0  }
0x27f: {  	[sflag:s14] =	ssyncadd.s32 $0xFFFFFF80  }
0x280: {  	_ =	swait.ge [sflag:s14], $0x80  }
0x281: {  	[sflag:s14] =	ssyncset.done $0x0  }
0x282: {  	[sflag:s14] =	ssyncadd.s32 $0xFFFFFF80  }
0x283: {  	_ =	swait.ge [sflag:s14], $0x80  }
0x284: {  	[sflag:s14] =	ssyncset.done $0x0  }
0x285: {  	[sflag:s14] =	ssyncadd.s32 $0xFFFFFF80  }
0x286: {  	_ =	swait.ge [sflag:s14], $0x80  }
0x287: {  	[sflag:s14] =	ssyncset.done $0x0  }
0x288: {  	[sflag:s14] =	ssyncadd.s32 $0xFFFFFF80  }
0x289: {  	_ =	swait.ge [sflag:s14], $0x80  }
0x28a: {  	[sflag:s14] =	ssyncset.done $0x0  }
0x28b: {  	[sflag:s14] =	ssyncadd.s32 $0xFFFFFF80  }
0x28c: {  	_ =	swait.ge [sflag:s14], $0x80  }
0x28d: {  	[sflag:s14] =	ssyncset.done $0x0  }
0x28e: {  	[sflag:s14] =	ssyncadd.s32 $0xFFFFFF80  }
0x28f: {  	_ =	swait.ge [sflag:s14], $0x80  }
0x290: {  	[sflag:s14] =	ssyncset.done $0x0  }
0x291: {  	[sflag:s14] =	ssyncadd.s32 $0xFFFFFF80  }
0x292: {  	[spmem:s1] =	stream.indirect.scatter.add.f32 [tilespmem:s7], [sflag:$0x1], $0x1, s29, s6, $0xb8;
	[tilespmem:$0x1980] =	vst v63  }
0x293: {  	s2 =	simm.s32 $0xC80  }
0x294: {  	[spmem:s1] =	stream.indirect.scatter.add.f32 [tilespmem:s7], [sflag:$0x1], $0x1, s2, s6, $0xb8;
	[tilespmem:$0x1980] =	vst v63  }
0x295: {  	s25 =	simm.s32 $0xD00  }
0x296: {  	[spmem:s1] =	stream.indirect.scatter.add.f32 [tilespmem:s7], [sflag:$0x1], $0x1, s25, s6, $0xb8;
	[tilespmem:$0x1980] =	vst v63  }
0x297: {  	s25 =	simm.s32 $0xD80  }
0x298: {  	[spmem:s1] =	stream.indirect.scatter.add.f32 [tilespmem:s7], [sflag:$0x1], $0x1, s25, s6, $0xb8;
	[tilespmem:$0x1980] =	vst v63  }
0x299: {  	s25 =	simm.s32 $0xE00  }
0x29a: {  	[spmem:s1] =	stream.indirect.scatter.add.f32 [tilespmem:s7], [sflag:$0x1], $0x1, s25, s6, $0xb8;
	[tilespmem:$0x1980] =	vst v63  }
0x29b: {  	s25 =	simm.s32 $0xE80  }
0x29c: {  	[spmem:s1] =	stream.indirect.scatter.add.f32 [tilespmem:s7], [sflag:$0x1], $0x1, s25, s6, $0xb8;
	[tilespmem:$0x1980] =	vst v63  }
0x29d: {  	s25 =	simm.s32 $0xF00  }
0x29e: {  	[spmem:s1] =	stream.indirect.scatter.add.f32 [tilespmem:s7], [sflag:$0x1], $0x1, s25, s6, $0xb8;
	[tilespmem:$0x1980] =	vst v63  }
0x29f: {  	s25 =	simm.s32 $0xF80  }
0x2a0: {  	[spmem:s1] =	stream.indirect.scatter.add.f32 [tilespmem:s7], [sflag:$0x1], $0x1, s25, s6, $0xb8;
	[tilespmem:$0x1980] =	vst v63  }
0x2a1: {  	_ =	swait.ge [sflag:s14], $0x80  }
0x2a2: {  	[sflag:s14] =	ssyncset.done $0x0  }
0x2a3: {  	[sflag:s14] =	ssyncadd.s32 $0xFFFFFF80  }
0x2a4: {  	_ =	swait.ge [sflag:s14], $0x80  }
0x2a5: {  	[sflag:s14] =	ssyncset.done $0x0  }
0x2a6: {  	[sflag:s14] =	ssyncadd.s32 $0xFFFFFF80  }
0x2a7: {  	_ =	swait.ge [sflag:s14], $0x80  }
0x2a8: {  	[sflag:s14] =	ssyncset.done $0x0  }
0x2a9: {  	[sflag:s14] =	ssyncadd.s32 $0xFFFFFF80  }
0x2aa: {  	_ =	swait.ge [sflag:s14], $0x80  }
0x2ab: {  	[sflag:s14] =	ssyncset.done $0x0  }
0x2ac: {  	[sflag:s14] =	ssyncadd.s32 $0xFFFFFF80  }
0x2ad: {  	_ =	swait.ge [sflag:s14], $0x80  }
0x2ae: {  	[sflag:s14] =	ssyncset.done $0x0  }
0x2af: {  	[sflag:s14] =	ssyncadd.s32 $0xFFFFFF80  }
0x2b0: {  	_ =	swait.ge [sflag:s14], $0x80  }
0x2b1: {  	[sflag:s14] =	ssyncset.done $0x0  }
0x2b2: {  	[sflag:s14] =	ssyncadd.s32 $0xFFFFFF80  }
0x2b3: {  	_ =	swait.ge [sflag:s14], $0x80  }
0x2b4: {  	[sflag:s14] =	ssyncset.done $0x0  }
0x2b5: {  	[sflag:s14] =	ssyncadd.s32 $0xFFFFFF80  }
0x2b6: {  	_ =	swait.ge [sflag:s14], $0x80  }
0x2b7: {  	[sflag:s14] =	ssyncset.done $0x0  }
0x2b8: {  	s25 =	simm.s32 $0x1000;
	[sflag:s14] =	ssyncadd.s32 $0xFFFFFF80  }
0x2b9: {  	[spmem:s1] =	stream.indirect.scatter.add.f32 [tilespmem:s7], [sflag:$0x1], $0x1, s25, s6, $0xb8;
	[tilespmem:$0x1980] =	vst v63  }
0x2ba: {  	s25 =	simm.s32 $0x1080  }
0x2bb: {  	[spmem:s1] =	stream.indirect.scatter.add.f32 [tilespmem:s7], [sflag:$0x1], $0x1, s25, s6, $0xb8;
	[tilespmem:$0x1980] =	vst v63  }
0x2bc: {  	s25 =	simm.s32 $0x1100  }
0x2bd: {  	[spmem:s1] =	stream.indirect.scatter.add.f32 [tilespmem:s7], [sflag:$0x1], $0x1, s25, s6, $0xb8;
	[tilespmem:$0x1980] =	vst v63  }
0x2be: {  	s25 =	simm.s32 $0x1180  }
0x2bf: {  	[spmem:s1] =	stream.indirect.scatter.add.f32 [tilespmem:s7], [sflag:$0x1], $0x1, s25, s6, $0xb8;
	[tilespmem:$0x1980] =	vst v63  }
0x2c0: {  	s25 =	simm.s32 $0x1200  }
0x2c1: {  	[spmem:s1] =	stream.indirect.scatter.add.f32 [tilespmem:s7], [sflag:$0x1], $0x1, s25, s6, $0xb8;
	[tilespmem:$0x1980] =	vst v63  }
0x2c2: {  	s25 =	simm.s32 $0x1280  }
0x2c3: {  	[spmem:s1] =	stream.indirect.scatter.add.f32 [tilespmem:s7], [sflag:$0x1], $0x1, s25, s6, $0xb8;
	[tilespmem:$0x1980] =	vst v63  }
0x2c4: {  	s25 =	simm.s32 $0x1300  }
0x2c5: {  	[spmem:s1] =	stream.indirect.scatter.add.f32 [tilespmem:s7], [sflag:$0x1], $0x1, s25, s6, $0xb8;
	[tilespmem:$0x1980] =	vst v63  }
0x2c6: {  	s25 =	simm.s32 $0x1380  }
0x2c7: {  	[spmem:s1] =	stream.indirect.scatter.add.f32 [tilespmem:s7], [sflag:$0x1], $0x1, s25, s6, $0xb8;
	[tilespmem:$0x1980] =	vst v63  }
0x2c8: {  	_ =	swait.ge [sflag:s14], $0x80  }
0x2c9: {  	[sflag:s14] =	ssyncset.done $0x0  }
0x2ca: {  	[sflag:s14] =	ssyncadd.s32 $0xFFFFFF80  }
0x2cb: {  	_ =	swait.ge [sflag:s14], $0x80  }
0x2cc: {  	[sflag:s14] =	ssyncset.done $0x0  }
0x2cd: {  	[sflag:s14] =	ssyncadd.s32 $0xFFFFFF80  }
0x2ce: {  	_ =	swait.ge [sflag:s14], $0x80  }
0x2cf: {  	[sflag:s14] =	ssyncset.done $0x0  }
0x2d0: {  	[sflag:s14] =	ssyncadd.s32 $0xFFFFFF80  }
0x2d1: {  	_ =	swait.ge [sflag:s14], $0x80  }
0x2d2: {  	[sflag:s14] =	ssyncset.done $0x0  }
0x2d3: {  	[sflag:s14] =	ssyncadd.s32 $0xFFFFFF80  }
0x2d4: {  	_ =	swait.ge [sflag:s14], $0x80  }
0x2d5: {  	[sflag:s14] =	ssyncset.done $0x0  }
0x2d6: {  	[sflag:s14] =	ssyncadd.s32 $0xFFFFFF80  }
0x2d7: {  	_ =	swait.ge [sflag:s14], $0x80  }
0x2d8: {  	[sflag:s14] =	ssyncset.done $0x0  }
0x2d9: {  	[sflag:s14] =	ssyncadd.s32 $0xFFFFFF80  }
0x2da: {  	_ =	swait.ge [sflag:s14], $0x80  }
0x2db: {  	[sflag:s14] =	ssyncset.done $0x0  }
0x2dc: {  	[sflag:s14] =	ssyncadd.s32 $0xFFFFFF80  }
0x2dd: {  	_ =	swait.ge [sflag:s14], $0x80  }
0x2de: {  	[sflag:s14] =	ssyncset.done $0x0  }
0x2df: {  	s25 =	rddreg [dreg:$0x5];
	[sflag:s14] =	ssyncadd.s32 $0xFFFFFF80  }
0x2e0: {  	[tilespmem:s0], [sflag:$0x2] =	stream.linear.gather [hbm4b:s25+s0], $0x1400, $0x38;
	[tilespmem:$0x1980] =	vst v63  }
0x2e1: {  	_ =	swait.ge [sflag:s4], $0x1400  }
0x2e2: {  	[sflag:s4] =	ssyncset.done $0x0  }
0x2e3: {  	[sflag:s4] =	ssyncadd.s32 $0xFFFFEC00  }
0x2e4: {  	[spmem:s1] =	stream.indirect.scatter.add.f32 [tilespmem:s7], [sflag:$0x1], $0x1, s0, s6, $0xb8;
	[tilespmem:$0x1980] =	vst v63  }
0x2e5: {  	_ = 	snop  }
0x2e6: {  	[spmem:s1] =	stream.indirect.scatter.add.f32 [tilespmem:s7], [sflag:$0x1], $0x1, s6, s6, $0xb8;
	[tilespmem:$0x1980] =	vst v63  }
0x2e7: {  	_ = 	snop  }
0x2e8: {  	[spmem:s1] =	stream.indirect.scatter.add.f32 [tilespmem:s7], [sflag:$0x1], $0x1, s26, s6, $0xb8;
	[tilespmem:$0x1980] =	vst v63  }
0x2e9: {  	_ = 	snop  }
0x2ea: {  	[spmem:s1] =	stream.indirect.scatter.add.f32 [tilespmem:s7], [sflag:$0x1], $0x1, s28, s6, $0xb8;
	[tilespmem:$0x1980] =	vst v63  }
0x2eb: {  	_ = 	snop  }
0x2ec: {  	[spmem:s1] =	stream.indirect.scatter.add.f32 [tilespmem:s7], [sflag:$0x1], $0x1, s30, s6, $0xb8;
	[tilespmem:$0x1980] =	vst v63  }
0x2ed: {  	_ = 	snop  }
0x2ee: {  	[spmem:s1] =	stream.indirect.scatter.add.f32 [tilespmem:s7], [sflag:$0x1], $0x1, s31, s6, $0xb8;
	[tilespmem:$0x1980] =	vst v63  }
0x2ef: {  	s25 =	simm.s32 $0x300  }
0x2f0: {  	[spmem:s1] =	stream.indirect.scatter.add.f32 [tilespmem:s7], [sflag:$0x1], $0x1, s25, s6, $0xb8;
	[tilespmem:$0x1980] =	vst v63  }
0x2f1: {  	_ = 	snop  }
0x2f2: {  	[spmem:s1] =	stream.indirect.scatter.add.f32 [tilespmem:s7], [sflag:$0x1], $0x1, s3, s6, $0xb8;
	[tilespmem:$0x1980] =	vst v63  }
0x2f3: {  	_ =	swait.ge [sflag:s14], $0x80  }
0x2f4: {  	[sflag:s14] =	ssyncset.done $0x0  }
0x2f5: {  	[sflag:s14] =	ssyncadd.s32 $0xFFFFFF80  }
0x2f6: {  	_ =	swait.ge [sflag:s14], $0x80  }
0x2f7: {  	[sflag:s14] =	ssyncset.done $0x0  }
0x2f8: {  	[sflag:s14] =	ssyncadd.s32 $0xFFFFFF80  }
0x2f9: {  	_ =	swait.ge [sflag:s14], $0x80  }
0x2fa: {  	[sflag:s14] =	ssyncset.done $0x0  }
0x2fb: {  	[sflag:s14] =	ssyncadd.s32 $0xFFFFFF80  }
0x2fc: {  	_ =	swait.ge [sflag:s14], $0x80  }
0x2fd: {  	[sflag:s14] =	ssyncset.done $0x0  }
0x2fe: {  	[sflag:s14] =	ssyncadd.s32 $0xFFFFFF80  }
0x2ff: {  	_ =	swait.ge [sflag:s14], $0x80  }
0x300: {  	[sflag:s14] =	ssyncset.done $0x0  }
0x301: {  	[sflag:s14] =	ssyncadd.s32 $0xFFFFFF80  }
0x302: {  	_ =	swait.ge [sflag:s14], $0x80  }
0x303: {  	[sflag:s14] =	ssyncset.done $0x0  }
0x304: {  	[sflag:s14] =	ssyncadd.s32 $0xFFFFFF80  }
0x305: {  	_ =	swait.ge [sflag:s14], $0x80  }
0x306: {  	[sflag:s14] =	ssyncset.done $0x0  }
0x307: {  	[sflag:s14] =	ssyncadd.s32 $0xFFFFFF80  }
0x308: {  	_ =	swait.ge [sflag:s14], $0x80  }
0x309: {  	[sflag:s14] =	ssyncset.done $0x0  }
0x30a: {  	[sflag:s14] =	ssyncadd.s32 $0xFFFFFF80  }
0x30b: {  	[spmem:s1] =	stream.indirect.scatter.add.f32 [tilespmem:s7], [sflag:$0x1], $0x1, s5, s6, $0xb8;
	[tilespmem:$0x1980] =	vst v63  }
0x30c: {  	_ = 	snop  }
0x30d: {  	[spmem:s1] =	stream.indirect.scatter.add.f32 [tilespmem:s7], [sflag:$0x1], $0x1, s8, s6, $0xb8;
	[tilespmem:$0x1980] =	vst v63  }
0x30e: {  	_ = 	snop  }
0x30f: {  	[spmem:s1] =	stream.indirect.scatter.add.f32 [tilespmem:s7], [sflag:$0x1], $0x1, s9, s6, $0xb8;
	[tilespmem:$0x1980] =	vst v63  }
0x310: {  	_ = 	snop  }
0x311: {  	[spmem:s1] =	stream.indirect.scatter.add.f32 [tilespmem:s7], [sflag:$0x1], $0x1, s10, s6, $0xb8;
	[tilespmem:$0x1980] =	vst v63  }
0x312: {  	_ = 	snop  }
0x313: {  	[spmem:s1] =	stream.indirect.scatter.add.f32 [tilespmem:s7], [sflag:$0x1], $0x1, s11, s6, $0xb8;
	[tilespmem:$0x1980] =	vst v63  }
0x314: {  	_ = 	snop  }
0x315: {  	[spmem:s1] =	stream.indirect.scatter.add.f32 [tilespmem:s7], [sflag:$0x1], $0x1, s12, s6, $0xb8;
	[tilespmem:$0x1980] =	vst v63  }
0x316: {  	_ = 	snop  }
0x317: {  	[spmem:s1] =	stream.indirect.scatter.add.f32 [tilespmem:s7], [sflag:$0x1], $0x1, s13, s6, $0xb8;
	[tilespmem:$0x1980] =	vst v63  }
0x318: {  	_ = 	snop  }
0x319: {  	[spmem:s1] =	stream.indirect.scatter.add.f32 [tilespmem:s7], [sflag:$0x1], $0x1, s15, s6, $0xb8;
	[tilespmem:$0x1980] =	vst v63  }
0x31a: {  	_ =	swait.ge [sflag:s14], $0x80  }
0x31b: {  	[sflag:s14] =	ssyncset.done $0x0  }
0x31c: {  	[sflag:s14] =	ssyncadd.s32 $0xFFFFFF80  }
0x31d: {  	_ =	swait.ge [sflag:s14], $0x80  }
0x31e: {  	[sflag:s14] =	ssyncset.done $0x0  }
0x31f: {  	[sflag:s14] =	ssyncadd.s32 $0xFFFFFF80  }
0x320: {  	_ =	swait.ge [sflag:s14], $0x80  }
0x321: {  	[sflag:s14] =	ssyncset.done $0x0  }
0x322: {  	[sflag:s14] =	ssyncadd.s32 $0xFFFFFF80  }
0x323: {  	_ =	swait.ge [sflag:s14], $0x80  }
0x324: {  	[sflag:s14] =	ssyncset.done $0x0  }
0x325: {  	[sflag:s14] =	ssyncadd.s32 $0xFFFFFF80  }
0x326: {  	_ =	swait.ge [sflag:s14], $0x80  }
0x327: {  	[sflag:s14] =	ssyncset.done $0x0  }
0x328: {  	[sflag:s14] =	ssyncadd.s32 $0xFFFFFF80  }
0x329: {  	_ =	swait.ge [sflag:s14], $0x80  }
0x32a: {  	[sflag:s14] =	ssyncset.done $0x0  }
0x32b: {  	[sflag:s14] =	ssyncadd.s32 $0xFFFFFF80  }
0x32c: {  	_ =	swait.ge [sflag:s14], $0x80  }
0x32d: {  	[sflag:s14] =	ssyncset.done $0x0  }
0x32e: {  	[sflag:s14] =	ssyncadd.s32 $0xFFFFFF80  }
0x32f: {  	_ =	swait.ge [sflag:s14], $0x80  }
0x330: {  	[sflag:s14] =	ssyncset.done $0x0  }
0x331: {  	[sflag:s14] =	ssyncadd.s32 $0xFFFFFF80  }
0x332: {  	[spmem:s1] =	stream.indirect.scatter.add.f32 [tilespmem:s7], [sflag:$0x1], $0x1, s16, s6, $0xb8;
	[tilespmem:$0x1980] =	vst v63  }
0x333: {  	_ = 	snop  }
0x334: {  	[spmem:s1] =	stream.indirect.scatter.add.f32 [tilespmem:s7], [sflag:$0x1], $0x1, s17, s6, $0xb8;
	[tilespmem:$0x1980] =	vst v63  }
0x335: {  	_ = 	snop  }
0x336: {  	[spmem:s1] =	stream.indirect.scatter.add.f32 [tilespmem:s7], [sflag:$0x1], $0x1, s18, s6, $0xb8;
	[tilespmem:$0x1980] =	vst v63  }
0x337: {  	_ = 	snop  }
0x338: {  	[spmem:s1] =	stream.indirect.scatter.add.f32 [tilespmem:s7], [sflag:$0x1], $0x1, s19, s6, $0xb8;
	[tilespmem:$0x1980] =	vst v63  }
0x339: {  	_ = 	snop  }
0x33a: {  	[spmem:s1] =	stream.indirect.scatter.add.f32 [tilespmem:s7], [sflag:$0x1], $0x1, s20, s6, $0xb8;
	[tilespmem:$0x1980] =	vst v63  }
0x33b: {  	_ = 	snop  }
0x33c: {  	[spmem:s1] =	stream.indirect.scatter.add.f32 [tilespmem:s7], [sflag:$0x1], $0x1, s21, s6, $0xb8;
	[tilespmem:$0x1980] =	vst v63  }
0x33d: {  	_ = 	snop  }
0x33e: {  	[spmem:s1] =	stream.indirect.scatter.add.f32 [tilespmem:s7], [sflag:$0x1], $0x1, s22, s6, $0xb8;
	[tilespmem:$0x1980] =	vst v63  }
0x33f: {  	_ = 	snop  }
0x340: {  	[spmem:s1] =	stream.indirect.scatter.add.f32 [tilespmem:s7], [sflag:$0x1], $0x1, s23, s6, $0xb8;
	[tilespmem:$0x1980] =	vst v63  }
0x341: {  	_ =	swait.ge [sflag:s14], $0x80  }
0x342: {  	[sflag:s14] =	ssyncset.done $0x0  }
0x343: {  	[sflag:s14] =	ssyncadd.s32 $0xFFFFFF80  }
0x344: {  	_ =	swait.ge [sflag:s14], $0x80  }
0x345: {  	[sflag:s14] =	ssyncset.done $0x0  }
0x346: {  	[sflag:s14] =	ssyncadd.s32 $0xFFFFFF80  }
0x347: {  	_ =	swait.ge [sflag:s14], $0x80  }
0x348: {  	[sflag:s14] =	ssyncset.done $0x0  }
0x349: {  	[sflag:s14] =	ssyncadd.s32 $0xFFFFFF80  }
0x34a: {  	_ =	swait.ge [sflag:s14], $0x80  }
0x34b: {  	[sflag:s14] =	ssyncset.done $0x0  }
0x34c: {  	[sflag:s14] =	ssyncadd.s32 $0xFFFFFF80  }
0x34d: {  	_ =	swait.ge [sflag:s14], $0x80  }
0x34e: {  	[sflag:s14] =	ssyncset.done $0x0  }
0x34f: {  	[sflag:s14] =	ssyncadd.s32 $0xFFFFFF80  }
0x350: {  	_ =	swait.ge [sflag:s14], $0x80  }
0x351: {  	[sflag:s14] =	ssyncset.done $0x0  }
0x352: {  	[sflag:s14] =	ssyncadd.s32 $0xFFFFFF80  }
0x353: {  	_ =	swait.ge [sflag:s14], $0x80  }
0x354: {  	[sflag:s14] =	ssyncset.done $0x0  }
0x355: {  	[sflag:s14] =	ssyncadd.s32 $0xFFFFFF80  }
0x356: {  	_ =	swait.ge [sflag:s14], $0x80  }
0x357: {  	[sflag:s14] =	ssyncset.done $0x0  }
0x358: {  	[sflag:s14] =	ssyncadd.s32 $0xFFFFFF80  }
0x359: {  	[spmem:s1] =	stream.indirect.scatter.add.f32 [tilespmem:s7], [sflag:$0x1], $0x1, s29, s6, $0xb8;
	[tilespmem:$0x1980] =	vst v63  }
0x35a: {  	_ = 	snop  }
0x35b: {  	[spmem:s1] =	stream.indirect.scatter.add.f32 [tilespmem:s7], [sflag:$0x1], $0x1, s2, s6, $0xb8;
	[tilespmem:$0x1980] =	vst v63  }
0x35c: {  	s26 =	simm.s32 $0xD00  }
0x35d: {  	[spmem:s1] =	stream.indirect.scatter.add.f32 [tilespmem:s7], [sflag:$0x1], $0x1, s26, s6, $0xb8;
	[tilespmem:$0x1980] =	vst v63  }
0x35e: {  	s28 =	simm.s32 $0xD80  }
0x35f: {  	[spmem:s1] =	stream.indirect.scatter.add.f32 [tilespmem:s7], [sflag:$0x1], $0x1, s28, s6, $0xb8;
	[tilespmem:$0x1980] =	vst v63  }
0x360: {  	s2 =	simm.s32 $0xE00  }
0x361: {  	[spmem:s1] =	stream.indirect.scatter.add.f32 [tilespmem:s7], [sflag:$0x1], $0x1, s2, s6, $0xb8;
	[tilespmem:$0x1980] =	vst v63  }
0x362: {  	s25 =	simm.s32 $0xE80  }
0x363: {  	[spmem:s1] =	stream.indirect.scatter.add.f32 [tilespmem:s7], [sflag:$0x1], $0x1, s25, s6, $0xb8;
	[tilespmem:$0x1980] =	vst v63  }
0x364: {  	s26 =	simm.s32 $0xF00  }
0x365: {  	[spmem:s1] =	stream.indirect.scatter.add.f32 [tilespmem:s7], [sflag:$0x1], $0x1, s26, s6, $0xb8;
	[tilespmem:$0x1980] =	vst v63  }
0x366: {  	s28 =	simm.s32 $0xF80  }
0x367: {  	[spmem:s1] =	stream.indirect.scatter.add.f32 [tilespmem:s7], [sflag:$0x1], $0x1, s28, s6, $0xb8;
	[tilespmem:$0x1980] =	vst v63  }
0x368: {  	_ =	swait.ge [sflag:s14], $0x80  }
0x369: {  	[sflag:s14] =	ssyncset.done $0x0  }
0x36a: {  	[sflag:s14] =	ssyncadd.s32 $0xFFFFFF80  }
0x36b: {  	_ =	swait.ge [sflag:s14], $0x80  }
0x36c: {  	[sflag:s14] =	ssyncset.done $0x0  }
0x36d: {  	[sflag:s14] =	ssyncadd.s32 $0xFFFFFF80  }
0x36e: {  	_ =	swait.ge [sflag:s14], $0x80  }
0x36f: {  	[sflag:s14] =	ssyncset.done $0x0  }
0x370: {  	[sflag:s14] =	ssyncadd.s32 $0xFFFFFF80  }
0x371: {  	_ =	swait.ge [sflag:s14], $0x80  }
0x372: {  	[sflag:s14] =	ssyncset.done $0x0  }
0x373: {  	[sflag:s14] =	ssyncadd.s32 $0xFFFFFF80  }
0x374: {  	_ =	swait.ge [sflag:s14], $0x80  }
0x375: {  	[sflag:s14] =	ssyncset.done $0x0  }
0x376: {  	[sflag:s14] =	ssyncadd.s32 $0xFFFFFF80  }
0x377: {  	_ =	swait.ge [sflag:s14], $0x80  }
0x378: {  	[sflag:s14] =	ssyncset.done $0x0  }
0x379: {  	[sflag:s14] =	ssyncadd.s32 $0xFFFFFF80  }
0x37a: {  	_ =	swait.ge [sflag:s14], $0x80  }
0x37b: {  	[sflag:s14] =	ssyncset.done $0x0  }
0x37c: {  	[sflag:s14] =	ssyncadd.s32 $0xFFFFFF80  }
0x37d: {  	_ =	swait.ge [sflag:s14], $0x80  }
0x37e: {  	[sflag:s14] =	ssyncset.done $0x0  }
0x37f: {  	s2 =	simm.s32 $0x1000;
	[sflag:s14] =	ssyncadd.s32 $0xFFFFFF80  }
0x380: {  	[spmem:s1] =	stream.indirect.scatter.add.f32 [tilespmem:s7], [sflag:$0x1], $0x1, s2, s6, $0xb8;
	[tilespmem:$0x1980] =	vst v63  }
0x381: {  	s25 =	simm.s32 $0x1080  }
0x382: {  	[spmem:s1] =	stream.indirect.scatter.add.f32 [tilespmem:s7], [sflag:$0x1], $0x1, s25, s6, $0xb8;
	[tilespmem:$0x1980] =	vst v63  }
0x383: {  	s26 =	simm.s32 $0x1100  }
0x384: {  	[spmem:s1] =	stream.indirect.scatter.add.f32 [tilespmem:s7], [sflag:$0x1], $0x1, s26, s6, $0xb8;
	[tilespmem:$0x1980] =	vst v63  }
0x385: {  	s28 =	simm.s32 $0x1180  }
0x386: {  	[spmem:s1] =	stream.indirect.scatter.add.f32 [tilespmem:s7], [sflag:$0x1], $0x1, s28, s6, $0xb8;
	[tilespmem:$0x1980] =	vst v63  }
0x387: {  	s2 =	simm.s32 $0x1200  }
0x388: {  	[spmem:s1] =	stream.indirect.scatter.add.f32 [tilespmem:s7], [sflag:$0x1], $0x1, s2, s6, $0xb8;
	[tilespmem:$0x1980] =	vst v63  }
0x389: {  	s25 =	simm.s32 $0x1280  }
0x38a: {  	[spmem:s1] =	stream.indirect.scatter.add.f32 [tilespmem:s7], [sflag:$0x1], $0x1, s25, s6, $0xb8;
	[tilespmem:$0x1980] =	vst v63  }
0x38b: {  	s26 =	simm.s32 $0x1300  }
0x38c: {  	[spmem:s1] =	stream.indirect.scatter.add.f32 [tilespmem:s7], [sflag:$0x1], $0x1, s26, s6, $0xb8;
	[tilespmem:$0x1980] =	vst v63  }
0x38d: {  	s28 =	simm.s32 $0x1380  }
0x38e: {  	[spmem:s1] =	stream.indirect.scatter.add.f32 [tilespmem:s7], [sflag:$0x1], $0x1, s28, s6, $0xb8;
	[tilespmem:$0x1980] =	vst v63  }
0x38f: {  	_ =	swait.ge [sflag:s14], $0x80  }
0x390: {  	[sflag:s14] =	ssyncset.done $0x0  }
0x391: {  	[sflag:s14] =	ssyncadd.s32 $0xFFFFFF80  }
0x392: {  	_ =	swait.ge [sflag:s14], $0x80  }
0x393: {  	[sflag:s14] =	ssyncset.done $0x0  }
0x394: {  	[sflag:s14] =	ssyncadd.s32 $0xFFFFFF80  }
0x395: {  	_ =	swait.ge [sflag:s14], $0x80  }
0x396: {  	[sflag:s14] =	ssyncset.done $0x0  }
0x397: {  	[sflag:s14] =	ssyncadd.s32 $0xFFFFFF80  }
0x398: {  	_ =	swait.ge [sflag:s14], $0x80  }
0x399: {  	[sflag:s14] =	ssyncset.done $0x0  }
0x39a: {  	[sflag:s14] =	ssyncadd.s32 $0xFFFFFF80  }
0x39b: {  	_ =	swait.ge [sflag:s14], $0x80  }
0x39c: {  	[sflag:s14] =	ssyncset.done $0x0  }
0x39d: {  	[sflag:s14] =	ssyncadd.s32 $0xFFFFFF80  }
0x39e: {  	_ =	swait.ge [sflag:s14], $0x80  }
0x39f: {  	[sflag:s14] =	ssyncset.done $0x0  }
0x3a0: {  	[sflag:s14] =	ssyncadd.s32 $0xFFFFFF80  }
0x3a1: {  	_ =	swait.ge [sflag:s14], $0x80  }
0x3a2: {  	[sflag:s14] =	ssyncset.done $0x0  }
0x3a3: {  	[sflag:s14] =	ssyncadd.s32 $0xFFFFFF80  }
0x3a4: {  	_ =	swait.ge [sflag:s14], $0x80  }
0x3a5: {  	[sflag:s14] =	ssyncset.done $0x0  }
0x3a6: {  	[sflag:s14] =	ssyncadd.s32 $0xFFFFFF80  }
0x3a7: {  	[bflag:$0x0] =	sbarrier.arrive $0xFFFF  }
0x3a8: {  	p0 =	sne.s32 s24, $0x1;
	s25 =	rddreg [dreg:$0x9]  }
.Ltmp1:
0x3a9: {  	s26 =	rddreg [dreg:$0x6];
	(pc) =	sbr.rel @p0 .LBB2_2-.Ltmp1, $4  }
0x3aa: {  	s28 =	rddreg [dreg:$0x8]  }
0x3ab: {  	s0 =	rddreg [dreg:$0xb]  }
0x3ac: {  	s24 =	sadd.s32 $0xFFFFFFFF, s24;
	s2 =	rddreg [dreg:$0xc]  }
0x3ad: {  	[hbm:s26@s28], [sflag:s0] =	dma.strided [spmem:s2@s25], $0x50, s14, $0x10   }
.LBB2_3:
0x3ae: {  	_ =	swait.ge [sflag:s4], $0x50  }
0x3af: {  	[sflag:s4] =	ssyncset.done $0x0  }
0x3b0: {  	[sflag:s4] =	ssyncadd.s32 $0xFFFFFFB0  }
0x3b1: {  	_ =	sfence.sel $0x180000  }
0x3b2: {  	[bflag:$0x0] =	sbarrier.arrive $0xFFFF  }
0x3b3: {  	_ =	strace $0x90000047  }
0x3b4: {  	s0 =	stileid.u32;
	[bflag:$0x2] =	sbarrier.arrive $0xFFFF  }
0x3b5: {  	p0 =	sne.s32 s0, $0x0;
	s0 =	rddreg [dreg:$0x3]  }
0x3b6: {  	s0 =	sadd.s32 @!p0 $0x100000, s0  }
0x3b7: {  	[sflag:s0] =	ssyncadd.tile.s32 @!p0 $0x1;
	_ =	shalt  }
.Lfunc_end2:
_tile_overlayer_lowered:
.L_overlay_start_2:
0x3b8: {  	(tag) =	ssettag $0x2  }
0x3b9: {  	s0 =	rddreg [dreg:$0x0];
	s2 =	stileid.u32  }
0x3ba: {  	s1 =	rddreg [dreg:$0x1];
	p0 =	sne.s32 s2, $0x0  }
0x3bb: {  	s3 =	rddreg [dreg:$0x2];
	[bflag:$0x3] =	sbarrier.arrive $0xFFFF;
	s2 =	simm.s32 @!p0 $0x1C02  }
0x3bc: {  	[timem:s3], [sflag:s2] =	dma.local @!p0 [hbm:s0], s1  }
0x3bd: {  	s0 =	simm.s32 @!p0 $0x2  }
0x3be: {  	_ =	swait.ge @!p0 [sflag:s0], s1  }
0x3bf: {  	s1 =	ssub.s32 @!p0 $0x0, s1;
	[sflag:s0] =	ssyncset.done @!p0 $0x0  }
0x3c0: {  	[sflag:s0] =	ssyncadd.s32 @!p0 s1  }
0x3c1: {  	[bflag:$0x3] =	sbarrier.arrive $0xFFFF  }
0x3c2: {  	_ =	shalt  }

// kernel: kernel.9.cloned.1.call-start
scs
__scs_entry_jumppad:
0x0: {  	(pc) =	sbr.rel $0x88, $3  }
0x1: {  	(tag) =	ssettag $0x0;
	lr =	simm.s32 $0x1  }
0x2: {  	[smem:$0x3F9F] =	sst lr;
	_ =	strace $0xD0000000  }
0x3: {  	_ = 	snop  }
0x4: {  	_ = 	snop  }
0x5: {  	_ = 	snop  }
0x6: {  	_ = 	snop  }
0x7: {  	_ = 	snop  }
__scs_overlays_trampoline_lowered:
0x8: {  	[smem:$0x3FAE] =	sst s0  }
0x9: {  	[smem:$0x3FAF] =	sst s1  }
0xa: {  	[smem:$0x3FB0] =	sst s2  }
0xb: {  	[smem:$0x3FB1] =	sst s3  }
0xc: {  	[smem:$0x3FB2] =	sst s4  }
0xd: {  	[smem:$0x3FB3] =	sst s5  }
0xe: {  	[smem:$0x3FB4] =	sst s6  }
0xf: {  	[smem:$0x3FB5] =	sst s7  }
0x10: {  	[smem:$0x3FB6] =	sst s8  }
0x11: {  	[smem:$0x3FB7] =	sst s9;
	s0 =	simm.s32 @!p0 $0x0  }
0x12: {  	s1 =	sld [smem:$0x3F9D];
	s0 =	simm.s32 @p0 $0x1  }
0x13: {  	[smem:$0x3FB8] =	sst s0;
	s0 =	simm.s32 @!p1 $0x0  }
0x14: {  	s2 =	sld [smem:$0x3F9C];
	s0 =	simm.s32 @p1 $0x1  }
0x15: {  	[smem:$0x3FB9] =	sst s0;
	s0 =	simm.s32 @!p2 $0x0  }
0x16: {  	s3 =	sld [smem:$0x3FDB];
	s0 =	simm.s32 @p2 $0x1  }
0x17: {  	s4 =	simm.s32 $0x1BF5;
	[smem:$0x3FBB] =	sst s0  }
0x18: {  	s0 =	sld [smem:$0x3F9E];
	_ =	swait.ge [sflag:s4], $0x0  }
0x19: {  	s7 =	sld [smem:$0x3F9F]  }
0x1a: {  	s8 =	sadd.s32 $0xFFFFE003, lr  }
0x1b: {  	s9 =	sadd.s32 $0xFFFFFEF7, lr;
	s5 =	simm.s32 $0xFFFFFFFF;
	p2 =	slt.u32 s8, $0xFFFFF086  }
0x1c: {  	p1 =	slt.u32 s9, $0xF7A;
	s5 =	simm.s32 @!p2 $0x0  }
0x1d: {  	s5 =	simm.s32 @p1 $0x1;
	p0 =	seq.s32 s7, s2  }
0x1e: {  	s7 =	smul.u32 @!p0 $0xF7A, s2;
	p2 =	seq.s32 @!p0 s5, $0x0  }
0x1f: {  	s9 =	smul.u32 $0xF7A, s1;
	s8 =	simm.s32 @!p0 $0x1BF5;
	p2 =	por !p2, p0  }
0x20: {  	[sflag:s8] =	ssyncset.s32 @!p0 $0xFFFFF086;
	s6 =	sadd.s32 @!p0 s3, s7;
	s7 =	simm.s32 @!p0 $0x108  }
0x21: {  	s3 =	sadd.s32 s3, s9;
	s6 =	sadd.s32 @!p0 $0x88, s6;
	s7 =	simm.s32 @p2 $0x1082  }
0x22: {  	[simem:s7], [sflag:s8] =	dma.local @!p0 [hbm:s6], $0xF7A  }
0x23: {  	s9 =	sor.u32 $0xD0000000, s2;
	s6 =	simm.s32 $0x108;
	_ =	swait.ge @!p0 [sflag:s8], $0x0  }
0x24: {  	s3 =	sadd.s32 $0x88, s3;
	s6 =	simm.s32 @!p1 $0x1082;
	[sflag:s4] =	ssyncset.s32 $0xFFFFF086  }
0x25: {  	[simem:s6], [sflag:s4] =	dma.local [hbm:s3], $0xF7A  }
0x26: {  	[smem:$0x3F9F] =	sst s1;
	(tag) =	ssettag s2;
	_ =	strace s9  }
0x27: {  	s1 =	sld [smem:$0x3FAF]  }
0x28: {  	s2 =	sld [smem:$0x3FB0]  }
0x29: {  	s4 =	sld [smem:$0x3FB2]  }
0x2a: {  	p0 =	seq.s32 s5, $0x0;
	s5 =	sld [smem:$0x3FB3]  }
0x2b: {  	s6 =	sld [smem:$0x3FB4]  }
0x2c: {  	s7 =	sld [smem:$0x3FB5]  }
0x2d: {  	s3 =	simm.s32 $0x108;
	s8 =	sld [smem:$0x3FB6]  }
0x2e: {  	s3 =	simm.s32 @!p0 $0x1082;
	s9 =	sld [smem:$0x3FB7]  }
0x2f: {  	lr =	sadd.s32 s0, s3;
	s0 =	sld [smem:$0x3FAE]  }
0x30: {  	s3 =	sld [smem:$0x3FB1]  }
0x31: {  	[smem:$0x3FBA] =	sst s10  }
0x32: {  	s10 =	sld [smem:$0x3FB8];
	_ =	sdelay $0x3  }
0x33: {  	p0 =	seq.s32 s10, $0x1;
	s10 =	sld [smem:$0x3FBA];
	_ =	sdelay $0x3  }
0x34: {  	[smem:$0x3FBA] =	sst s10  }
0x35: {  	s10 =	sld [smem:$0x3FB9];
	_ =	sdelay $0x3  }
0x36: {  	p1 =	seq.s32 s10, $0x1;
	s10 =	sld [smem:$0x3FBA];
	_ =	sdelay $0x3  }
0x37: {  	[smem:$0x3FBA] =	sst s10  }
0x38: {  	s10 =	sld [smem:$0x3FBB]  }
0x39: {  	_ = 	snop;
	(pc) =	sbr.ind lr, $3  }
0x3a: {  	_ = 	snop  }
0x3b: {  	_ = 	snop  }
0x3c: {  	p2 =	seq.s32 s10, $0x1;
	s10 =	sld [smem:$0x3FBA]  }
0x3d: {  	_ =	shalt  }
0x3e: {  	_ =	shalt  }
0x3f: {  	_ =	shalt  }
0x40: {  	_ =	shalt  }
0x41: {  	_ =	shalt  }
0x42: {  	_ =	shalt  }
0x43: {  	_ =	shalt  }
0x44: {  	_ =	shalt  }
0x45: {  	_ =	shalt  }
0x46: {  	_ =	shalt  }
0x47: {  	_ =	shalt  }
0x48: {  	_ =	shalt  }
0x49: {  	_ =	shalt  }
0x4a: {  	_ =	shalt  }
0x4b: {  	_ =	shalt  }
0x4c: {  	_ =	shalt  }
0x4d: {  	_ =	shalt  }
0x4e: {  	_ =	shalt  }
0x4f: {  	_ =	shalt  }
0x50: {  	_ =	shalt  }
0x51: {  	_ =	shalt  }
0x52: {  	_ =	shalt  }
0x53: {  	_ =	shalt  }
0x54: {  	_ =	shalt  }
0x55: {  	_ =	shalt  }
0x56: {  	_ =	shalt  }
0x57: {  	_ =	shalt  }
0x58: {  	_ =	shalt  }
0x59: {  	_ =	shalt  }
0x5a: {  	_ =	shalt  }
0x5b: {  	_ =	shalt  }
0x5c: {  	_ =	shalt  }
0x5d: {  	_ =	shalt  }
0x5e: {  	_ =	shalt  }
0x5f: {  	_ =	shalt  }
0x60: {  	_ =	shalt  }
0x61: {  	_ =	shalt  }
0x62: {  	_ =	shalt  }
0x63: {  	_ =	shalt  }
0x64: {  	_ =	shalt  }
0x65: {  	_ =	shalt  }
0x66: {  	_ =	shalt  }
0x67: {  	_ =	shalt  }
0x68: {  	_ =	shalt  }
0x69: {  	_ =	shalt  }
0x6a: {  	_ =	shalt  }
0x6b: {  	_ =	shalt  }
0x6c: {  	_ =	shalt  }
0x6d: {  	_ =	shalt  }
0x6e: {  	_ =	shalt  }
0x6f: {  	_ =	shalt  }
0x70: {  	_ =	shalt  }
0x71: {  	_ =	shalt  }
0x72: {  	_ =	shalt  }
0x73: {  	_ =	shalt  }
0x74: {  	_ =	shalt  }
0x75: {  	_ =	shalt  }
0x76: {  	_ =	shalt  }
0x77: {  	_ =	shalt  }
0x78: {  	_ =	shalt  }
0x79: {  	_ =	shalt  }
0x7a: {  	_ =	shalt  }
0x7b: {  	_ =	shalt  }
0x7c: {  	_ =	shalt  }
0x7d: {  	_ =	shalt  }
0x7e: {  	_ =	shalt  }
0x7f: {  	_ =	shalt  }
0x80: {  	_ =	shalt  }
0x81: {  	_ =	shalt  }
0x82: {  	_ =	shalt  }
0x83: {  	_ =	shalt  }
0x84: {  	_ =	shalt  }
0x85: {  	_ =	shalt  }
0x86: {  	_ =	shalt  }
0x87: {  	_ =	shalt  }
.Lfunc_end0:
.L_simem_size_0:
called_computation.1_lowered:
.L_overlay_start_0:
0x88: {  	s2 =	sld [smem:$0x3FD9]  }
0x89: {  	s3 =	sld [smem:$0x3FFE];
	_ =	sdelay $0x1  }
0x8a: {  	s1 =	srdreg.scid  }
0x8b: {  	s0 =	sand.u32 $0x1, s1  }
0x8c: {  	s17 =	sshll.u32 s0, $0xA;
	s2 =	sadd.s32 s3, s2  }
0x8d: {  	s2 =	sadd.s32 s2, s17  }
0x8e: {  	[smem:$0x3FC6] =	sst s2  }
0x8f: {  	_ = 	snop  }
0x90: {  	s2 =	sld [smem:$0x3FD0];
	(tm) =	ssettm $0x1  }
0x91: {  	s18 =	sld [smem:$0x3FFB];
	_ =	sdelay $0x3  }
0x92: {  	_ =	strace s18  }
0x93: {  	s3 =	sld [smem:$0x3FFC];
	_ =	sdelay $0x3  }
0x94: {  	_ =	strace s3  }
0x95: {  	s3 =	sld [smem:$0x3FFD];
	_ =	sdelay $0x3  }
0x96: {  	_ =	strace s3  }
0x97: {  	_ =	strace $0x8FFFFFFF  }
0x98: {  	s19 =	sld [smem:$0x3FDB];
	_ =	sdelay $0x1  }
0x99: {  	s4 =	simm.s32 $_scs_section_size  }
0x9a: {  	s5 =	simm.s32 $_size__tile_overlayer_lowered;
	s6 =	simm.s32 $_tile_overlayer_lowered  }
0x9b: {  	s22 =	simm.s32 $0x1BFF;
	s21 =	sshll.u32 s6, $0x1;
	s3 =	sadd.s32 s4, s19  }
0x9c: {  	s7 =	simm.s32 $0x0;
	s20 =	sshll.u32 s5, $0x1;
	s5 =	sadd.s32 s21, s3  }
0x9d: {  	[timem:s7], [sflag:s22] =	dma.local [hbm:s5], s20  }
0x9e: {  	_ =	swait.ge [sflag:s22], s20  }
0x9f: {  	s4 =	ssub.s32 $0x0, s20;
	[sflag:s22] =	ssyncset.done $0x0  }
0xa0: {  	[sflag:s22] =	ssyncadd.s32 s4;
	_ =	sdelay $0x1  }
0xa1: {  	s23 =	simm.s32 $0x1B8B  }
0xa2: {  	_ =	swait.ge [sflag:s23], $0x1  }
0xa3: {  	[sflag:s23] =	ssyncset.done $0x0  }
0xa4: {  	s25 =	simm.s32 $0x1B8E;
	s24 =	sld [smem:$0x3FFE];
	[sflag:s23] =	ssyncadd.s32 $0xFFFFFFFF  }
0xa5: {  	s26 =	simm.s32 $execute0_lowered;
	[smem:$0x3FD2] =	sst s25  }
0xa6: {  	s5 =	sshll.u32 s26, $0x1;
	_ =	strace $0x80000049;
	[dreg:$0x1] =	wrdreg $0xFFFFFFFF  }
0xa7: {  	s28 =	simm.s32 $_size_execute0_lowered;
	s3 =	sadd.s32 s3, s5;
	[dreg:$0x0] =	wrdreg $0x0  }
0xa8: {  	s5 =	sshll.u32 s28, $0x1;
	[dreg:$0x2] =	wrdreg s3  }
0xa9: {  	[dreg:$0x3] =	wrdreg s5  }
0xaa: {  	[dreg:$0x4] =	wrdreg $0xC0  }
0xab: {  	_ =	task [dreg:s7], $0x5FFFF  }
0xac: {  	[dreg:$0x1] =	wrdreg $0xFFFFFFFF  }
0xad: {  	[dreg:$0x0] =	wrdreg $0x60  }
0xae: {  	[dreg:$0x2] =	wrdreg s2  }
0xaf: {  	[dreg:$0x3] =	wrdreg s24  }
0xb0: {  	[dreg:$0x4] =	wrdreg $0xA8000  }
0xb1: {  	[dreg:$0x5] =	wrdreg $0x9  }
0xb2: {  	_ =	task.clear_ibuf [dreg:s7], $0x6FFFF;
	_ =	strace $0x90000049  }
0xb3: {  	s29 =	simm.s32 $0x9;
	_ =	strace $0x8000004B  }
0xb4: {  	_ =	swait.ge [sflag:s29], $0x1  }
0xb5: {  	[sflag:s29] =	ssyncadd.s32 $0xFFFFFFFF  }
0xb6: {  	_ =	strace $0x9000004B  }
0xb7: {  	_ =	sfence  }
0xb8: {  	s30 =	sld [smem:$0x0];
	_ =	sdelay $0x2  }
0xb9: {  	s31 =	sshll.u32 s1, $0xD;
	s1 =	sshrl.u32 s1, $0x2  }
0xba: {  	s3 =	sand.u32 $0x4000, s31;
	s1 =	sadd.s32 s1, s30  }
0xbb: {  	s0 =	sor.u32 s3, s0;
	s1 =	sshll.u32 s1, $0x11  }
0xbc: {  	s0 =	sor.u32 s1, s0  }
0xbd: {  	s0 =	sadd.s32 $0x8F2B, s0  }
0xbe: {  	[sflag:s0] =	ssyncadd.remote.s32 $0x1  }
0xbf: {  	_ =	sfence.sel $0xFFFF  }
0xc0: {  	[dreg:$0x0] =	wrdreg $0xFFFFFFFF;
	(pc) =	sbr.abs _section_cstart, $3  }
0xc1: {  	[dreg:$0x1] =	wrdreg $0xFFFFFFFF  }
0xc2: {  	_ =	task.clear_ibuf [dreg:s7], $0x2FFFF;
	_ =	strace $0x9FFFFFFF  }
0xc3: {  	(tm) =	ssettm $0x7FFFFFFF  }
tec
execute0_lowered:
.L_overlay_start_1:
0x0: {  	(tag) =	ssettag $0x1  }
0x1: {  	s1 =	rddreg [dreg:$0x0]  }
0x2: {  	s0 =	rddreg [dreg:$0x1];
	s2 =	srdreg.scid  }
0x3: {  	s8 =	stileid.u32;
	s3 =	rddreg [dreg:$0x2]  }
0x4: {  	s4 =	simm.s32 $0x0;
	s28 =	simm.s32 $0x100;
	s29 =	simm.s32 $0x2  }
0x5: {  	s30 =	simm.s32 $0x1480;
	s2 =	sand.u32 $0x1, s2;
	s7 =	smul.u32 $0x50000, s8  }
0x6: {  	s5 =	sshll.u32 s8, $0x1;
	[smem:$0x7FF] =	sst s4;
	s11 =	smul.u32 $0x14000, s8  }
0x7: {  	s5 =	sor.u32 s2, s5;
	s6 =	ssub.s32 $0x2, s2;
	s2 =	smul.u32 $0x140000, s2  }
0x8: {  	s31 =	simm.s32 $0x4;
	_ =	strace $0x8000004A;
	s5 =	smul.u32 $0x2800, s5  }
0x9: {  	s18 =	sshrl.u32 s6, $0x1;
	s19 =	sshrl.u32 s7, $0x2;
	s13 =	sadd.s32 $0x4000, s11  }
0xa: {  	s16 =	sadd.s32 $0x8000, s11;
	s17 =	sadd.s32 $0xC000, s11;
	s12 =	ssub.s32 s6, s18  }
0xb: {  	s6 =	sadd.s32 s13, s3;
	s7 =	sadd.s32 s16, s3;
	s8 =	sadd.s32 s17, s3  }
0xc: {  	s18 =	sadd.s32 $0x10000, s11;
	s11 =	sadd.s32 s11, s2;
	s13 =	sadd.s32 s2, s13  }
0xd: {  	s24 =	sadd.s32 s2, s16;
	s25 =	sadd.s32 s2, s17;
	s5 =	sshrl.u32 s5, $0x3  }
0xe: {  	s9 =	sadd.s32 s18, s3;
	s22 =	sshrl.u32 s11, $0x3;
	s23 =	sshrl.u32 s13, $0x3  }
0xf: {  	s2 =	sadd.s32 s2, s18;
	s26 =	sshrl.u32 s25, $0x3;
	s25 =	simm.s32 $0x1  }
0x10: {  	s11 =	simm.s32 $0x0;
	s10 =	sadd.s32 s5, s0;
	s0 =	sadd.s32 $0x15600, s0  }
0x11: {  	s5 =	sadd.s32 s19, s3;
	s2 =	sshrl.u32 s2, $0x3;
	s19 =	smax.u32 s12, $0x1  }
0x12: {  	s14 =	sadd.s32 $0x1600, s10;
	s20 =	sadd.s32 $0xB600, s10;
	s21 =	sadd.s32 $0x1880, s10  }
0x13: {  	s10 =	sadd.s32 $0xB880, s10;
	s15 =	sadd.s32 s0, s23;
	[dreg:$0x4] =	wrdreg s14  }
0x14: {  	s17 =	sadd.s32 s0, s26;
	s18 =	sadd.s32 s0, s2;
	[dreg:$0x5] =	wrdreg s20  }
0x15: {  	s23 =	simm.s32 $0x80;
	s26 =	simm.s32 $0x3;
	[dreg:$0x6] =	wrdreg s21  }
0x16: {  	s2 =	simm.s32 $0x1380;
	[dreg:$0x7] =	wrdreg s10;
	s10 =	sadd.s32 s0, s22  }
0x17: {  	s20 =	simm.s32 $0x2800;
	s21 =	simm.s32 $0x5;
	s22 =	simm.s32 $0x1400  }
0x18: {  	[dreg:$0x8] =	wrdreg s10;
	s10 =	sshrl.u32 s24, $0x3;
	s24 =	simm.s32 $0x6800  }
0x19: {  	v0 =	vimm.f32 $0.0e+00;
	s16 =	sadd.s32 s0, s10;
	s0 =	simm.s32 $0x2700;
	s10 =	simm.s32 $0x2780  }
.LBB2_1:
0x1a: {  	s12 =	simm.s32 $0x0;
	s13 =	simm.s32 $0x200  }
.LBB2_2:
0x1b: {  	p0 =	sne.s32 s13, $0xFE00;
	[tilespmem:s12+$0x2870] =	vst v0  }
0x1c: {  	[tilespmem:s12+$0x2800] =	vst v0  }
0x1d: {  	[tilespmem:s12+$0x2810] =	vst v0  }
.Ltmp0:
0x1e: {  	[tilespmem:s12+$0x2820] =	vst v0;
	(pc) =	sbr.rel @p0 .LBB2_2-.Ltmp0, $4  }
0x1f: {  	[tilespmem:s12+$0x2830] =	vst v0  }
0x20: {  	[tilespmem:s12+$0x2840] =	vst v0  }
0x21: {  	[tilespmem:s12+$0x2850] =	vst v0  }
0x22: {  	[tilespmem:s12+$0x2860] =	vst v0;
	s12 =	sshra.s32 s13, $0x2;
	s13 =	sadd.s32 $0x200, s13  }
0x23: {  	[tilespmem:s12+$0x2870] =	vst v0  }
0x24: {  	[tilespmem:s12+$0x2800] =	vst v0  }
0x25: {  	[tilespmem:s12+$0x2810] =	vst v0  }
0x26: {  	[tilespmem:s12+$0x2820] =	vst v0  }
0x27: {  	[tilespmem:s12+$0x2830] =	vst v0  }
0x28: {  	[tilespmem:s12+$0x2840] =	vst v0  }
0x29: {  	[tilespmem:s12+$0x2850] =	vst v0  }
0x2a: {  	[tilespmem:s12+$0x2860] =	vst v0  }
0x2b: {  	[spmem:s5] =	stream.linear.scatter [tilespmem:s20], [sflag:$0x5], $0x4000, $0x38;
	[tilespmem:$0x1E800] =	vst v63  }
0x2c: {  	_ =	swait.ge [sflag:s21], $0x4000  }
0x2d: {  	[sflag:s21] =	ssyncset.done $0x0  }
0x2e: {  	[sflag:s21] =	ssyncadd.s32 $0xFFFFC000  }
0x2f: {  	[spmem:s6] =	stream.linear.scatter [tilespmem:s20], [sflag:$0x5], $0x4000, $0x38;
	[tilespmem:$0x1E800] =	vst v63  }
0x30: {  	_ =	swait.ge [sflag:s21], $0x4000  }
0x31: {  	[sflag:s21] =	ssyncset.done $0x0  }
0x32: {  	[sflag:s21] =	ssyncadd.s32 $0xFFFFC000  }
0x33: {  	[spmem:s7] =	stream.linear.scatter [tilespmem:s20], [sflag:$0x5], $0x4000, $0x38;
	[tilespmem:$0x1E800] =	vst v63  }
0x34: {  	_ =	swait.ge [sflag:s21], $0x4000  }
0x35: {  	[sflag:s21] =	ssyncset.done $0x0  }
0x36: {  	[sflag:s21] =	ssyncadd.s32 $0xFFFFC000  }
0x37: {  	[spmem:s8] =	stream.linear.scatter [tilespmem:s20], [sflag:$0x5], $0x4000, $0x38;
	[tilespmem:$0x1E800] =	vst v63  }
0x38: {  	_ =	swait.ge [sflag:s21], $0x4000  }
0x39: {  	[sflag:s21] =	ssyncset.done $0x0  }
0x3a: {  	[sflag:s21] =	ssyncadd.s32 $0xFFFFC000  }
0x3b: {  	[spmem:s9] =	stream.linear.scatter [tilespmem:s20], [sflag:$0x5], $0x4000, $0x38;
	[tilespmem:$0x1E800] =	vst v63  }
0x3c: {  	_ =	swait.ge [sflag:s21], $0x4000  }
0x3d: {  	[sflag:s21] =	ssyncset.done $0x0  }
0x3e: {  	[sflag:s21] =	ssyncadd.s32 $0xFFFFC000  }
0x3f: {  	[bflag:$0x0] =	sbarrier.arrive $0xFFFF  }
0x40: {  	s14 =	rddreg [dreg:$0x4]  }
0x41: {  	[tilespmem:s4], [sflag:$0x5] =	stream.linear.gather [hbm4b:s14+s4], $0x1400, $0x38;
	[tilespmem:$0x1E800] =	vst v63  }
0x42: {  	_ =	swait.ge [sflag:s21], $0x1400  }
0x43: {  	[sflag:s21] =	ssyncset.done $0x0  }
0x44: {  	s13 =	rddreg [dreg:$0x5];
	[sflag:s21] =	ssyncadd.s32 $0xFFFFEC00  }
0x45: {  	[tilespmem:s22], [sflag:$0x5] =	stream.linear.gather [hbm4b:s13+s4], $0x1400, $0x38;
	[tilespmem:$0x1E800] =	vst v63  }
0x46: {  	_ =	swait.ge [sflag:s21], $0x1400  }
0x47: {  	[sflag:s21] =	ssyncset.done $0x0  }
0x48: {  	[sflag:s21] =	ssyncadd.s32 $0xFFFFEC00  }
0x49: {  	[tilespmem:s20], [sflag:$0x1] =	stream.indirect.gather [hbm4b:s1+s23], $0x80, s4, s23, $0xb8;
	[tilespmem:$0x1E800] =	vst v63  }
0x4a: {  	_ = 	snop  }
0x4b: {  	[tilespmem:s24], [sflag:$0x2] =	stream.indirect.gather [hbm4b:s1+s23], $0x80, s23, s23, $0xb8;
	[tilespmem:$0x1E800] =	vst v63  }
0x4c: {  	_ =	swait.ge [sflag:s25], $0x4000  }
0x4d: {  	[sflag:s25] =	ssyncset.done $0x0  }
0x4e: {  	[sflag:s25] =	ssyncadd.s32 $0xFFFFC000  }
0x4f: {  	[spmem:s3] =	stream.indirect.scatter.add.f32 [tilespmem:s20], [sflag:$0x3], $0x80, s22, s23, $0xb8;
	[tilespmem:$0x1E800] =	vst v63  }
0x50: {  	_ =	swait.ge [sflag:s26], $0x4000  }
0x51: {  	[sflag:s26] =	ssyncset.done $0x0  }
0x52: {  	[sflag:s26] =	ssyncadd.s32 $0xFFFFC000  }
0x53: {  	[tilespmem:s20], [sflag:$0x1] =	stream.indirect.gather [hbm4b:s1+s23], $0x80, s28, s23, $0xb8;
	[tilespmem:$0x1E800] =	vst v63  }
0x54: {  	_ =	swait.ge [sflag:s29], $0x4000  }
0x55: {  	[sflag:s29] =	ssyncset.done $0x0  }
0x56: {  	[sflag:s29] =	ssyncadd.s32 $0xFFFFC000  }
0x57: {  	[spmem:s3] =	stream.indirect.scatter.add.f32 [tilespmem:s24], [sflag:$0x4], $0x80, s30, s23, $0xb8;
	[tilespmem:$0x1E800] =	vst v63  }
0x58: {  	_ =	swait.ge [sflag:s31], $0x4000  }
0x59: {  	[sflag:s31] =	ssyncset.done $0x0  }
0x5a: {  	s14 =	simm.s32 $0x180;
	[sflag:s31] =	ssyncadd.s32 $0xFFFFC000  }
0x5b: {  	[tilespmem:s24], [sflag:$0x2] =	stream.indirect.gather [hbm4b:s1+s23], $0x80, s14, s23, $0xb8;
	[tilespmem:$0x1E800] =	vst v63  }
0x5c: {  	_ =	swait.ge [sflag:s25], $0x4000  }
0x5d: {  	[sflag:s25] =	ssyncset.done $0x0  }
0x5e: {  	s13 =	simm.s32 $0x1500;
	[sflag:s25] =	ssyncadd.s32 $0xFFFFC000  }
0x5f: {  	[spmem:s3] =	stream.indirect.scatter.add.f32 [tilespmem:s20], [sflag:$0x3], $0x80, s13, s23, $0xb8;
	[tilespmem:$0x1E800] =	vst v63  }
0x60: {  	_ =	swait.ge [sflag:s26], $0x4000  }
0x61: {  	[sflag:s26] =	ssyncset.done $0x0  }
0x62: {  	s14 =	simm.s32 $0x200;
	[sflag:s26] =	ssyncadd.s32 $0xFFFFC000  }
0x63: {  	[tilespmem:s20], [sflag:$0x1] =	stream.indirect.gather [hbm4b:s1+s23], $0x80, s14, s23, $0xb8;
	[tilespmem:$0x1E800] =	vst v63  }
0x64: {  	_ =	swait.ge [sflag:s29], $0x4000  }
0x65: {  	[sflag:s29] =	ssyncset.done $0x0  }
0x66: {  	s12 =	simm.s32 $0xFFFFBC00;
	s13 =	simm.s32 $0x1580;
	[sflag:s29] =	ssyncadd.s32 $0xFFFFC000  }
.LBB2_4:
0x67: {  	[spmem:s3] =	stream.indirect.scatter.add.f32 [tilespmem:s24], [sflag:$0x4], $0x80, s13, s23, $0xb8;
	[tilespmem:$0x1E800] =	vst v63  }
0x68: {  	s13 =	smov.u32 s12  }
0x69: {  	p0 =	sne.s32 s12, $0xFFFFFC00;
	s12 =	sadd.s32 $0x400, s12;
	_ =	swait.ge [sflag:s31], $0x4000  }
0x6a: {  	s13 =	sshra.s32 s13, $0x2;
	[sflag:s31] =	ssyncset.done $0x0  }
0x6b: {  	s14 =	sadd.s32 $0x1380, s13;
	[sflag:s31] =	ssyncadd.s32 $0xFFFFC000  }
0x6c: {  	[tilespmem:s24], [sflag:$0x2] =	stream.indirect.gather [hbm4b:s1+s23], $0x80, s14, s23, $0xb8;
	[tilespmem:$0x1E800] =	vst v63  }
0x6d: {  	_ =	swait.ge [sflag:s25], $0x4000  }
0x6e: {  	[sflag:s25] =	ssyncset.done $0x0  }
0x6f: {  	s14 =	sadd.s32 $0x2700, s13;
	[sflag:s25] =	ssyncadd.s32 $0xFFFFC000  }
0x70: {  	[spmem:s3] =	stream.indirect.scatter.add.f32 [tilespmem:s20], [sflag:$0x3], $0x80, s14, s23, $0xb8;
	[tilespmem:$0x1E800] =	vst v63  }
0x71: {  	_ =	swait.ge [sflag:s26], $0x4000  }
0x72: {  	[sflag:s26] =	ssyncset.done $0x0  }
.Ltmp1:
0x73: {  	s14 =	sadd.s32 $0x1400, s13;
	[sflag:s26] =	ssyncadd.s32 $0xFFFFC000;
	(pc) =	sbr.rel @p0 .LBB2_4-.Ltmp1, $4  }
0x74: {  	[tilespmem:s20], [sflag:$0x1] =	stream.indirect.gather [hbm4b:s1+s23], $0x80, s14, s23, $0xb8;
	[tilespmem:$0x1E800] =	vst v63  }
0x75: {  	_ =	swait.ge [sflag:s29], $0x4000  }
0x76: {  	[sflag:s29] =	ssyncset.done $0x0  }
0x77: {  	s13 =	sadd.s32 $0x2780, s13;
	[sflag:s29] =	ssyncadd.s32 $0xFFFFC000  }
0x78: {  	[spmem:s3] =	stream.indirect.scatter.add.f32 [tilespmem:s24], [sflag:$0x4], $0x80, s13, s23, $0xb8;
	[tilespmem:$0x1E800] =	vst v63  }
0x79: {  	_ =	swait.ge [sflag:s31], $0x4000  }
0x7a: {  	[sflag:s31] =	ssyncset.done $0x0  }
0x7b: {  	[sflag:s31] =	ssyncadd.s32 $0xFFFFC000  }
0x7c: {  	[tilespmem:s24], [sflag:$0x2] =	stream.indirect.gather [hbm4b:s1+s23], $0x80, s2, s23, $0xb8;
	[tilespmem:$0x1E800] =	vst v63  }
0x7d: {  	_ =	swait.ge [sflag:s25], $0x4000  }
0x7e: {  	[sflag:s25] =	ssyncset.done $0x0  }
0x7f: {  	[sflag:s25] =	ssyncadd.s32 $0xFFFFC000  }
0x80: {  	[spmem:s3] =	stream.indirect.scatter.add.f32 [tilespmem:s20], [sflag:$0x3], $0x80, s0, s23, $0xb8;
	[tilespmem:$0x1E800] =	vst v63  }
0x81: {  	_ =	swait.ge [sflag:s26], $0x4000  }
0x82: {  	[sflag:s26] =	ssyncset.done $0x0  }
0x83: {  	[sflag:s26] =	ssyncadd.s32 $0xFFFFC000  }
0x84: {  	_ =	swait.ge [sflag:s29], $0x4000  }
0x85: {  	[sflag:s29] =	ssyncset.done $0x0  }
0x86: {  	[sflag:s29] =	ssyncadd.s32 $0xFFFFC000  }
0x87: {  	[spmem:s3] =	stream.indirect.scatter.add.f32 [tilespmem:s24], [sflag:$0x4], $0x80, s10, s23, $0xb8;
	[tilespmem:$0x1E800] =	vst v63  }
0x88: {  	_ =	swait.ge [sflag:s31], $0x4000  }
0x89: {  	[sflag:s31] =	ssyncset.done $0x0  }
0x8a: {  	s12 =	rddreg [dreg:$0x6];
	[sflag:s31] =	ssyncadd.s32 $0xFFFFC000  }
0x8b: {  	[tilespmem:s4], [sflag:$0x5] =	stream.linear.gather [hbm4b:s12+s4], $0x1400, $0x38;
	[tilespmem:$0x1E800] =	vst v63  }
0x8c: {  	_ =	swait.ge [sflag:s21], $0x1400  }
0x8d: {  	[sflag:s21] =	ssyncset.done $0x0  }
0x8e: {  	s13 =	rddreg [dreg:$0x7];
	[sflag:s21] =	ssyncadd.s32 $0xFFFFEC00  }
0x8f: {  	[tilespmem:s22], [sflag:$0x5] =	stream.linear.gather [hbm4b:s13+s4], $0x1400, $0x38;
	[tilespmem:$0x1E800] =	vst v63  }
0x90: {  	_ =	swait.ge [sflag:s21], $0x1400  }
0x91: {  	[sflag:s21] =	ssyncset.done $0x0  }
0x92: {  	[sflag:s21] =	ssyncadd.s32 $0xFFFFEC00  }
0x93: {  	[tilespmem:s20], [sflag:$0x1] =	stream.indirect.gather [hbm4b:s1+s23], $0x80, s4, s23, $0xb8;
	[tilespmem:$0x1E800] =	vst v63  }
0x94: {  	_ = 	snop  }
0x95: {  	[tilespmem:s24], [sflag:$0x2] =	stream.indirect.gather [hbm4b:s1+s23], $0x80, s23, s23, $0xb8;
	[tilespmem:$0x1E800] =	vst v63  }
0x96: {  	_ =	swait.ge [sflag:s25], $0x4000  }
0x97: {  	[sflag:s25] =	ssyncset.done $0x0  }
0x98: {  	[sflag:s25] =	ssyncadd.s32 $0xFFFFC000  }
0x99: {  	[spmem:s3] =	stream.indirect.scatter.add.f32 [tilespmem:s20], [sflag:$0x3], $0x80, s22, s23, $0xb8;
	[tilespmem:$0x1E800] =	vst v63  }
0x9a: {  	_ =	swait.ge [sflag:s26], $0x4000  }
0x9b: {  	[sflag:s26] =	ssyncset.done $0x0  }
0x9c: {  	[sflag:s26] =	ssyncadd.s32 $0xFFFFC000  }
0x9d: {  	[tilespmem:s20], [sflag:$0x1] =	stream.indirect.gather [hbm4b:s1+s23], $0x80, s28, s23, $0xb8;
	[tilespmem:$0x1E800] =	vst v63  }
0x9e: {  	_ =	swait.ge [sflag:s29], $0x4000  }
0x9f: {  	[sflag:s29] =	ssyncset.done $0x0  }
0xa0: {  	[sflag:s29] =	ssyncadd.s32 $0xFFFFC000  }
0xa1: {  	[spmem:s3] =	stream.indirect.scatter.add.f32 [tilespmem:s24], [sflag:$0x4], $0x80, s30, s23, $0xb8;
	[tilespmem:$0x1E800] =	vst v63  }
0xa2: {  	_ =	swait.ge [sflag:s31], $0x4000  }
0xa3: {  	[sflag:s31] =	ssyncset.done $0x0  }
0xa4: {  	s14 =	simm.s32 $0x180;
	[sflag:s31] =	ssyncadd.s32 $0xFFFFC000  }
0xa5: {  	[tilespmem:s24], [sflag:$0x2] =	stream.indirect.gather [hbm4b:s1+s23], $0x80, s14, s23, $0xb8;
	[tilespmem:$0x1E800] =	vst v63  }
0xa6: {  	_ =	swait.ge [sflag:s25], $0x4000  }
0xa7: {  	[sflag:s25] =	ssyncset.done $0x0  }
0xa8: {  	s13 =	simm.s32 $0x1500;
	[sflag:s25] =	ssyncadd.s32 $0xFFFFC000  }
0xa9: {  	[spmem:s3] =	stream.indirect.scatter.add.f32 [tilespmem:s20], [sflag:$0x3], $0x80, s13, s23, $0xb8;
	[tilespmem:$0x1E800] =	vst v63  }
0xaa: {  	_ =	swait.ge [sflag:s26], $0x4000  }
0xab: {  	[sflag:s26] =	ssyncset.done $0x0  }
0xac: {  	s14 =	simm.s32 $0x200;
	[sflag:s26] =	ssyncadd.s32 $0xFFFFC000  }
0xad: {  	[tilespmem:s20], [sflag:$0x1] =	stream.indirect.gather [hbm4b:s1+s23], $0x80, s14, s23, $0xb8;
	[tilespmem:$0x1E800] =	vst v63  }
0xae: {  	_ =	swait.ge [sflag:s29], $0x4000  }
0xaf: {  	[sflag:s29] =	ssyncset.done $0x0  }
0xb0: {  	s12 =	simm.s32 $0xFFFFBC00;
	s13 =	simm.s32 $0x1580;
	[sflag:s29] =	ssyncadd.s32 $0xFFFFC000  }
.LBB2_6:
0xb1: {  	[spmem:s3] =	stream.indirect.scatter.add.f32 [tilespmem:s24], [sflag:$0x4], $0x80, s13, s23, $0xb8;
	[tilespmem:$0x1E800] =	vst v63  }
0xb2: {  	s13 =	smov.u32 s12  }
0xb3: {  	p0 =	sne.s32 s12, $0xFFFFFC00;
	s12 =	sadd.s32 $0x400, s12;
	_ =	swait.ge [sflag:s31], $0x4000  }
0xb4: {  	s13 =	sshra.s32 s13, $0x2;
	[sflag:s31] =	ssyncset.done $0x0  }
0xb5: {  	s14 =	sadd.s32 $0x1380, s13;
	[sflag:s31] =	ssyncadd.s32 $0xFFFFC000  }
0xb6: {  	[tilespmem:s24], [sflag:$0x2] =	stream.indirect.gather [hbm4b:s1+s23], $0x80, s14, s23, $0xb8;
	[tilespmem:$0x1E800] =	vst v63  }
0xb7: {  	_ =	swait.ge [sflag:s25], $0x4000  }
0xb8: {  	[sflag:s25] =	ssyncset.done $0x0  }
0xb9: {  	s14 =	sadd.s32 $0x2700, s13;
	[sflag:s25] =	ssyncadd.s32 $0xFFFFC000  }
0xba: {  	[spmem:s3] =	stream.indirect.scatter.add.f32 [tilespmem:s20], [sflag:$0x3], $0x80, s14, s23, $0xb8;
	[tilespmem:$0x1E800] =	vst v63  }
0xbb: {  	_ =	swait.ge [sflag:s26], $0x4000  }
0xbc: {  	[sflag:s26] =	ssyncset.done $0x0  }
.Ltmp2:
0xbd: {  	s14 =	sadd.s32 $0x1400, s13;
	[sflag:s26] =	ssyncadd.s32 $0xFFFFC000;
	(pc) =	sbr.rel @p0 .LBB2_6-.Ltmp2, $4  }
0xbe: {  	[tilespmem:s20], [sflag:$0x1] =	stream.indirect.gather [hbm4b:s1+s23], $0x80, s14, s23, $0xb8;
	[tilespmem:$0x1E800] =	vst v63  }
0xbf: {  	_ =	swait.ge [sflag:s29], $0x4000  }
0xc0: {  	[sflag:s29] =	ssyncset.done $0x0  }
0xc1: {  	s13 =	sadd.s32 $0x2780, s13;
	[sflag:s29] =	ssyncadd.s32 $0xFFFFC000  }
0xc2: {  	[spmem:s3] =	stream.indirect.scatter.add.f32 [tilespmem:s24], [sflag:$0x4], $0x80, s13, s23, $0xb8;
	[tilespmem:$0x1E800] =	vst v63  }
0xc3: {  	_ =	swait.ge [sflag:s31], $0x4000  }
0xc4: {  	[sflag:s31] =	ssyncset.done $0x0  }
0xc5: {  	[sflag:s31] =	ssyncadd.s32 $0xFFFFC000  }
0xc6: {  	[tilespmem:s24], [sflag:$0x2] =	stream.indirect.gather [hbm4b:s1+s23], $0x80, s2, s23, $0xb8;
	[tilespmem:$0x1E800] =	vst v63  }
0xc7: {  	_ =	swait.ge [sflag:s25], $0x4000  }
0xc8: {  	[sflag:s25] =	ssyncset.done $0x0  }
0xc9: {  	[sflag:s25] =	ssyncadd.s32 $0xFFFFC000  }
0xca: {  	[spmem:s3] =	stream.indirect.scatter.add.f32 [tilespmem:s20], [sflag:$0x3], $0x80, s0, s23, $0xb8;
	[tilespmem:$0x1E800] =	vst v63  }
0xcb: {  	_ =	swait.ge [sflag:s26], $0x4000  }
0xcc: {  	[sflag:s26] =	ssyncset.done $0x0  }
0xcd: {  	[sflag:s26] =	ssyncadd.s32 $0xFFFFC000  }
0xce: {  	_ =	swait.ge [sflag:s29], $0x4000  }
0xcf: {  	[sflag:s29] =	ssyncset.done $0x0  }
0xd0: {  	[sflag:s29] =	ssyncadd.s32 $0xFFFFC000  }
0xd1: {  	[spmem:s3] =	stream.indirect.scatter.add.f32 [tilespmem:s24], [sflag:$0x4], $0x80, s10, s23, $0xb8;
	[tilespmem:$0x1E800] =	vst v63  }
0xd2: {  	_ =	swait.ge [sflag:s31], $0x4000  }
0xd3: {  	[sflag:s31] =	ssyncset.done $0x0  }
0xd4: {  	s12 =	stileid.u32;
	[sflag:s31] =	ssyncadd.s32 $0xFFFFC000  }
0xd5: {  	s12 =	sshll.u32 s12, $0x6;
	[bflag:$0x0] =	sbarrier.arrive $0xFFFF  }
0xd6: {  	s13 =	sshrl.u32 s5, $0x3;
	s12 =	sor.u32 $0x1C05, s12;
	s14 =	rddreg [dreg:$0x8]  }
0xd7: {  	[hbm:s14], [sflag:s12] =	dma.local [spmem:s13], $0x800  }
0xd8: {  	_ =	swait.ge [sflag:s21], $0x800  }
0xd9: {  	[sflag:s21] =	ssyncset.done $0x0  }
0xda: {  	s14 =	sshrl.u32 s6, $0x3;
	[sflag:s21] =	ssyncadd.s32 $0xFFFFF800  }
0xdb: {  	[hbm:s15], [sflag:s12] =	dma.local [spmem:s14], $0x800  }
0xdc: {  	_ =	swait.ge [sflag:s21], $0x800  }
0xdd: {  	[sflag:s21] =	ssyncset.done $0x0  }
0xde: {  	s14 =	sshrl.u32 s7, $0x3;
	[sflag:s21] =	ssyncadd.s32 $0xFFFFF800  }
0xdf: {  	[hbm:s16], [sflag:s12] =	dma.local [spmem:s14], $0x800  }
0xe0: {  	_ =	swait.ge [sflag:s21], $0x800  }
0xe1: {  	[sflag:s21] =	ssyncset.done $0x0  }
0xe2: {  	s14 =	sshrl.u32 s8, $0x3;
	[sflag:s21] =	ssyncadd.s32 $0xFFFFF800  }
0xe3: {  	[hbm:s17], [sflag:s12] =	dma.local [spmem:s14], $0x800  }
0xe4: {  	s11 =	sadd.s32 $0x1, s11;
	_ =	swait.ge [sflag:s21], $0x800  }
0xe5: {  	p0 =	sne.s32 s11, s19;
	[sflag:s21] =	ssyncset.done $0x0  }
.Ltmp3:
0xe6: {  	s14 =	sshrl.u32 s9, $0x3;
	[sflag:s21] =	ssyncadd.s32 $0xFFFFF800;
	(pc) =	sbr.rel @p0 .LBB2_1-.Ltmp3, $4  }
0xe7: {  	[hbm:s18], [sflag:s12] =	dma.local [spmem:s14], $0x800  }
0xe8: {  	_ =	swait.ge [sflag:s21], $0x800  }
0xe9: {  	[sflag:s21] =	ssyncset.done $0x0  }
0xea: {  	[sflag:s21] =	ssyncadd.s32 $0xFFFFF800  }
0xeb: {  	_ =	sfence.sel $0x180000  }
0xec: {  	[bflag:$0x0] =	sbarrier.arrive $0xFFFF  }
0xed: {  	_ =	strace $0x9000004A  }
0xee: {  	s0 =	stileid.u32;
	[bflag:$0x2] =	sbarrier.arrive $0xFFFF  }
0xef: {  	p0 =	sne.s32 s0, $0x0;
	s0 =	rddreg [dreg:$0x3]  }
0xf0: {  	s0 =	sadd.s32 @!p0 $0x100000, s0  }
0xf1: {  	[sflag:s0] =	ssyncadd.tile.s32 @!p0 $0x1;
	_ =	shalt  }
.Lfunc_end2:
_tile_overlayer_lowered:
.L_overlay_start_2:
0xf2: {  	(tag) =	ssettag $0x2  }
0xf3: {  	s0 =	rddreg [dreg:$0x0];
	s2 =	stileid.u32  }
0xf4: {  	s1 =	rddreg [dreg:$0x1];
	p0 =	sne.s32 s2, $0x0  }
0xf5: {  	s3 =	rddreg [dreg:$0x2];
	[bflag:$0x3] =	sbarrier.arrive $0xFFFF;
	s2 =	simm.s32 @!p0 $0x1C05  }
0xf6: {  	[timem:s3], [sflag:s2] =	dma.local @!p0 [hbm:s0], s1  }
0xf7: {  	s0 =	simm.s32 @!p0 $0x5  }
0xf8: {  	_ =	swait.ge @!p0 [sflag:s0], s1  }
0xf9: {  	s1 =	ssub.s32 @!p0 $0x0, s1;
	[sflag:s0] =	ssyncset.done @!p0 $0x0  }
0xfa: {  	[sflag:s0] =	ssyncadd.s32 @!p0 s1  }
0xfb: {  	[bflag:$0x3] =	sbarrier.arrive $0xFFFF  }
0xfc: {  	_ =	shalt  }

</sc_bundles>
